<compile_context>
chip_gen: v7x
topology: tpu7x:2x2x1
jax: 0.10.2.dev20260603
libtpu: 0.0.44.dev20260713+nightly
codegen_flags: <defaults>
</compile_context>

<pallas_src>
import functools

import jax
import jax.numpy as jnp
from jax import lax
from jax.experimental import pallas as pl
from jax.experimental.pallas import tpu as pltpu
from jax.experimental.pallas import tpu_sc as plsc

_EMB = 64
_SCALE = 8.0
_NC, _NS = 2, 16
_NW = _NC * _NS
_T = 200
_BATCH = 4096
_BB = _BATCH // _NW
_HB = _BATCH // 2
_NSEG = 4
_TSEG = _T // _NSEG

_mesh = plsc.VectorSubcoreMesh(core_axis_name="c", subcore_axis_name="s")


_VOCAB2 = 2 * 1000000


def _make_sc_gather(t0):
    @functools.partial(
        pl.kernel,
        out_type=jax.ShapeDtypeStruct((_TSEG * _HB, 2 * _EMB), jnp.float32),
        mesh=_mesh,
        scratch_types=[
            pltpu.VMEM((_TSEG, _BB), jnp.int32),
            pltpu.VMEM((2, _BB, _EMB), jnp.float32),
            pltpu.SemaphoreType.DMA,
            pltpu.SemaphoreType.DMA,
            pltpu.SemaphoreType.DMA,
            pltpu.SemaphoreType.DMA,
        ],
        compiler_params=pltpu.CompilerParams(
            use_tc_tiling_on_sc=False, needs_layout_passes=False
        ),
        name=f"sc_gather_seg{t0}",
    )
    def _sc_gather(table_hbm, tok_hbm, i_hbm, idx_v, rows_v, g0, g1, w0, w1):
        gs = (g0, g1)
        ws = (w0, w1)
        wid = lax.axis_index("s") * _NC + lax.axis_index("c")
        b0 = wid * _BB
        half = wid // (_NW // 2)
        boff = b0 - half * _HB
        coloff = half * _EMB

        pltpu.sync_copy(
            tok_hbm.at[pl.ds(t0, _TSEG), pl.ds(b0, _BB)], idx_v
        )

        def g_copy(t, b):
            return pltpu.make_async_copy(
                table_hbm.at[idx_v.at[t]], rows_v.at[b], gs[b]
            )

        def w_copy(t, b):
            return pltpu.make_async_copy(
                rows_v.at[b],
                i_hbm.at[pl.ds(t * _HB + boff, _BB), pl.ds(coloff, _EMB)],
                ws[b],
            )

        g_copy(0, 0).start()
        g_copy(1, 1).start()

        @pl.loop(0, _TSEG, step=2)
        def _pair(tp):
            for b in range(2):
                t = tp + b
                g_copy(t, b).wait()
                w_copy(t, b).start()

                @pl.when(t + 2 < _TSEG)
                def _():
                    w_copy(t, b).wait()
                    g_copy(t + 2, b).start()

        w_copy(_TSEG - 2, 0).wait()
        w_copy(_TSEG - 1, 1).wait()

    return _sc_gather


_SC_GATHERS = [_make_sc_gather(q * _TSEG) for q in range(_NSEG)]


def _tc_body(x_ref, o_ref):
    x = x_ref[...]
    o_ref[0, :, 0:_HB] = x[:, :_EMB].T * _SCALE
    o_ref[0, :, _HB:] = x[:, _EMB:].T * _SCALE


def _tc_body_alias(x_ref, _oprev_ref, o_ref):
    _tc_body(x_ref, o_ref)


_OUT_SHAPE = jax.ShapeDtypeStruct((_T, _EMB, _BATCH), jnp.float32)


def _make_tc_first():
    return pl.pallas_call(
        _tc_body,
        grid=(_TSEG,),
        in_specs=[pl.BlockSpec((_HB, 2 * _EMB), lambda t: (t, 0))],
        out_specs=pl.BlockSpec((1, _EMB, _BATCH), lambda t: (t, 0, 0)),
        out_shape=_OUT_SHAPE,
        name="tc_transpose_seg0",
    )


def _make_tc_alias(q):
    t_base = q * _TSEG
    return pl.pallas_call(
        _tc_body_alias,
        grid=(_TSEG,),
        in_specs=[
            pl.BlockSpec((_HB, 2 * _EMB), lambda t: (t, 0)),
            pl.BlockSpec(memory_space=pl.ANY),
        ],
        out_specs=pl.BlockSpec(
            (1, _EMB, _BATCH), lambda t: (t_base + t, 0, 0)
        ),
        out_shape=_OUT_SHAPE,
        input_output_aliases={1: 0},
        name=f"tc_transpose_seg{q}",
    )


_TC_FIRST = _make_tc_first()
_TC_ALIAS = [_make_tc_alias(q) for q in range(1, _NSEG)]


def kernel(tokens, table):
    tab2 = jnp.pad(table, ((0, 0), (0, _EMB))).reshape(_VOCAB2, _EMB)
    tok2d = tokens.T * 2
    segs = [_SC_GATHERS[q](tab2, tok2d) for q in range(_NSEG)]
    out_t = _TC_FIRST(segs[0])
    for q in range(1, _NSEG):
        out_t = _TC_ALIAS[q - 1](segs[q], out_t)
    return jnp.transpose(out_t, (2, 0, 1))

# --- scband reference (transcript-rebuilt; emitter-appended) ---
"""Pipeline reference for scband-token-embedding-33251636805699 (READ-ONLY COPY).

The authoritative reference and input builder live on the scoring server;
editing this copy changes nothing except your own understanding.
"""

import jax, jax.numpy as jnp
import numpy as np
import math

VOCAB = 1000000
EMB = 64

def setup_inputs(seed: int = 0) -> dict:
    key = jax.random.key(seed)
    k1, k2 = jax.random.split(key)
    tokens = jax.random.randint(k1, (4096, 200), 0, VOCAB, dtype=jnp.int64 if jax.config.jax_enable_x64 else jnp.int32)
    table = jax.random.normal(k2, (VOCAB, EMB), dtype=jnp.float32)
    return {"tokens": tokens, "table": table}

def reference(tokens, table):
    # TokenEmbedding.forward: embedding(tokens.long()) * sqrt(emb_size)
    emb = jnp.take(table, tokens, axis=0)
    return emb * math.sqrt(EMB)

if __name__ == "__main__":
    import jax
    _d = setup_inputs()
    print(jax.jit(kernel)(*tuple(_d.values())))

</pallas_src>

<mosaic_0001>
#map = affine_map<(d0, d1) -> (0, 0)>
module attributes {stable_mosaic.version = 14 : i64} {
  func.func @sc_gather_seg50(%arg0: i32, %arg1: i32, %arg2: memref<2000000x64xf32, #tpu.memory_space<hbm>>, %arg3: memref<200x4096xi32, #tpu.memory_space<hbm>>, %arg4: memref<102400x128xf32, #tpu.memory_space<hbm>>, %arg5: memref<50x128xi32, #tpu.memory_space<vmem>>, %arg6: memref<2x128x64xf32, #tpu.memory_space<vmem>>, %arg7: memref<!tpu.dma_semaphore, #tpu.memory_space<semaphore_mem>>, %arg8: memref<!tpu.dma_semaphore, #tpu.memory_space<semaphore_mem>>, %arg9: memref<!tpu.dma_semaphore, #tpu.memory_space<semaphore_mem>>, %arg10: memref<!tpu.dma_semaphore, #tpu.memory_space<semaphore_mem>>) attributes {dimension_semantics = [#tpu.dimension_semantics<core_parallel>, #tpu.dimension_semantics<subcore_parallel>], iteration_bounds = array<i64: 2, 16>, scalar_prefetch = 0 : i64, scratch_operands = 6 : i64, tpu.core_type = #tpu.core_type<sc_vector_subcore>, window_params = [{transform_indices = #map}, {transform_indices = #map}, {transform_indices = #map}]} {
    %mul3A = arith.constant 2 : i32
    %mul3A_0 = arith.muli %arg1, %mul3A : i32
    %add3A = arith.addi %mul3A_0, %arg0 : i32
    %mul3A_1 = arith.constant 128 : i32
    %mul3A_2 = arith.muli %add3A, %mul3A_1 : i32
    %jit3A = arith.constant 16 : i32
    %div3A = arith.divsi %add3A, %jit3A : i32
    %sign3A = arith.constant 0 : i32
    %sign3A_3 = arith.cmpi sgt, %add3A, %sign3A : i32
    %sign3A_4 = arith.extui %sign3A_3 : i1 to i32
    %sign3A_5 = arith.constant 0 : i32
    %sign3A_6 = arith.cmpi slt, %add3A, %sign3A_5 : i32
    %sign3A_7 = arith.extui %sign3A_6 : i1 to i32
    %sign3A_8 = arith.subi %sign3A_4, %sign3A_7 : i32
    %sign3A_9 = arith.constant 0 : i32
    %sign3A_10 = arith.cmpi sgt, %jit3A, %sign3A_9 : i32
    %sign3A_11 = arith.extui %sign3A_10 : i1 to i32
    %sign3A_12 = arith.constant 0 : i32
    %sign3A_13 = arith.cmpi slt, %jit3A, %sign3A_12 : i32
    %sign3A_14 = arith.extui %sign3A_13 : i1 to i32
    %sign3A_15 = arith.subi %sign3A_11, %sign3A_14 : i32
    %ne3A = arith.cmpi ne, %sign3A_8, %sign3A_15 : i32
    %rem3A = arith.remsi %add3A, %jit3A : i32
    %ne3A_16 = arith.constant 0 : i32
    %ne3A_17 = arith.cmpi ne, %rem3A, %ne3A_16 : i32
    %and3A = arith.andi %ne3A, %ne3A_17 : i1
    %sub3A = arith.constant 1 : i32
    %sub3A_18 = arith.subi %div3A, %sub3A : i32
    %select_n3A = arith.select %and3A, %sub3A_18, %div3A : i32
    %mul3A_19 = arith.constant 2048 : i32
    %mul3A_20 = arith.muli %select_n3A, %mul3A_19 : i32
    %sub3A_21 = arith.subi %mul3A_2, %mul3A_20 : i32
    %mul3A_22 = arith.constant 64 : i32
    %mul3A_23 = arith.muli %select_n3A, %mul3A_22 : i32
    "tpu.region"() ({
      %run_scoped3A = tpu.sem_alloc : memref<!tpu.dma_semaphore, #tpu.memory_space<semaphore_mem>>
      %dma_start3A_76 = arith.constant 50 : i32
      %dma_start3A_77 = tpu.memref_slice %arg3[%dma_start3A_76, %mul3A_2] : memref<200x4096xi32, #tpu.memory_space<hbm>> -> memref<50x128xi32, #tpu.memory_space<hbm>>
      %dma_start3A_78 = arith.constant 50 : i32
      %dma_start3A_79 = tpu.memref_slice %arg3[%dma_start3A_78, %mul3A_2] : memref<200x4096xi32, #tpu.memory_space<hbm>> -> memref<50x128xi32, #tpu.memory_space<hbm>>
      tpu.enqueue_dma source(%dma_start3A_79 : memref<50x128xi32, #tpu.memory_space<hbm>>) target(%arg5 : memref<50x128xi32, #tpu.memory_space<vmem>>) target_semaphore(%run_scoped3A : memref<!tpu.dma_semaphore, #tpu.memory_space<semaphore_mem>>)
      %dma_wait3A_80 = arith.constant 50 : i32
      %dma_wait3A_81 = tpu.memref_slice %arg3[%dma_wait3A_80, %mul3A_2] : memref<200x4096xi32, #tpu.memory_space<hbm>> -> memref<50x128xi32, #tpu.memory_space<hbm>>
      %dma_wait3A_82 = arith.constant 50 : i32
      %dma_wait3A_83 = tpu.memref_slice %arg3[%dma_wait3A_82, %mul3A_2] : memref<200x4096xi32, #tpu.memory_space<hbm>> -> memref<50x128xi32, #tpu.memory_space<hbm>>
      tpu.wait_dma2 semaphore(%run_scoped3A : memref<!tpu.dma_semaphore, #tpu.memory_space<semaphore_mem>>) src(%dma_wait3A_83 : memref<50x128xi32, #tpu.memory_space<hbm>>) dst(%arg5 : memref<50x128xi32, #tpu.memory_space<vmem>>)
      tpu.yield
    }) : () -> ()
    %dma_start3A = arith.constant 0 : i32
    %dma_start3A_24 = arith.constant 0 : i32
    %dma_start3A_25 = arith.constant 0 : i32
    %dma_start3A_26 = arith.constant 0 : i32
    %dma_start3A_27 = tpu.memref_slice %arg6[%dma_start3A_24, %dma_start3A_25, %dma_start3A_26] : memref<2x128x64xf32, #tpu.memory_space<vmem>> -> memref<1x128x64xf32, #tpu.memory_space<vmem>>
    %dma_start3A_28 = tpu.memref_squeeze %dma_start3A_27 : memref<1x128x64xf32, #tpu.memory_space<vmem>> -> memref<128x64xf32, #tpu.memory_space<vmem>>
    %dma_start3A_29 = arith.constant 0 : i32
    %dma_start3A_30 = tpu.memref_slice %arg5[%dma_start3A, %dma_start3A_29] : memref<50x128xi32, #tpu.memory_space<vmem>> -> memref<1x128xi32, #tpu.memory_space<vmem>>
    %dma_start3A_31 = tpu.memref_squeeze %dma_start3A_30 : memref<1x128xi32, #tpu.memory_space<vmem>> -> memref<128xi32, #tpu.memory_space<vmem>>
    %dma_start3A_32 = arith.constant 0 : i32
    %dma_start3A_33 = arith.constant 0 : i32
    %dma_start3A_34 = tpu.memref_slice %arg2[%dma_start3A_32, %dma_start3A_33] : memref<2000000x64xf32, #tpu.memory_space<hbm>> -> memref<2000000x64xf32, #tpu.memory_space<hbm>>
    tpu.enqueue_indirect_dma source(%dma_start3A_34 : memref<2000000x64xf32, #tpu.memory_space<hbm>>) target(%dma_start3A_28 : memref<128x64xf32, #tpu.memory_space<vmem>>) offsets(%dma_start3A_31 : memref<128xi32, #tpu.memory_space<vmem>>) semaphore(%arg7 : memref<!tpu.dma_semaphore, #tpu.memory_space<semaphore_mem>>)
    %dma_start3A_35 = arith.constant 1 : i32
    %dma_start3A_36 = arith.constant 1 : i32
    %dma_start3A_37 = arith.constant 0 : i32
    %dma_start3A_38 = arith.constant 0 : i32
    %dma_start3A_39 = tpu.memref_slice %arg6[%dma_start3A_36, %dma_start3A_37, %dma_start3A_38] : memref<2x128x64xf32, #tpu.memory_space<vmem>> -> memref<1x128x64xf32, #tpu.memory_space<vmem>>
    %dma_start3A_40 = tpu.memref_squeeze %dma_start3A_39 : memref<1x128x64xf32, #tpu.memory_space<vmem>> -> memref<128x64xf32, #tpu.memory_space<vmem>>
    %dma_start3A_41 = arith.constant 0 : i32
    %dma_start3A_42 = tpu.memref_slice %arg5[%dma_start3A_35, %dma_start3A_41] : memref<50x128xi32, #tpu.memory_space<vmem>> -> memref<1x128xi32, #tpu.memory_space<vmem>>
    %dma_start3A_43 = tpu.memref_squeeze %dma_start3A_42 : memref<1x128xi32, #tpu.memory_space<vmem>> -> memref<128xi32, #tpu.memory_space<vmem>>
    %dma_start3A_44 = arith.constant 0 : i32
    %dma_start3A_45 = arith.constant 0 : i32
    %dma_start3A_46 = tpu.memref_slice %arg2[%dma_start3A_44, %dma_start3A_45] : memref<2000000x64xf32, #tpu.memory_space<hbm>> -> memref<2000000x64xf32, #tpu.memory_space<hbm>>
    tpu.enqueue_indirect_dma source(%dma_start3A_46 : memref<2000000x64xf32, #tpu.memory_space<hbm>>) target(%dma_start3A_40 : memref<128x64xf32, #tpu.memory_space<vmem>>) offsets(%dma_start3A_43 : memref<128xi32, #tpu.memory_space<vmem>>) semaphore(%arg8 : memref<!tpu.dma_semaphore, #tpu.memory_space<semaphore_mem>>)
    %scan3A = arith.constant 0 : i32
    %scan3A_47 = arith.constant 25 : i32
    %scan3A_48 = arith.addi %scan3A, %scan3A_47 : i32
    %scan3A_49 = arith.constant 1 : i32
    scf.for %scan3A_76 = %scan3A to %scan3A_48 step %scan3A_49  : i32 {
      %mul3A_77 = arith.constant 2 : i32
      %mul3A_78 = arith.muli %scan3A_76, %mul3A_77 : i32
      %add3A_79 = arith.constant 0 : i32
      %add3A_80 = arith.addi %add3A_79, %mul3A_78 : i32
      %add3A_81 = arith.constant 0 : i32
      %add3A_82 = arith.addi %add3A_80, %add3A_81 : i32
      %dma_wait3A_83 = arith.constant 0 : i32
      %dma_wait3A_84 = arith.constant 0 : i32
      %dma_wait3A_85 = arith.constant 0 : i32
      %dma_wait3A_86 = tpu.memref_slice %arg6[%dma_wait3A_83, %dma_wait3A_84, %dma_wait3A_85] : memref<2x128x64xf32, #tpu.memory_space<vmem>> -> memref<1x128x64xf32, #tpu.memory_space<vmem>>
      %dma_wait3A_87 = tpu.memref_squeeze %dma_wait3A_86 : memref<1x128x64xf32, #tpu.memory_space<vmem>> -> memref<128x64xf32, #tpu.memory_space<vmem>>
      %dma_wait3A_88 = arith.constant 0 : i32
      %dma_wait3A_89 = tpu.memref_slice %arg5[%add3A_82, %dma_wait3A_88] : memref<50x128xi32, #tpu.memory_space<vmem>> -> memref<1x128xi32, #tpu.memory_space<vmem>>
      %dma_wait3A_90 = tpu.memref_squeeze %dma_wait3A_89 : memref<1x128xi32, #tpu.memory_space<vmem>> -> memref<128xi32, #tpu.memory_space<vmem>>
      %dma_wait3A_91 = arith.constant 0 : i32
      %dma_wait3A_92 = arith.constant 0 : i32
      %dma_wait3A_93 = tpu.memref_slice %arg2[%dma_wait3A_91, %dma_wait3A_92] : memref<2000000x64xf32, #tpu.memory_space<hbm>> -> memref<2000000x64xf32, #tpu.memory_space<hbm>>
      tpu.wait_indirect_dma semaphore(%arg7 : memref<!tpu.dma_semaphore, #tpu.memory_space<semaphore_mem>>) src(%dma_wait3A_93 : memref<2000000x64xf32, #tpu.memory_space<hbm>>) dst(%dma_wait3A_87 : memref<128x64xf32, #tpu.memory_space<vmem>>)
      %mul3A_94 = arith.constant 2048 : i32
      %mul3A_95 = arith.muli %add3A_82, %mul3A_94 : i32
      %add3A_96 = arith.addi %mul3A_95, %sub3A_21 : i32
      %dma_start3A_97 = arith.constant 0 : i32
      %dma_start3A_98 = arith.constant 0 : i32
      %dma_start3A_99 = arith.constant 0 : i32
      %dma_start3A_100 = tpu.memref_slice %arg6[%dma_start3A_97, %dma_start3A_98, %dma_start3A_99] : memref<2x128x64xf32, #tpu.memory_space<vmem>> -> memref<1x128x64xf32, #tpu.memory_space<vmem>>
      %dma_start3A_101 = tpu.memref_squeeze %dma_start3A_100 : memref<1x128x64xf32, #tpu.memory_space<vmem>> -> memref<128x64xf32, #tpu.memory_space<vmem>>
      %dma_start3A_102 = tpu.memref_slice %arg4[%add3A_96, %mul3A_23] : memref<102400x128xf32, #tpu.memory_space<hbm>> -> memref<128x64xf32, #tpu.memory_space<hbm>>
      %dma_start3A_103 = tpu.memref_slice %arg4[%add3A_96, %mul3A_23] : memref<102400x128xf32, #tpu.memory_space<hbm>> -> memref<128x64xf32, #tpu.memory_space<hbm>>
      %dma_start3A_104 = arith.constant 0 : i32
      %dma_start3A_105 = arith.constant 0 : i32
      %dma_start3A_106 = tpu.memref_slice %arg6[%dma_start3A_97, %dma_start3A_104, %dma_start3A_105] : memref<2x128x64xf32, #tpu.memory_space<vmem>> -> memref<1x128x64xf32, #tpu.memory_space<vmem>>
      %dma_start3A_107 = tpu.memref_squeeze %dma_start3A_106 : memref<1x128x64xf32, #tpu.memory_space<vmem>> -> memref<128x64xf32, #tpu.memory_space<vmem>>
      tpu.enqueue_dma source(%dma_start3A_107 : memref<128x64xf32, #tpu.memory_space<vmem>>) target(%dma_start3A_103 : memref<128x64xf32, #tpu.memory_space<hbm>>) target_semaphore(%arg9 : memref<!tpu.dma_semaphore, #tpu.memory_space<semaphore_mem>>)
      %add3A_108 = arith.constant 2 : i32
      %add3A_109 = arith.addi %add3A_82, %add3A_108 : i32
      %lt3A = arith.constant 50 : i32
      %lt3A_110 = arith.cmpi slt, %add3A_109, %lt3A : i32
      %convert_element_type3A = arith.extui %lt3A_110 : i1 to i32
      %cond3A = arith.constant 0 : i32
      %cond3A_111 = arith.cmpi ne, %convert_element_type3A, %cond3A : i32
      scf.if %cond3A_111 {
        %mul3A_146 = arith.constant 2048 : i32
        %mul3A_147 = arith.muli %add3A_82, %mul3A_146 : i32
        %add3A_148 = arith.addi %mul3A_147, %sub3A_21 : i32
        %dma_wait3A_149 = arith.constant 0 : i32
        %dma_wait3A_150 = arith.constant 0 : i32
        %dma_wait3A_151 = arith.constant 0 : i32
        %dma_wait3A_152 = tpu.memref_slice %arg6[%dma_wait3A_149, %dma_wait3A_150, %dma_wait3A_151] : memref<2x128x64xf32, #tpu.memory_space<vmem>> -> memref<1x128x64xf32, #tpu.memory_space<vmem>>
        %dma_wait3A_153 = tpu.memref_squeeze %dma_wait3A_152 : memref<1x128x64xf32, #tpu.memory_space<vmem>> -> memref<128x64xf32, #tpu.memory_space<vmem>>
        %dma_wait3A_154 = tpu.memref_slice %arg4[%add3A_148, %mul3A_23] : memref<102400x128xf32, #tpu.memory_space<hbm>> -> memref<128x64xf32, #tpu.memory_space<hbm>>
        %dma_wait3A_155 = tpu.memref_slice %arg4[%add3A_148, %mul3A_23] : memref<102400x128xf32, #tpu.memory_space<hbm>> -> memref<128x64xf32, #tpu.memory_space<hbm>>
        %dma_wait3A_156 = arith.constant 0 : i32
        %dma_wait3A_157 = arith.constant 0 : i32
        %dma_wait3A_158 = tpu.memref_slice %arg6[%dma_wait3A_149, %dma_wait3A_156, %dma_wait3A_157] : memref<2x128x64xf32, #tpu.memory_space<vmem>> -> memref<1x128x64xf32, #tpu.memory_space<vmem>>
        %dma_wait3A_159 = tpu.memref_squeeze %dma_wait3A_158 : memref<1x128x64xf32, #tpu.memory_space<vmem>> -> memref<128x64xf32, #tpu.memory_space<vmem>>
        tpu.wait_dma2 semaphore(%arg9 : memref<!tpu.dma_semaphore, #tpu.memory_space<semaphore_mem>>) src(%dma_wait3A_159 : memref<128x64xf32, #tpu.memory_space<vmem>>) dst(%dma_wait3A_155 : memref<128x64xf32, #tpu.memory_space<hbm>>)
        %add3A_160 = arith.constant 2 : i32
        %add3A_161 = arith.addi %add3A_82, %add3A_160 : i32
        %dma_start3A_162 = arith.constant 0 : i32
        %dma_start3A_163 = arith.constant 0 : i32
        %dma_start3A_164 = arith.constant 0 : i32
        %dma_start3A_165 = tpu.memref_slice %arg6[%dma_start3A_162, %dma_start3A_163, %dma_start3A_164] : memref<2x128x64xf32, #tpu.memory_space<vmem>> -> memref<1x128x64xf32, #tpu.memory_space<vmem>>
        %dma_start3A_166 = tpu.memref_squeeze %dma_start3A_165 : memref<1x128x64xf32, #tpu.memory_space<vmem>> -> memref<128x64xf32, #tpu.memory_space<vmem>>
        %dma_start3A_167 = arith.constant 0 : i32
        %dma_start3A_168 = tpu.memref_slice %arg5[%add3A_161, %dma_start3A_167] : memref<50x128xi32, #tpu.memory_space<vmem>> -> memref<1x128xi32, #tpu.memory_space<vmem>>
        %dma_start3A_169 = tpu.memref_squeeze %dma_start3A_168 : memref<1x128xi32, #tpu.memory_space<vmem>> -> memref<128xi32, #tpu.memory_space<vmem>>
        %dma_start3A_170 = arith.constant 0 : i32
        %dma_start3A_171 = arith.constant 0 : i32
        %dma_start3A_172 = tpu.memref_slice %arg2[%dma_start3A_170, %dma_start3A_171] : memref<2000000x64xf32, #tpu.memory_space<hbm>> -> memref<2000000x64xf32, #tpu.memory_space<hbm>>
        tpu.enqueue_indirect_dma source(%dma_start3A_172 : memref<2000000x64xf32, #tpu.memory_space<hbm>>) target(%dma_start3A_166 : memref<128x64xf32, #tpu.memory_space<vmem>>) offsets(%dma_start3A_169 : memref<128xi32, #tpu.memory_space<vmem>>) semaphore(%arg7 : memref<!tpu.dma_semaphore, #tpu.memory_space<semaphore_mem>>)
      } else {
      }
      %add3A_112 = arith.constant 1 : i32
      %add3A_113 = arith.addi %add3A_80, %add3A_112 : i32
      %dma_wait3A_114 = arith.constant 1 : i32
      %dma_wait3A_115 = arith.constant 0 : i32
      %dma_wait3A_116 = arith.constant 0 : i32
      %dma_wait3A_117 = tpu.memref_slice %arg6[%dma_wait3A_114, %dma_wait3A_115, %dma_wait3A_116] : memref<2x128x64xf32, #tpu.memory_space<vmem>> -> memref<1x128x64xf32, #tpu.memory_space<vmem>>
      %dma_wait3A_118 = tpu.memref_squeeze %dma_wait3A_117 : memref<1x128x64xf32, #tpu.memory_space<vmem>> -> memref<128x64xf32, #tpu.memory_space<vmem>>
      %dma_wait3A_119 = arith.constant 0 : i32
      %dma_wait3A_120 = tpu.memref_slice %arg5[%add3A_113, %dma_wait3A_119] : memref<50x128xi32, #tpu.memory_space<vmem>> -> memref<1x128xi32, #tpu.memory_space<vmem>>
      %dma_wait3A_121 = tpu.memref_squeeze %dma_wait3A_120 : memref<1x128xi32, #tpu.memory_space<vmem>> -> memref<128xi32, #tpu.memory_space<vmem>>
      %dma_wait3A_122 = arith.constant 0 : i32
      %dma_wait3A_123 = arith.constant 0 : i32
      %dma_wait3A_124 = tpu.memref_slice %arg2[%dma_wait3A_122, %dma_wait3A_123] : memref<2000000x64xf32, #tpu.memory_space<hbm>> -> memref<2000000x64xf32, #tpu.memory_space<hbm>>
      tpu.wait_indirect_dma semaphore(%arg8 : memref<!tpu.dma_semaphore, #tpu.memory_space<semaphore_mem>>) src(%dma_wait3A_124 : memref<2000000x64xf32, #tpu.memory_space<hbm>>) dst(%dma_wait3A_118 : memref<128x64xf32, #tpu.memory_space<vmem>>)
      %mul3A_125 = arith.constant 2048 : i32
      %mul3A_126 = arith.muli %add3A_113, %mul3A_125 : i32
      %add3A_127 = arith.addi %mul3A_126, %sub3A_21 : i32
      %dma_start3A_128 = arith.constant 1 : i32
      %dma_start3A_129 = arith.constant 0 : i32
      %dma_start3A_130 = arith.constant 0 : i32
      %dma_start3A_131 = tpu.memref_slice %arg6[%dma_start3A_128, %dma_start3A_129, %dma_start3A_130] : memref<2x128x64xf32, #tpu.memory_space<vmem>> -> memref<1x128x64xf32, #tpu.memory_space<vmem>>
      %dma_start3A_132 = tpu.memref_squeeze %dma_start3A_131 : memref<1x128x64xf32, #tpu.memory_space<vmem>> -> memref<128x64xf32, #tpu.memory_space<vmem>>
      %dma_start3A_133 = tpu.memref_slice %arg4[%add3A_127, %mul3A_23] : memref<102400x128xf32, #tpu.memory_space<hbm>> -> memref<128x64xf32, #tpu.memory_space<hbm>>
      %dma_start3A_134 = tpu.memref_slice %arg4[%add3A_127, %mul3A_23] : memref<102400x128xf32, #tpu.memory_space<hbm>> -> memref<128x64xf32, #tpu.memory_space<hbm>>
      %dma_start3A_135 = arith.constant 0 : i32
      %dma_start3A_136 = arith.constant 0 : i32
      %dma_start3A_137 = tpu.memref_slice %arg6[%dma_start3A_128, %dma_start3A_135, %dma_start3A_136] : memref<2x128x64xf32, #tpu.memory_space<vmem>> -> memref<1x128x64xf32, #tpu.memory_space<vmem>>
      %dma_start3A_138 = tpu.memref_squeeze %dma_start3A_137 : memref<1x128x64xf32, #tpu.memory_space<vmem>> -> memref<128x64xf32, #tpu.memory_space<vmem>>
      tpu.enqueue_dma source(%dma_start3A_138 : memref<128x64xf32, #tpu.memory_space<vmem>>) target(%dma_start3A_134 : memref<128x64xf32, #tpu.memory_space<hbm>>) target_semaphore(%arg10 : memref<!tpu.dma_semaphore, #tpu.memory_space<semaphore_mem>>)
      %add3A_139 = arith.constant 2 : i32
      %add3A_140 = arith.addi %add3A_113, %add3A_139 : i32
      %lt3A_141 = arith.constant 50 : i32
      %lt3A_142 = arith.cmpi slt, %add3A_140, %lt3A_141 : i32
      %convert_element_type3A_143 = arith.extui %lt3A_142 : i1 to i32
      %cond3A_144 = arith.constant 0 : i32
      %cond3A_145 = arith.cmpi ne, %convert_element_type3A_143, %cond3A_144 : i32
      scf.if %cond3A_145 {
        %mul3A_146 = arith.constant 2048 : i32
        %mul3A_147 = arith.muli %add3A_113, %mul3A_146 : i32
        %add3A_148 = arith.addi %mul3A_147, %sub3A_21 : i32
        %dma_wait3A_149 = arith.constant 1 : i32
        %dma_wait3A_150 = arith.constant 0 : i32
        %dma_wait3A_151 = arith.constant 0 : i32
        %dma_wait3A_152 = tpu.memref_slice %arg6[%dma_wait3A_149, %dma_wait3A_150, %dma_wait3A_151] : memref<2x128x64xf32, #tpu.memory_space<vmem>> -> memref<1x128x64xf32, #tpu.memory_space<vmem>>
        %dma_wait3A_153 = tpu.memref_squeeze %dma_wait3A_152 : memref<1x128x64xf32, #tpu.memory_space<vmem>> -> memref<128x64xf32, #tpu.memory_space<vmem>>
        %dma_wait3A_154 = tpu.memref_slice %arg4[%add3A_148, %mul3A_23] : memref<102400x128xf32, #tpu.memory_space<hbm>> -> memref<128x64xf32, #tpu.memory_space<hbm>>
        %dma_wait3A_155 = tpu.memref_slice %arg4[%add3A_148, %mul3A_23] : memref<102400x128xf32, #tpu.memory_space<hbm>> -> memref<128x64xf32, #tpu.memory_space<hbm>>
        %dma_wait3A_156 = arith.constant 0 : i32
        %dma_wait3A_157 = arith.constant 0 : i32
        %dma_wait3A_158 = tpu.memref_slice %arg6[%dma_wait3A_149, %dma_wait3A_156, %dma_wait3A_157] : memref<2x128x64xf32, #tpu.memory_space<vmem>> -> memref<1x128x64xf32, #tpu.memory_space<vmem>>
        %dma_wait3A_159 = tpu.memref_squeeze %dma_wait3A_158 : memref<1x128x64xf32, #tpu.memory_space<vmem>> -> memref<128x64xf32, #tpu.memory_space<vmem>>
        tpu.wait_dma2 semaphore(%arg10 : memref<!tpu.dma_semaphore, #tpu.memory_space<semaphore_mem>>) src(%dma_wait3A_159 : memref<128x64xf32, #tpu.memory_space<vmem>>) dst(%dma_wait3A_155 : memref<128x64xf32, #tpu.memory_space<hbm>>)
        %add3A_160 = arith.constant 2 : i32
        %add3A_161 = arith.addi %add3A_113, %add3A_160 : i32
        %dma_start3A_162 = arith.constant 1 : i32
        %dma_start3A_163 = arith.constant 0 : i32
        %dma_start3A_164 = arith.constant 0 : i32
        %dma_start3A_165 = tpu.memref_slice %arg6[%dma_start3A_162, %dma_start3A_163, %dma_start3A_164] : memref<2x128x64xf32, #tpu.memory_space<vmem>> -> memref<1x128x64xf32, #tpu.memory_space<vmem>>
        %dma_start3A_166 = tpu.memref_squeeze %dma_start3A_165 : memref<1x128x64xf32, #tpu.memory_space<vmem>> -> memref<128x64xf32, #tpu.memory_space<vmem>>
        %dma_start3A_167 = arith.constant 0 : i32
        %dma_start3A_168 = tpu.memref_slice %arg5[%add3A_161, %dma_start3A_167] : memref<50x128xi32, #tpu.memory_space<vmem>> -> memref<1x128xi32, #tpu.memory_space<vmem>>
        %dma_start3A_169 = tpu.memref_squeeze %dma_start3A_168 : memref<1x128xi32, #tpu.memory_space<vmem>> -> memref<128xi32, #tpu.memory_space<vmem>>
        %dma_start3A_170 = arith.constant 0 : i32
        %dma_start3A_171 = arith.constant 0 : i32
        %dma_start3A_172 = tpu.memref_slice %arg2[%dma_start3A_170, %dma_start3A_171] : memref<2000000x64xf32, #tpu.memory_space<hbm>> -> memref<2000000x64xf32, #tpu.memory_space<hbm>>
        tpu.enqueue_indirect_dma source(%dma_start3A_172 : memref<2000000x64xf32, #tpu.memory_space<hbm>>) target(%dma_start3A_166 : memref<128x64xf32, #tpu.memory_space<vmem>>) offsets(%dma_start3A_169 : memref<128xi32, #tpu.memory_space<vmem>>) semaphore(%arg8 : memref<!tpu.dma_semaphore, #tpu.memory_space<semaphore_mem>>)
      } else {
      }
    }
    %scan3A_50 = arith.constant 25 : i32
    %add3A_51 = arith.constant 98304 : i32
    %add3A_52 = arith.addi %add3A_51, %sub3A_21 : i32
    %dma_wait3A = arith.constant 0 : i32
    %dma_wait3A_53 = arith.constant 0 : i32
    %dma_wait3A_54 = arith.constant 0 : i32
    %dma_wait3A_55 = tpu.memref_slice %arg6[%dma_wait3A, %dma_wait3A_53, %dma_wait3A_54] : memref<2x128x64xf32, #tpu.memory_space<vmem>> -> memref<1x128x64xf32, #tpu.memory_space<vmem>>
    %dma_wait3A_56 = tpu.memref_squeeze %dma_wait3A_55 : memref<1x128x64xf32, #tpu.memory_space<vmem>> -> memref<128x64xf32, #tpu.memory_space<vmem>>
    %dma_wait3A_57 = tpu.memref_slice %arg4[%add3A_52, %mul3A_23] : memref<102400x128xf32, #tpu.memory_space<hbm>> -> memref<128x64xf32, #tpu.memory_space<hbm>>
    %dma_wait3A_58 = tpu.memref_slice %arg4[%add3A_52, %mul3A_23] : memref<102400x128xf32, #tpu.memory_space<hbm>> -> memref<128x64xf32, #tpu.memory_space<hbm>>
    %dma_wait3A_59 = arith.constant 0 : i32
    %dma_wait3A_60 = arith.constant 0 : i32
    %dma_wait3A_61 = tpu.memref_slice %arg6[%dma_wait3A, %dma_wait3A_59, %dma_wait3A_60] : memref<2x128x64xf32, #tpu.memory_space<vmem>> -> memref<1x128x64xf32, #tpu.memory_space<vmem>>
    %dma_wait3A_62 = tpu.memref_squeeze %dma_wait3A_61 : memref<1x128x64xf32, #tpu.memory_space<vmem>> -> memref<128x64xf32, #tpu.memory_space<vmem>>
    tpu.wait_dma2 semaphore(%arg9 : memref<!tpu.dma_semaphore, #tpu.memory_space<semaphore_mem>>) src(%dma_wait3A_62 : memref<128x64xf32, #tpu.memory_space<vmem>>) dst(%dma_wait3A_58 : memref<128x64xf32, #tpu.memory_space<hbm>>)
    %add3A_63 = arith.constant 100352 : i32
    %add3A_64 = arith.addi %add3A_63, %sub3A_21 : i32
    %dma_wait3A_65 = arith.constant 1 : i32
    %dma_wait3A_66 = arith.constant 0 : i32
    %dma_wait3A_67 = arith.constant 0 : i32
    %dma_wait3A_68 = tpu.memref_slice %arg6[%dma_wait3A_65, %dma_wait3A_66, %dma_wait3A_67] : memref<2x128x64xf32, #tpu.memory_space<vmem>> -> memref<1x128x64xf32, #tpu.memory_space<vmem>>
    %dma_wait3A_69 = tpu.memref_squeeze %dma_wait3A_68 : memref<1x128x64xf32, #tpu.memory_space<vmem>> -> memref<128x64xf32, #tpu.memory_space<vmem>>
    %dma_wait3A_70 = tpu.memref_slice %arg4[%add3A_64, %mul3A_23] : memref<102400x128xf32, #tpu.memory_space<hbm>> -> memref<128x64xf32, #tpu.memory_space<hbm>>
    %dma_wait3A_71 = tpu.memref_slice %arg4[%add3A_64, %mul3A_23] : memref<102400x128xf32, #tpu.memory_space<hbm>> -> memref<128x64xf32, #tpu.memory_space<hbm>>
    %dma_wait3A_72 = arith.constant 0 : i32
    %dma_wait3A_73 = arith.constant 0 : i32
    %dma_wait3A_74 = tpu.memref_slice %arg6[%dma_wait3A_65, %dma_wait3A_72, %dma_wait3A_73] : memref<2x128x64xf32, #tpu.memory_space<vmem>> -> memref<1x128x64xf32, #tpu.memory_space<vmem>>
    %dma_wait3A_75 = tpu.memref_squeeze %dma_wait3A_74 : memref<1x128x64xf32, #tpu.memory_space<vmem>> -> memref<128x64xf32, #tpu.memory_space<vmem>>
    tpu.wait_dma2 semaphore(%arg10 : memref<!tpu.dma_semaphore, #tpu.memory_space<semaphore_mem>>) src(%dma_wait3A_75 : memref<128x64xf32, #tpu.memory_space<vmem>>) dst(%dma_wait3A_71 : memref<128x64xf32, #tpu.memory_space<hbm>>)
    return
  }
}

#map = affine_map<(d0, d1) -> (0, 0)>
module attributes {stable_mosaic.version = 14 : i64} {
  func.func @sc_gather_seg0(%arg0: i32, %arg1: i32, %arg2: memref<2000000x64xf32, #tpu.memory_space<hbm>>, %arg3: memref<200x4096xi32, #tpu.memory_space<hbm>>, %arg4: memref<102400x128xf32, #tpu.memory_space<hbm>>, %arg5: memref<50x128xi32, #tpu.memory_space<vmem>>, %arg6: memref<2x128x64xf32, #tpu.memory_space<vmem>>, %arg7: memref<!tpu.dma_semaphore, #tpu.memory_space<semaphore_mem>>, %arg8: memref<!tpu.dma_semaphore, #tpu.memory_space<semaphore_mem>>, %arg9: memref<!tpu.dma_semaphore, #tpu.memory_space<semaphore_mem>>, %arg10: memref<!tpu.dma_semaphore, #tpu.memory_space<semaphore_mem>>) attributes {dimension_semantics = [#tpu.dimension_semantics<core_parallel>, #tpu.dimension_semantics<subcore_parallel>], iteration_bounds = array<i64: 2, 16>, scalar_prefetch = 0 : i64, scratch_operands = 6 : i64, tpu.core_type = #tpu.core_type<sc_vector_subcore>, window_params = [{transform_indices = #map}, {transform_indices = #map}, {transform_indices = #map}]} {
    %mul3A = arith.constant 2 : i32
    %mul3A_0 = arith.muli %arg1, %mul3A : i32
    %add3A = arith.addi %mul3A_0, %arg0 : i32
    %mul3A_1 = arith.constant 128 : i32
    %mul3A_2 = arith.muli %add3A, %mul3A_1 : i32
    %jit3A = arith.constant 16 : i32
    %div3A = arith.divsi %add3A, %jit3A : i32
    %sign3A = arith.constant 0 : i32
    %sign3A_3 = arith.cmpi sgt, %add3A, %sign3A : i32
    %sign3A_4 = arith.extui %sign3A_3 : i1 to i32
    %sign3A_5 = arith.constant 0 : i32
    %sign3A_6 = arith.cmpi slt, %add3A, %sign3A_5 : i32
    %sign3A_7 = arith.extui %sign3A_6 : i1 to i32
    %sign3A_8 = arith.subi %sign3A_4, %sign3A_7 : i32
    %sign3A_9 = arith.constant 0 : i32
    %sign3A_10 = arith.cmpi sgt, %jit3A, %sign3A_9 : i32
    %sign3A_11 = arith.extui %sign3A_10 : i1 to i32
    %sign3A_12 = arith.constant 0 : i32
    %sign3A_13 = arith.cmpi slt, %jit3A, %sign3A_12 : i32
    %sign3A_14 = arith.extui %sign3A_13 : i1 to i32
    %sign3A_15 = arith.subi %sign3A_11, %sign3A_14 : i32
    %ne3A = arith.cmpi ne, %sign3A_8, %sign3A_15 : i32
    %rem3A = arith.remsi %add3A, %jit3A : i32
    %ne3A_16 = arith.constant 0 : i32
    %ne3A_17 = arith.cmpi ne, %rem3A, %ne3A_16 : i32
    %and3A = arith.andi %ne3A, %ne3A_17 : i1
    %sub3A = arith.constant 1 : i32
    %sub3A_18 = arith.subi %div3A, %sub3A : i32
    %select_n3A = arith.select %and3A, %sub3A_18, %div3A : i32
    %mul3A_19 = arith.constant 2048 : i32
    %mul3A_20 = arith.muli %select_n3A, %mul3A_19 : i32
    %sub3A_21 = arith.subi %mul3A_2, %mul3A_20 : i32
    %mul3A_22 = arith.constant 64 : i32
    %mul3A_23 = arith.muli %select_n3A, %mul3A_22 : i32
    "tpu.region"() ({
      %run_scoped3A = tpu.sem_alloc : memref<!tpu.dma_semaphore, #tpu.memory_space<semaphore_mem>>
      %dma_start3A_76 = arith.constant 0 : i32
      %dma_start3A_77 = tpu.memref_slice %arg3[%dma_start3A_76, %mul3A_2] : memref<200x4096xi32, #tpu.memory_space<hbm>> -> memref<50x128xi32, #tpu.memory_space<hbm>>
      %dma_start3A_78 = arith.constant 0 : i32
      %dma_start3A_79 = tpu.memref_slice %arg3[%dma_start3A_78, %mul3A_2] : memref<200x4096xi32, #tpu.memory_space<hbm>> -> memref<50x128xi32, #tpu.memory_space<hbm>>
      tpu.enqueue_dma source(%dma_start3A_79 : memref<50x128xi32, #tpu.memory_space<hbm>>) target(%arg5 : memref<50x128xi32, #tpu.memory_space<vmem>>) target_semaphore(%run_scoped3A : memref<!tpu.dma_semaphore, #tpu.memory_space<semaphore_mem>>)
      %dma_wait3A_80 = arith.constant 0 : i32
      %dma_wait3A_81 = tpu.memref_slice %arg3[%dma_wait3A_80, %mul3A_2] : memref<200x4096xi32, #tpu.memory_space<hbm>> -> memref<50x128xi32, #tpu.memory_space<hbm>>
      %dma_wait3A_82 = arith.constant 0 : i32
      %dma_wait3A_83 = tpu.memref_slice %arg3[%dma_wait3A_82, %mul3A_2] : memref<200x4096xi32, #tpu.memory_space<hbm>> -> memref<50x128xi32, #tpu.memory_space<hbm>>
      tpu.wait_dma2 semaphore(%run_scoped3A : memref<!tpu.dma_semaphore, #tpu.memory_space<semaphore_mem>>) src(%dma_wait3A_83 : memref<50x128xi32, #tpu.memory_space<hbm>>) dst(%arg5 : memref<50x128xi32, #tpu.memory_space<vmem>>)
      tpu.yield
    }) : () -> ()
    %dma_start3A = arith.constant 0 : i32
    %dma_start3A_24 = arith.constant 0 : i32
    %dma_start3A_25 = arith.constant 0 : i32
    %dma_start3A_26 = arith.constant 0 : i32
    %dma_start3A_27 = tpu.memref_slice %arg6[%dma_start3A_24, %dma_start3A_25, %dma_start3A_26] : memref<2x128x64xf32, #tpu.memory_space<vmem>> -> memref<1x128x64xf32, #tpu.memory_space<vmem>>
    %dma_start3A_28 = tpu.memref_squeeze %dma_start3A_27 : memref<1x128x64xf32, #tpu.memory_space<vmem>> -> memref<128x64xf32, #tpu.memory_space<vmem>>
    %dma_start3A_29 = arith.constant 0 : i32
    %dma_start3A_30 = tpu.memref_slice %arg5[%dma_start3A, %dma_start3A_29] : memref<50x128xi32, #tpu.memory_space<vmem>> -> memref<1x128xi32, #tpu.memory_space<vmem>>
    %dma_start3A_31 = tpu.memref_squeeze %dma_start3A_30 : memref<1x128xi32, #tpu.memory_space<vmem>> -> memref<128xi32, #tpu.memory_space<vmem>>
    %dma_start3A_32 = arith.constant 0 : i32
    %dma_start3A_33 = arith.constant 0 : i32
    %dma_start3A_34 = tpu.memref_slice %arg2[%dma_start3A_32, %dma_start3A_33] : memref<2000000x64xf32, #tpu.memory_space<hbm>> -> memref<2000000x64xf32, #tpu.memory_space<hbm>>
    tpu.enqueue_indirect_dma source(%dma_start3A_34 : memref<2000000x64xf32, #tpu.memory_space<hbm>>) target(%dma_start3A_28 : memref<128x64xf32, #tpu.memory_space<vmem>>) offsets(%dma_start3A_31 : memref<128xi32, #tpu.memory_space<vmem>>) semaphore(%arg7 : memref<!tpu.dma_semaphore, #tpu.memory_space<semaphore_mem>>)
    %dma_start3A_35 = arith.constant 1 : i32
    %dma_start3A_36 = arith.constant 1 : i32
    %dma_start3A_37 = arith.constant 0 : i32
    %dma_start3A_38 = arith.constant 0 : i32
    %dma_start3A_39 = tpu.memref_slice %arg6[%dma_start3A_36, %dma_start3A_37, %dma_start3A_38] : memref<2x128x64xf32, #tpu.memory_space<vmem>> -> memref<1x128x64xf32, #tpu.memory_space<vmem>>
    %dma_start3A_40 = tpu.memref_squeeze %dma_start3A_39 : memref<1x128x64xf32, #tpu.memory_space<vmem>> -> memref<128x64xf32, #tpu.memory_space<vmem>>
    %dma_start3A_41 = arith.constant 0 : i32
    %dma_start3A_42 = tpu.memref_slice %arg5[%dma_start3A_35, %dma_start3A_41] : memref<50x128xi32, #tpu.memory_space<vmem>> -> memref<1x128xi32, #tpu.memory_space<vmem>>
    %dma_start3A_43 = tpu.memref_squeeze %dma_start3A_42 : memref<1x128xi32, #tpu.memory_space<vmem>> -> memref<128xi32, #tpu.memory_space<vmem>>
    %dma_start3A_44 = arith.constant 0 : i32
    %dma_start3A_45 = arith.constant 0 : i32
    %dma_start3A_46 = tpu.memref_slice %arg2[%dma_start3A_44, %dma_start3A_45] : memref<2000000x64xf32, #tpu.memory_space<hbm>> -> memref<2000000x64xf32, #tpu.memory_space<hbm>>
    tpu.enqueue_indirect_dma source(%dma_start3A_46 : memref<2000000x64xf32, #tpu.memory_space<hbm>>) target(%dma_start3A_40 : memref<128x64xf32, #tpu.memory_space<vmem>>) offsets(%dma_start3A_43 : memref<128xi32, #tpu.memory_space<vmem>>) semaphore(%arg8 : memref<!tpu.dma_semaphore, #tpu.memory_space<semaphore_mem>>)
    %scan3A = arith.constant 0 : i32
    %scan3A_47 = arith.constant 25 : i32
    %scan3A_48 = arith.addi %scan3A, %scan3A_47 : i32
    %scan3A_49 = arith.constant 1 : i32
    scf.for %scan3A_76 = %scan3A to %scan3A_48 step %scan3A_49  : i32 {
      %mul3A_77 = arith.constant 2 : i32
      %mul3A_78 = arith.muli %scan3A_76, %mul3A_77 : i32
      %add3A_79 = arith.constant 0 : i32
      %add3A_80 = arith.addi %add3A_79, %mul3A_78 : i32
      %add3A_81 = arith.constant 0 : i32
      %add3A_82 = arith.addi %add3A_80, %add3A_81 : i32
      %dma_wait3A_83 = arith.constant 0 : i32
      %dma_wait3A_84 = arith.constant 0 : i32
      %dma_wait3A_85 = arith.constant 0 : i32
      %dma_wait3A_86 = tpu.memref_slice %arg6[%dma_wait3A_83, %dma_wait3A_84, %dma_wait3A_85] : memref<2x128x64xf32, #tpu.memory_space<vmem>> -> memref<1x128x64xf32, #tpu.memory_space<vmem>>
      %dma_wait3A_87 = tpu.memref_squeeze %dma_wait3A_86 : memref<1x128x64xf32, #tpu.memory_space<vmem>> -> memref<128x64xf32, #tpu.memory_space<vmem>>
      %dma_wait3A_88 = arith.constant 0 : i32
      %dma_wait3A_89 = tpu.memref_slice %arg5[%add3A_82, %dma_wait3A_88] : memref<50x128xi32, #tpu.memory_space<vmem>> -> memref<1x128xi32, #tpu.memory_space<vmem>>
      %dma_wait3A_90 = tpu.memref_squeeze %dma_wait3A_89 : memref<1x128xi32, #tpu.memory_space<vmem>> -> memref<128xi32, #tpu.memory_space<vmem>>
      %dma_wait3A_91 = arith.constant 0 : i32
      %dma_wait3A_92 = arith.constant 0 : i32
      %dma_wait3A_93 = tpu.memref_slice %arg2[%dma_wait3A_91, %dma_wait3A_92] : memref<2000000x64xf32, #tpu.memory_space<hbm>> -> memref<2000000x64xf32, #tpu.memory_space<hbm>>
      tpu.wait_indirect_dma semaphore(%arg7 : memref<!tpu.dma_semaphore, #tpu.memory_space<semaphore_mem>>) src(%dma_wait3A_93 : memref<2000000x64xf32, #tpu.memory_space<hbm>>) dst(%dma_wait3A_87 : memref<128x64xf32, #tpu.memory_space<vmem>>)
      %mul3A_94 = arith.constant 2048 : i32
      %mul3A_95 = arith.muli %add3A_82, %mul3A_94 : i32
      %add3A_96 = arith.addi %mul3A_95, %sub3A_21 : i32
      %dma_start3A_97 = arith.constant 0 : i32
      %dma_start3A_98 = arith.constant 0 : i32
      %dma_start3A_99 = arith.constant 0 : i32
      %dma_start3A_100 = tpu.memref_slice %arg6[%dma_start3A_97, %dma_start3A_98, %dma_start3A_99] : memref<2x128x64xf32, #tpu.memory_space<vmem>> -> memref<1x128x64xf32, #tpu.memory_space<vmem>>
      %dma_start3A_101 = tpu.memref_squeeze %dma_start3A_100 : memref<1x128x64xf32, #tpu.memory_space<vmem>> -> memref<128x64xf32, #tpu.memory_space<vmem>>
      %dma_start3A_102 = tpu.memref_slice %arg4[%add3A_96, %mul3A_23] : memref<102400x128xf32, #tpu.memory_space<hbm>> -> memref<128x64xf32, #tpu.memory_space<hbm>>
      %dma_start3A_103 = tpu.memref_slice %arg4[%add3A_96, %mul3A_23] : memref<102400x128xf32, #tpu.memory_space<hbm>> -> memref<128x64xf32, #tpu.memory_space<hbm>>
      %dma_start3A_104 = arith.constant 0 : i32
      %dma_start3A_105 = arith.constant 0 : i32
      %dma_start3A_106 = tpu.memref_slice %arg6[%dma_start3A_97, %dma_start3A_104, %dma_start3A_105] : memref<2x128x64xf32, #tpu.memory_space<vmem>> -> memref<1x128x64xf32, #tpu.memory_space<vmem>>
      %dma_start3A_107 = tpu.memref_squeeze %dma_start3A_106 : memref<1x128x64xf32, #tpu.memory_space<vmem>> -> memref<128x64xf32, #tpu.memory_space<vmem>>
      tpu.enqueue_dma source(%dma_start3A_107 : memref<128x64xf32, #tpu.memory_space<vmem>>) target(%dma_start3A_103 : memref<128x64xf32, #tpu.memory_space<hbm>>) target_semaphore(%arg9 : memref<!tpu.dma_semaphore, #tpu.memory_space<semaphore_mem>>)
      %add3A_108 = arith.constant 2 : i32
      %add3A_109 = arith.addi %add3A_82, %add3A_108 : i32
      %lt3A = arith.constant 50 : i32
      %lt3A_110 = arith.cmpi slt, %add3A_109, %lt3A : i32
      %convert_element_type3A = arith.extui %lt3A_110 : i1 to i32
      %cond3A = arith.constant 0 : i32
      %cond3A_111 = arith.cmpi ne, %convert_element_type3A, %cond3A : i32
      scf.if %cond3A_111 {
        %mul3A_146 = arith.constant 2048 : i32
        %mul3A_147 = arith.muli %add3A_82, %mul3A_146 : i32
        %add3A_148 = arith.addi %mul3A_147, %sub3A_21 : i32
        %dma_wait3A_149 = arith.constant 0 : i32
        %dma_wait3A_150 = arith.constant 0 : i32
        %dma_wait3A_151 = arith.constant 0 : i32
        %dma_wait3A_152 = tpu.memref_slice %arg6[%dma_wait3A_149, %dma_wait3A_150, %dma_wait3A_151] : memref<2x128x64xf32, #tpu.memory_space<vmem>> -> memref<1x128x64xf32, #tpu.memory_space<vmem>>
        %dma_wait3A_153 = tpu.memref_squeeze %dma_wait3A_152 : memref<1x128x64xf32, #tpu.memory_space<vmem>> -> memref<128x64xf32, #tpu.memory_space<vmem>>
        %dma_wait3A_154 = tpu.memref_slice %arg4[%add3A_148, %mul3A_23] : memref<102400x128xf32, #tpu.memory_space<hbm>> -> memref<128x64xf32, #tpu.memory_space<hbm>>
        %dma_wait3A_155 = tpu.memref_slice %arg4[%add3A_148, %mul3A_23] : memref<102400x128xf32, #tpu.memory_space<hbm>> -> memref<128x64xf32, #tpu.memory_space<hbm>>
        %dma_wait3A_156 = arith.constant 0 : i32
        %dma_wait3A_157 = arith.constant 0 : i32
        %dma_wait3A_158 = tpu.memref_slice %arg6[%dma_wait3A_149, %dma_wait3A_156, %dma_wait3A_157] : memref<2x128x64xf32, #tpu.memory_space<vmem>> -> memref<1x128x64xf32, #tpu.memory_space<vmem>>
        %dma_wait3A_159 = tpu.memref_squeeze %dma_wait3A_158 : memref<1x128x64xf32, #tpu.memory_space<vmem>> -> memref<128x64xf32, #tpu.memory_space<vmem>>
        tpu.wait_dma2 semaphore(%arg9 : memref<!tpu.dma_semaphore, #tpu.memory_space<semaphore_mem>>) src(%dma_wait3A_159 : memref<128x64xf32, #tpu.memory_space<vmem>>) dst(%dma_wait3A_155 : memref<128x64xf32, #tpu.memory_space<hbm>>)
        %add3A_160 = arith.constant 2 : i32
        %add3A_161 = arith.addi %add3A_82, %add3A_160 : i32
        %dma_start3A_162 = arith.constant 0 : i32
        %dma_start3A_163 = arith.constant 0 : i32
        %dma_start3A_164 = arith.constant 0 : i32
        %dma_start3A_165 = tpu.memref_slice %arg6[%dma_start3A_162, %dma_start3A_163, %dma_start3A_164] : memref<2x128x64xf32, #tpu.memory_space<vmem>> -> memref<1x128x64xf32, #tpu.memory_space<vmem>>
        %dma_start3A_166 = tpu.memref_squeeze %dma_start3A_165 : memref<1x128x64xf32, #tpu.memory_space<vmem>> -> memref<128x64xf32, #tpu.memory_space<vmem>>
        %dma_start3A_167 = arith.constant 0 : i32
        %dma_start3A_168 = tpu.memref_slice %arg5[%add3A_161, %dma_start3A_167] : memref<50x128xi32, #tpu.memory_space<vmem>> -> memref<1x128xi32, #tpu.memory_space<vmem>>
        %dma_start3A_169 = tpu.memref_squeeze %dma_start3A_168 : memref<1x128xi32, #tpu.memory_space<vmem>> -> memref<128xi32, #tpu.memory_space<vmem>>
        %dma_start3A_170 = arith.constant 0 : i32
        %dma_start3A_171 = arith.constant 0 : i32
        %dma_start3A_172 = tpu.memref_slice %arg2[%dma_start3A_170, %dma_start3A_171] : memref<2000000x64xf32, #tpu.memory_space<hbm>> -> memref<2000000x64xf32, #tpu.memory_space<hbm>>
        tpu.enqueue_indirect_dma source(%dma_start3A_172 : memref<2000000x64xf32, #tpu.memory_space<hbm>>) target(%dma_start3A_166 : memref<128x64xf32, #tpu.memory_space<vmem>>) offsets(%dma_start3A_169 : memref<128xi32, #tpu.memory_space<vmem>>) semaphore(%arg7 : memref<!tpu.dma_semaphore, #tpu.memory_space<semaphore_mem>>)
      } else {
      }
      %add3A_112 = arith.constant 1 : i32
      %add3A_113 = arith.addi %add3A_80, %add3A_112 : i32
      %dma_wait3A_114 = arith.constant 1 : i32
      %dma_wait3A_115 = arith.constant 0 : i32
      %dma_wait3A_116 = arith.constant 0 : i32
      %dma_wait3A_117 = tpu.memref_slice %arg6[%dma_wait3A_114, %dma_wait3A_115, %dma_wait3A_116] : memref<2x128x64xf32, #tpu.memory_space<vmem>> -> memref<1x128x64xf32, #tpu.memory_space<vmem>>
      %dma_wait3A_118 = tpu.memref_squeeze %dma_wait3A_117 : memref<1x128x64xf32, #tpu.memory_space<vmem>> -> memref<128x64xf32, #tpu.memory_space<vmem>>
      %dma_wait3A_119 = arith.constant 0 : i32
      %dma_wait3A_120 = tpu.memref_slice %arg5[%add3A_113, %dma_wait3A_119] : memref<50x128xi32, #tpu.memory_space<vmem>> -> memref<1x128xi32, #tpu.memory_space<vmem>>
      %dma_wait3A_121 = tpu.memref_squeeze %dma_wait3A_120 : memref<1x128xi32, #tpu.memory_space<vmem>> -> memref<128xi32, #tpu.memory_space<vmem>>
      %dma_wait3A_122 = arith.constant 0 : i32
      %dma_wait3A_123 = arith.constant 0 : i32
      %dma_wait3A_124 = tpu.memref_slice %arg2[%dma_wait3A_122, %dma_wait3A_123] : memref<2000000x64xf32, #tpu.memory_space<hbm>> -> memref<2000000x64xf32, #tpu.memory_space<hbm>>
      tpu.wait_indirect_dma semaphore(%arg8 : memref<!tpu.dma_semaphore, #tpu.memory_space<semaphore_mem>>) src(%dma_wait3A_124 : memref<2000000x64xf32, #tpu.memory_space<hbm>>) dst(%dma_wait3A_118 : memref<128x64xf32, #tpu.memory_space<vmem>>)
      %mul3A_125 = arith.constant 2048 : i32
      %mul3A_126 = arith.muli %add3A_113, %mul3A_125 : i32
      %add3A_127 = arith.addi %mul3A_126, %sub3A_21 : i32
      %dma_start3A_128 = arith.constant 1 : i32
      %dma_start3A_129 = arith.constant 0 : i32
      %dma_start3A_130 = arith.constant 0 : i32
      %dma_start3A_131 = tpu.memref_slice %arg6[%dma_start3A_128, %dma_start3A_129, %dma_start3A_130] : memref<2x128x64xf32, #tpu.memory_space<vmem>> -> memref<1x128x64xf32, #tpu.memory_space<vmem>>
      %dma_start3A_132 = tpu.memref_squeeze %dma_start3A_131 : memref<1x128x64xf32, #tpu.memory_space<vmem>> -> memref<128x64xf32, #tpu.memory_space<vmem>>
      %dma_start3A_133 = tpu.memref_slice %arg4[%add3A_127, %mul3A_23] : memref<102400x128xf32, #tpu.memory_space<hbm>> -> memref<128x64xf32, #tpu.memory_space<hbm>>
      %dma_start3A_134 = tpu.memref_slice %arg4[%add3A_127, %mul3A_23] : memref<102400x128xf32, #tpu.memory_space<hbm>> -> memref<128x64xf32, #tpu.memory_space<hbm>>
      %dma_start3A_135 = arith.constant 0 : i32
      %dma_start3A_136 = arith.constant 0 : i32
      %dma_start3A_137 = tpu.memref_slice %arg6[%dma_start3A_128, %dma_start3A_135, %dma_start3A_136] : memref<2x128x64xf32, #tpu.memory_space<vmem>> -> memref<1x128x64xf32, #tpu.memory_space<vmem>>
      %dma_start3A_138 = tpu.memref_squeeze %dma_start3A_137 : memref<1x128x64xf32, #tpu.memory_space<vmem>> -> memref<128x64xf32, #tpu.memory_space<vmem>>
      tpu.enqueue_dma source(%dma_start3A_138 : memref<128x64xf32, #tpu.memory_space<vmem>>) target(%dma_start3A_134 : memref<128x64xf32, #tpu.memory_space<hbm>>) target_semaphore(%arg10 : memref<!tpu.dma_semaphore, #tpu.memory_space<semaphore_mem>>)
      %add3A_139 = arith.constant 2 : i32
      %add3A_140 = arith.addi %add3A_113, %add3A_139 : i32
      %lt3A_141 = arith.constant 50 : i32
      %lt3A_142 = arith.cmpi slt, %add3A_140, %lt3A_141 : i32
      %convert_element_type3A_143 = arith.extui %lt3A_142 : i1 to i32
      %cond3A_144 = arith.constant 0 : i32
      %cond3A_145 = arith.cmpi ne, %convert_element_type3A_143, %cond3A_144 : i32
      scf.if %cond3A_145 {
        %mul3A_146 = arith.constant 2048 : i32
        %mul3A_147 = arith.muli %add3A_113, %mul3A_146 : i32
        %add3A_148 = arith.addi %mul3A_147, %sub3A_21 : i32
        %dma_wait3A_149 = arith.constant 1 : i32
        %dma_wait3A_150 = arith.constant 0 : i32
        %dma_wait3A_151 = arith.constant 0 : i32
        %dma_wait3A_152 = tpu.memref_slice %arg6[%dma_wait3A_149, %dma_wait3A_150, %dma_wait3A_151] : memref<2x128x64xf32, #tpu.memory_space<vmem>> -> memref<1x128x64xf32, #tpu.memory_space<vmem>>
        %dma_wait3A_153 = tpu.memref_squeeze %dma_wait3A_152 : memref<1x128x64xf32, #tpu.memory_space<vmem>> -> memref<128x64xf32, #tpu.memory_space<vmem>>
        %dma_wait3A_154 = tpu.memref_slice %arg4[%add3A_148, %mul3A_23] : memref<102400x128xf32, #tpu.memory_space<hbm>> -> memref<128x64xf32, #tpu.memory_space<hbm>>
        %dma_wait3A_155 = tpu.memref_slice %arg4[%add3A_148, %mul3A_23] : memref<102400x128xf32, #tpu.memory_space<hbm>> -> memref<128x64xf32, #tpu.memory_space<hbm>>
        %dma_wait3A_156 = arith.constant 0 : i32
        %dma_wait3A_157 = arith.constant 0 : i32
        %dma_wait3A_158 = tpu.memref_slice %arg6[%dma_wait3A_149, %dma_wait3A_156, %dma_wait3A_157] : memref<2x128x64xf32, #tpu.memory_space<vmem>> -> memref<1x128x64xf32, #tpu.memory_space<vmem>>
        %dma_wait3A_159 = tpu.memref_squeeze %dma_wait3A_158 : memref<1x128x64xf32, #tpu.memory_space<vmem>> -> memref<128x64xf32, #tpu.memory_space<vmem>>
        tpu.wait_dma2 semaphore(%arg10 : memref<!tpu.dma_semaphore, #tpu.memory_space<semaphore_mem>>) src(%dma_wait3A_159 : memref<128x64xf32, #tpu.memory_space<vmem>>) dst(%dma_wait3A_155 : memref<128x64xf32, #tpu.memory_space<hbm>>)
        %add3A_160 = arith.constant 2 : i32
        %add3A_161 = arith.addi %add3A_113, %add3A_160 : i32
        %dma_start3A_162 = arith.constant 1 : i32
        %dma_start3A_163 = arith.constant 0 : i32
        %dma_start3A_164 = arith.constant 0 : i32
        %dma_start3A_165 = tpu.memref_slice %arg6[%dma_start3A_162, %dma_start3A_163, %dma_start3A_164] : memref<2x128x64xf32, #tpu.memory_space<vmem>> -> memref<1x128x64xf32, #tpu.memory_space<vmem>>
        %dma_start3A_166 = tpu.memref_squeeze %dma_start3A_165 : memref<1x128x64xf32, #tpu.memory_space<vmem>> -> memref<128x64xf32, #tpu.memory_space<vmem>>
        %dma_start3A_167 = arith.constant 0 : i32
        %dma_start3A_168 = tpu.memref_slice %arg5[%add3A_161, %dma_start3A_167] : memref<50x128xi32, #tpu.memory_space<vmem>> -> memref<1x128xi32, #tpu.memory_space<vmem>>
        %dma_start3A_169 = tpu.memref_squeeze %dma_start3A_168 : memref<1x128xi32, #tpu.memory_space<vmem>> -> memref<128xi32, #tpu.memory_space<vmem>>
        %dma_start3A_170 = arith.constant 0 : i32
        %dma_start3A_171 = arith.constant 0 : i32
        %dma_start3A_172 = tpu.memref_slice %arg2[%dma_start3A_170, %dma_start3A_171] : memref<2000000x64xf32, #tpu.memory_space<hbm>> -> memref<2000000x64xf32, #tpu.memory_space<hbm>>
        tpu.enqueue_indirect_dma source(%dma_start3A_172 : memref<2000000x64xf32, #tpu.memory_space<hbm>>) target(%dma_start3A_166 : memref<128x64xf32, #tpu.memory_space<vmem>>) offsets(%dma_start3A_169 : memref<128xi32, #tpu.memory_space<vmem>>) semaphore(%arg8 : memref<!tpu.dma_semaphore, #tpu.memory_space<semaphore_mem>>)
      } else {
      }
    }
    %scan3A_50 = arith.constant 25 : i32
    %add3A_51 = arith.constant 98304 : i32
    %add3A_52 = arith.addi %add3A_51, %sub3A_21 : i32
    %dma_wait3A = arith.constant 0 : i32
    %dma_wait3A_53 = arith.constant 0 : i32
    %dma_wait3A_54 = arith.constant 0 : i32
    %dma_wait3A_55 = tpu.memref_slice %arg6[%dma_wait3A, %dma_wait3A_53, %dma_wait3A_54] : memref<2x128x64xf32, #tpu.memory_space<vmem>> -> memref<1x128x64xf32, #tpu.memory_space<vmem>>
    %dma_wait3A_56 = tpu.memref_squeeze %dma_wait3A_55 : memref<1x128x64xf32, #tpu.memory_space<vmem>> -> memref<128x64xf32, #tpu.memory_space<vmem>>
    %dma_wait3A_57 = tpu.memref_slice %arg4[%add3A_52, %mul3A_23] : memref<102400x128xf32, #tpu.memory_space<hbm>> -> memref<128x64xf32, #tpu.memory_space<hbm>>
    %dma_wait3A_58 = tpu.memref_slice %arg4[%add3A_52, %mul3A_23] : memref<102400x128xf32, #tpu.memory_space<hbm>> -> memref<128x64xf32, #tpu.memory_space<hbm>>
    %dma_wait3A_59 = arith.constant 0 : i32
    %dma_wait3A_60 = arith.constant 0 : i32
    %dma_wait3A_61 = tpu.memref_slice %arg6[%dma_wait3A, %dma_wait3A_59, %dma_wait3A_60] : memref<2x128x64xf32, #tpu.memory_space<vmem>> -> memref<1x128x64xf32, #tpu.memory_space<vmem>>
    %dma_wait3A_62 = tpu.memref_squeeze %dma_wait3A_61 : memref<1x128x64xf32, #tpu.memory_space<vmem>> -> memref<128x64xf32, #tpu.memory_space<vmem>>
    tpu.wait_dma2 semaphore(%arg9 : memref<!tpu.dma_semaphore, #tpu.memory_space<semaphore_mem>>) src(%dma_wait3A_62 : memref<128x64xf32, #tpu.memory_space<vmem>>) dst(%dma_wait3A_58 : memref<128x64xf32, #tpu.memory_space<hbm>>)
    %add3A_63 = arith.constant 100352 : i32
    %add3A_64 = arith.addi %add3A_63, %sub3A_21 : i32
    %dma_wait3A_65 = arith.constant 1 : i32
    %dma_wait3A_66 = arith.constant 0 : i32
    %dma_wait3A_67 = arith.constant 0 : i32
    %dma_wait3A_68 = tpu.memref_slice %arg6[%dma_wait3A_65, %dma_wait3A_66, %dma_wait3A_67] : memref<2x128x64xf32, #tpu.memory_space<vmem>> -> memref<1x128x64xf32, #tpu.memory_space<vmem>>
    %dma_wait3A_69 = tpu.memref_squeeze %dma_wait3A_68 : memref<1x128x64xf32, #tpu.memory_space<vmem>> -> memref<128x64xf32, #tpu.memory_space<vmem>>
    %dma_wait3A_70 = tpu.memref_slice %arg4[%add3A_64, %mul3A_23] : memref<102400x128xf32, #tpu.memory_space<hbm>> -> memref<128x64xf32, #tpu.memory_space<hbm>>
    %dma_wait3A_71 = tpu.memref_slice %arg4[%add3A_64, %mul3A_23] : memref<102400x128xf32, #tpu.memory_space<hbm>> -> memref<128x64xf32, #tpu.memory_space<hbm>>
    %dma_wait3A_72 = arith.constant 0 : i32
    %dma_wait3A_73 = arith.constant 0 : i32
    %dma_wait3A_74 = tpu.memref_slice %arg6[%dma_wait3A_65, %dma_wait3A_72, %dma_wait3A_73] : memref<2x128x64xf32, #tpu.memory_space<vmem>> -> memref<1x128x64xf32, #tpu.memory_space<vmem>>
    %dma_wait3A_75 = tpu.memref_squeeze %dma_wait3A_74 : memref<1x128x64xf32, #tpu.memory_space<vmem>> -> memref<128x64xf32, #tpu.memory_space<vmem>>
    tpu.wait_dma2 semaphore(%arg10 : memref<!tpu.dma_semaphore, #tpu.memory_space<semaphore_mem>>) src(%dma_wait3A_75 : memref<128x64xf32, #tpu.memory_space<vmem>>) dst(%dma_wait3A_71 : memref<128x64xf32, #tpu.memory_space<hbm>>)
    return
  }
}

#map = affine_map<(d0, d1) -> (0, 0)>
module attributes {stable_mosaic.version = 14 : i64} {
  func.func @sc_gather_seg100(%arg0: i32, %arg1: i32, %arg2: memref<2000000x64xf32, #tpu.memory_space<hbm>>, %arg3: memref<200x4096xi32, #tpu.memory_space<hbm>>, %arg4: memref<102400x128xf32, #tpu.memory_space<hbm>>, %arg5: memref<50x128xi32, #tpu.memory_space<vmem>>, %arg6: memref<2x128x64xf32, #tpu.memory_space<vmem>>, %arg7: memref<!tpu.dma_semaphore, #tpu.memory_space<semaphore_mem>>, %arg8: memref<!tpu.dma_semaphore, #tpu.memory_space<semaphore_mem>>, %arg9: memref<!tpu.dma_semaphore, #tpu.memory_space<semaphore_mem>>, %arg10: memref<!tpu.dma_semaphore, #tpu.memory_space<semaphore_mem>>) attributes {dimension_semantics = [#tpu.dimension_semantics<core_parallel>, #tpu.dimension_semantics<subcore_parallel>], iteration_bounds = array<i64: 2, 16>, scalar_prefetch = 0 : i64, scratch_operands = 6 : i64, tpu.core_type = #tpu.core_type<sc_vector_subcore>, window_params = [{transform_indices = #map}, {transform_indices = #map}, {transform_indices = #map}]} {
    %mul3A = arith.constant 2 : i32
    %mul3A_0 = arith.muli %arg1, %mul3A : i32
    %add3A = arith.addi %mul3A_0, %arg0 : i32
    %mul3A_1 = arith.constant 128 : i32
    %mul3A_2 = arith.muli %add3A, %mul3A_1 : i32
    %jit3A = arith.constant 16 : i32
    %div3A = arith.divsi %add3A, %jit3A : i32
    %sign3A = arith.constant 0 : i32
    %sign3A_3 = arith.cmpi sgt, %add3A, %sign3A : i32
    %sign3A_4 = arith.extui %sign3A_3 : i1 to i32
    %sign3A_5 = arith.constant 0 : i32
    %sign3A_6 = arith.cmpi slt, %add3A, %sign3A_5 : i32
    %sign3A_7 = arith.extui %sign3A_6 : i1 to i32
    %sign3A_8 = arith.subi %sign3A_4, %sign3A_7 : i32
    %sign3A_9 = arith.constant 0 : i32
    %sign3A_10 = arith.cmpi sgt, %jit3A, %sign3A_9 : i32
    %sign3A_11 = arith.extui %sign3A_10 : i1 to i32
    %sign3A_12 = arith.constant 0 : i32
    %sign3A_13 = arith.cmpi slt, %jit3A, %sign3A_12 : i32
    %sign3A_14 = arith.extui %sign3A_13 : i1 to i32
    %sign3A_15 = arith.subi %sign3A_11, %sign3A_14 : i32
    %ne3A = arith.cmpi ne, %sign3A_8, %sign3A_15 : i32
    %rem3A = arith.remsi %add3A, %jit3A : i32
    %ne3A_16 = arith.constant 0 : i32
    %ne3A_17 = arith.cmpi ne, %rem3A, %ne3A_16 : i32
    %and3A = arith.andi %ne3A, %ne3A_17 : i1
    %sub3A = arith.constant 1 : i32
    %sub3A_18 = arith.subi %div3A, %sub3A : i32
    %select_n3A = arith.select %and3A, %sub3A_18, %div3A : i32
    %mul3A_19 = arith.constant 2048 : i32
    %mul3A_20 = arith.muli %select_n3A, %mul3A_19 : i32
    %sub3A_21 = arith.subi %mul3A_2, %mul3A_20 : i32
    %mul3A_22 = arith.constant 64 : i32
    %mul3A_23 = arith.muli %select_n3A, %mul3A_22 : i32
    "tpu.region"() ({
      %run_scoped3A = tpu.sem_alloc : memref<!tpu.dma_semaphore, #tpu.memory_space<semaphore_mem>>
      %dma_start3A_76 = arith.constant 100 : i32
      %dma_start3A_77 = tpu.memref_slice %arg3[%dma_start3A_76, %mul3A_2] : memref<200x4096xi32, #tpu.memory_space<hbm>> -> memref<50x128xi32, #tpu.memory_space<hbm>>
      %dma_start3A_78 = arith.constant 100 : i32
      %dma_start3A_79 = tpu.memref_slice %arg3[%dma_start3A_78, %mul3A_2] : memref<200x4096xi32, #tpu.memory_space<hbm>> -> memref<50x128xi32, #tpu.memory_space<hbm>>
      tpu.enqueue_dma source(%dma_start3A_79 : memref<50x128xi32, #tpu.memory_space<hbm>>) target(%arg5 : memref<50x128xi32, #tpu.memory_space<vmem>>) target_semaphore(%run_scoped3A : memref<!tpu.dma_semaphore, #tpu.memory_space<semaphore_mem>>)
      %dma_wait3A_80 = arith.constant 100 : i32
      %dma_wait3A_81 = tpu.memref_slice %arg3[%dma_wait3A_80, %mul3A_2] : memref<200x4096xi32, #tpu.memory_space<hbm>> -> memref<50x128xi32, #tpu.memory_space<hbm>>
      %dma_wait3A_82 = arith.constant 100 : i32
      %dma_wait3A_83 = tpu.memref_slice %arg3[%dma_wait3A_82, %mul3A_2] : memref<200x4096xi32, #tpu.memory_space<hbm>> -> memref<50x128xi32, #tpu.memory_space<hbm>>
      tpu.wait_dma2 semaphore(%run_scoped3A : memref<!tpu.dma_semaphore, #tpu.memory_space<semaphore_mem>>) src(%dma_wait3A_83 : memref<50x128xi32, #tpu.memory_space<hbm>>) dst(%arg5 : memref<50x128xi32, #tpu.memory_space<vmem>>)
      tpu.yield
    }) : () -> ()
    %dma_start3A = arith.constant 0 : i32
    %dma_start3A_24 = arith.constant 0 : i32
    %dma_start3A_25 = arith.constant 0 : i32
    %dma_start3A_26 = arith.constant 0 : i32
    %dma_start3A_27 = tpu.memref_slice %arg6[%dma_start3A_24, %dma_start3A_25, %dma_start3A_26] : memref<2x128x64xf32, #tpu.memory_space<vmem>> -> memref<1x128x64xf32, #tpu.memory_space<vmem>>
    %dma_start3A_28 = tpu.memref_squeeze %dma_start3A_27 : memref<1x128x64xf32, #tpu.memory_space<vmem>> -> memref<128x64xf32, #tpu.memory_space<vmem>>
    %dma_start3A_29 = arith.constant 0 : i32
    %dma_start3A_30 = tpu.memref_slice %arg5[%dma_start3A, %dma_start3A_29] : memref<50x128xi32, #tpu.memory_space<vmem>> -> memref<1x128xi32, #tpu.memory_space<vmem>>
    %dma_start3A_31 = tpu.memref_squeeze %dma_start3A_30 : memref<1x128xi32, #tpu.memory_space<vmem>> -> memref<128xi32, #tpu.memory_space<vmem>>
    %dma_start3A_32 = arith.constant 0 : i32
    %dma_start3A_33 = arith.constant 0 : i32
    %dma_start3A_34 = tpu.memref_slice %arg2[%dma_start3A_32, %dma_start3A_33] : memref<2000000x64xf32, #tpu.memory_space<hbm>> -> memref<2000000x64xf32, #tpu.memory_space<hbm>>
    tpu.enqueue_indirect_dma source(%dma_start3A_34 : memref<2000000x64xf32, #tpu.memory_space<hbm>>) target(%dma_start3A_28 : memref<128x64xf32, #tpu.memory_space<vmem>>) offsets(%dma_start3A_31 : memref<128xi32, #tpu.memory_space<vmem>>) semaphore(%arg7 : memref<!tpu.dma_semaphore, #tpu.memory_space<semaphore_mem>>)
    %dma_start3A_35 = arith.constant 1 : i32
    %dma_start3A_36 = arith.constant 1 : i32
    %dma_start3A_37 = arith.constant 0 : i32
    %dma_start3A_38 = arith.constant 0 : i32
    %dma_start3A_39 = tpu.memref_slice %arg6[%dma_start3A_36, %dma_start3A_37, %dma_start3A_38] : memref<2x128x64xf32, #tpu.memory_space<vmem>> -> memref<1x128x64xf32, #tpu.memory_space<vmem>>
    %dma_start3A_40 = tpu.memref_squeeze %dma_start3A_39 : memref<1x128x64xf32, #tpu.memory_space<vmem>> -> memref<128x64xf32, #tpu.memory_space<vmem>>
    %dma_start3A_41 = arith.constant 0 : i32
    %dma_start3A_42 = tpu.memref_slice %arg5[%dma_start3A_35, %dma_start3A_41] : memref<50x128xi32, #tpu.memory_space<vmem>> -> memref<1x128xi32, #tpu.memory_space<vmem>>
    %dma_start3A_43 = tpu.memref_squeeze %dma_start3A_42 : memref<1x128xi32, #tpu.memory_space<vmem>> -> memref<128xi32, #tpu.memory_space<vmem>>
    %dma_start3A_44 = arith.constant 0 : i32
    %dma_start3A_45 = arith.constant 0 : i32
    %dma_start3A_46 = tpu.memref_slice %arg2[%dma_start3A_44, %dma_start3A_45] : memref<2000000x64xf32, #tpu.memory_space<hbm>> -> memref<2000000x64xf32, #tpu.memory_space<hbm>>
    tpu.enqueue_indirect_dma source(%dma_start3A_46 : memref<2000000x64xf32, #tpu.memory_space<hbm>>) target(%dma_start3A_40 : memref<128x64xf32, #tpu.memory_space<vmem>>) offsets(%dma_start3A_43 : memref<128xi32, #tpu.memory_space<vmem>>) semaphore(%arg8 : memref<!tpu.dma_semaphore, #tpu.memory_space<semaphore_mem>>)
    %scan3A = arith.constant 0 : i32
    %scan3A_47 = arith.constant 25 : i32
    %scan3A_48 = arith.addi %scan3A, %scan3A_47 : i32
    %scan3A_49 = arith.constant 1 : i32
    scf.for %scan3A_76 = %scan3A to %scan3A_48 step %scan3A_49  : i32 {
      %mul3A_77 = arith.constant 2 : i32
      %mul3A_78 = arith.muli %scan3A_76, %mul3A_77 : i32
      %add3A_79 = arith.constant 0 : i32
      %add3A_80 = arith.addi %add3A_79, %mul3A_78 : i32
      %add3A_81 = arith.constant 0 : i32
      %add3A_82 = arith.addi %add3A_80, %add3A_81 : i32
      %dma_wait3A_83 = arith.constant 0 : i32
      %dma_wait3A_84 = arith.constant 0 : i32
      %dma_wait3A_85 = arith.constant 0 : i32
      %dma_wait3A_86 = tpu.memref_slice %arg6[%dma_wait3A_83, %dma_wait3A_84, %dma_wait3A_85] : memref<2x128x64xf32, #tpu.memory_space<vmem>> -> memref<1x128x64xf32, #tpu.memory_space<vmem>>
      %dma_wait3A_87 = tpu.memref_squeeze %dma_wait3A_86 : memref<1x128x64xf32, #tpu.memory_space<vmem>> -> memref<128x64xf32, #tpu.memory_space<vmem>>
      %dma_wait3A_88 = arith.constant 0 : i32
      %dma_wait3A_89 = tpu.memref_slice %arg5[%add3A_82, %dma_wait3A_88] : memref<50x128xi32, #tpu.memory_space<vmem>> -> memref<1x128xi32, #tpu.memory_space<vmem>>
      %dma_wait3A_90 = tpu.memref_squeeze %dma_wait3A_89 : memref<1x128xi32, #tpu.memory_space<vmem>> -> memref<128xi32, #tpu.memory_space<vmem>>
      %dma_wait3A_91 = arith.constant 0 : i32
      %dma_wait3A_92 = arith.constant 0 : i32
      %dma_wait3A_93 = tpu.memref_slice %arg2[%dma_wait3A_91, %dma_wait3A_92] : memref<2000000x64xf32, #tpu.memory_space<hbm>> -> memref<2000000x64xf32, #tpu.memory_space<hbm>>
      tpu.wait_indirect_dma semaphore(%arg7 : memref<!tpu.dma_semaphore, #tpu.memory_space<semaphore_mem>>) src(%dma_wait3A_93 : memref<2000000x64xf32, #tpu.memory_space<hbm>>) dst(%dma_wait3A_87 : memref<128x64xf32, #tpu.memory_space<vmem>>)
      %mul3A_94 = arith.constant 2048 : i32
      %mul3A_95 = arith.muli %add3A_82, %mul3A_94 : i32
      %add3A_96 = arith.addi %mul3A_95, %sub3A_21 : i32
      %dma_start3A_97 = arith.constant 0 : i32
      %dma_start3A_98 = arith.constant 0 : i32
      %dma_start3A_99 = arith.constant 0 : i32
      %dma_start3A_100 = tpu.memref_slice %arg6[%dma_start3A_97, %dma_start3A_98, %dma_start3A_99] : memref<2x128x64xf32, #tpu.memory_space<vmem>> -> memref<1x128x64xf32, #tpu.memory_space<vmem>>
      %dma_start3A_101 = tpu.memref_squeeze %dma_start3A_100 : memref<1x128x64xf32, #tpu.memory_space<vmem>> -> memref<128x64xf32, #tpu.memory_space<vmem>>
      %dma_start3A_102 = tpu.memref_slice %arg4[%add3A_96, %mul3A_23] : memref<102400x128xf32, #tpu.memory_space<hbm>> -> memref<128x64xf32, #tpu.memory_space<hbm>>
      %dma_start3A_103 = tpu.memref_slice %arg4[%add3A_96, %mul3A_23] : memref<102400x128xf32, #tpu.memory_space<hbm>> -> memref<128x64xf32, #tpu.memory_space<hbm>>
      %dma_start3A_104 = arith.constant 0 : i32
      %dma_start3A_105 = arith.constant 0 : i32
      %dma_start3A_106 = tpu.memref_slice %arg6[%dma_start3A_97, %dma_start3A_104, %dma_start3A_105] : memref<2x128x64xf32, #tpu.memory_space<vmem>> -> memref<1x128x64xf32, #tpu.memory_space<vmem>>
      %dma_start3A_107 = tpu.memref_squeeze %dma_start3A_106 : memref<1x128x64xf32, #tpu.memory_space<vmem>> -> memref<128x64xf32, #tpu.memory_space<vmem>>
      tpu.enqueue_dma source(%dma_start3A_107 : memref<128x64xf32, #tpu.memory_space<vmem>>) target(%dma_start3A_103 : memref<128x64xf32, #tpu.memory_space<hbm>>) target_semaphore(%arg9 : memref<!tpu.dma_semaphore, #tpu.memory_space<semaphore_mem>>)
      %add3A_108 = arith.constant 2 : i32
      %add3A_109 = arith.addi %add3A_82, %add3A_108 : i32
      %lt3A = arith.constant 50 : i32
      %lt3A_110 = arith.cmpi slt, %add3A_109, %lt3A : i32
      %convert_element_type3A = arith.extui %lt3A_110 : i1 to i32
      %cond3A = arith.constant 0 : i32
      %cond3A_111 = arith.cmpi ne, %convert_element_type3A, %cond3A : i32
      scf.if %cond3A_111 {
        %mul3A_146 = arith.constant 2048 : i32
        %mul3A_147 = arith.muli %add3A_82, %mul3A_146 : i32
        %add3A_148 = arith.addi %mul3A_147, %sub3A_21 : i32
        %dma_wait3A_149 = arith.constant 0 : i32
        %dma_wait3A_150 = arith.constant 0 : i32
        %dma_wait3A_151 = arith.constant 0 : i32
        %dma_wait3A_152 = tpu.memref_slice %arg6[%dma_wait3A_149, %dma_wait3A_150, %dma_wait3A_151] : memref<2x128x64xf32, #tpu.memory_space<vmem>> -> memref<1x128x64xf32, #tpu.memory_space<vmem>>
        %dma_wait3A_153 = tpu.memref_squeeze %dma_wait3A_152 : memref<1x128x64xf32, #tpu.memory_space<vmem>> -> memref<128x64xf32, #tpu.memory_space<vmem>>
        %dma_wait3A_154 = tpu.memref_slice %arg4[%add3A_148, %mul3A_23] : memref<102400x128xf32, #tpu.memory_space<hbm>> -> memref<128x64xf32, #tpu.memory_space<hbm>>
        %dma_wait3A_155 = tpu.memref_slice %arg4[%add3A_148, %mul3A_23] : memref<102400x128xf32, #tpu.memory_space<hbm>> -> memref<128x64xf32, #tpu.memory_space<hbm>>
        %dma_wait3A_156 = arith.constant 0 : i32
        %dma_wait3A_157 = arith.constant 0 : i32
        %dma_wait3A_158 = tpu.memref_slice %arg6[%dma_wait3A_149, %dma_wait3A_156, %dma_wait3A_157] : memref<2x128x64xf32, #tpu.memory_space<vmem>> -> memref<1x128x64xf32, #tpu.memory_space<vmem>>
        %dma_wait3A_159 = tpu.memref_squeeze %dma_wait3A_158 : memref<1x128x64xf32, #tpu.memory_space<vmem>> -> memref<128x64xf32, #tpu.memory_space<vmem>>
        tpu.wait_dma2 semaphore(%arg9 : memref<!tpu.dma_semaphore, #tpu.memory_space<semaphore_mem>>) src(%dma_wait3A_159 : memref<128x64xf32, #tpu.memory_space<vmem>>) dst(%dma_wait3A_155 : memref<128x64xf32, #tpu.memory_space<hbm>>)
        %add3A_160 = arith.constant 2 : i32
        %add3A_161 = arith.addi %add3A_82, %add3A_160 : i32
        %dma_start3A_162 = arith.constant 0 : i32
        %dma_start3A_163 = arith.constant 0 : i32
        %dma_start3A_164 = arith.constant 0 : i32
        %dma_start3A_165 = tpu.memref_slice %arg6[%dma_start3A_162, %dma_start3A_163, %dma_start3A_164] : memref<2x128x64xf32, #tpu.memory_space<vmem>> -> memref<1x128x64xf32, #tpu.memory_space<vmem>>
        %dma_start3A_166 = tpu.memref_squeeze %dma_start3A_165 : memref<1x128x64xf32, #tpu.memory_space<vmem>> -> memref<128x64xf32, #tpu.memory_space<vmem>>
        %dma_start3A_167 = arith.constant 0 : i32
        %dma_start3A_168 = tpu.memref_slice %arg5[%add3A_161, %dma_start3A_167] : memref<50x128xi32, #tpu.memory_space<vmem>> -> memref<1x128xi32, #tpu.memory_space<vmem>>
        %dma_start3A_169 = tpu.memref_squeeze %dma_start3A_168 : memref<1x128xi32, #tpu.memory_space<vmem>> -> memref<128xi32, #tpu.memory_space<vmem>>
        %dma_start3A_170 = arith.constant 0 : i32
        %dma_start3A_171 = arith.constant 0 : i32
        %dma_start3A_172 = tpu.memref_slice %arg2[%dma_start3A_170, %dma_start3A_171] : memref<2000000x64xf32, #tpu.memory_space<hbm>> -> memref<2000000x64xf32, #tpu.memory_space<hbm>>
        tpu.enqueue_indirect_dma source(%dma_start3A_172 : memref<2000000x64xf32, #tpu.memory_space<hbm>>) target(%dma_start3A_166 : memref<128x64xf32, #tpu.memory_space<vmem>>) offsets(%dma_start3A_169 : memref<128xi32, #tpu.memory_space<vmem>>) semaphore(%arg7 : memref<!tpu.dma_semaphore, #tpu.memory_space<semaphore_mem>>)
      } else {
      }
      %add3A_112 = arith.constant 1 : i32
      %add3A_113 = arith.addi %add3A_80, %add3A_112 : i32
      %dma_wait3A_114 = arith.constant 1 : i32
      %dma_wait3A_115 = arith.constant 0 : i32
      %dma_wait3A_116 = arith.constant 0 : i32
      %dma_wait3A_117 = tpu.memref_slice %arg6[%dma_wait3A_114, %dma_wait3A_115, %dma_wait3A_116] : memref<2x128x64xf32, #tpu.memory_space<vmem>> -> memref<1x128x64xf32, #tpu.memory_space<vmem>>
      %dma_wait3A_118 = tpu.memref_squeeze %dma_wait3A_117 : memref<1x128x64xf32, #tpu.memory_space<vmem>> -> memref<128x64xf32, #tpu.memory_space<vmem>>
      %dma_wait3A_119 = arith.constant 0 : i32
      %dma_wait3A_120 = tpu.memref_slice %arg5[%add3A_113, %dma_wait3A_119] : memref<50x128xi32, #tpu.memory_space<vmem>> -> memref<1x128xi32, #tpu.memory_space<vmem>>
      %dma_wait3A_121 = tpu.memref_squeeze %dma_wait3A_120 : memref<1x128xi32, #tpu.memory_space<vmem>> -> memref<128xi32, #tpu.memory_space<vmem>>
      %dma_wait3A_122 = arith.constant 0 : i32
      %dma_wait3A_123 = arith.constant 0 : i32
      %dma_wait3A_124 = tpu.memref_slice %arg2[%dma_wait3A_122, %dma_wait3A_123] : memref<2000000x64xf32, #tpu.memory_space<hbm>> -> memref<2000000x64xf32, #tpu.memory_space<hbm>>
      tpu.wait_indirect_dma semaphore(%arg8 : memref<!tpu.dma_semaphore, #tpu.memory_space<semaphore_mem>>) src(%dma_wait3A_124 : memref<2000000x64xf32, #tpu.memory_space<hbm>>) dst(%dma_wait3A_118 : memref<128x64xf32, #tpu.memory_space<vmem>>)
      %mul3A_125 = arith.constant 2048 : i32
      %mul3A_126 = arith.muli %add3A_113, %mul3A_125 : i32
      %add3A_127 = arith.addi %mul3A_126, %sub3A_21 : i32
      %dma_start3A_128 = arith.constant 1 : i32
      %dma_start3A_129 = arith.constant 0 : i32
      %dma_start3A_130 = arith.constant 0 : i32
      %dma_start3A_131 = tpu.memref_slice %arg6[%dma_start3A_128, %dma_start3A_129, %dma_start3A_130] : memref<2x128x64xf32, #tpu.memory_space<vmem>> -> memref<1x128x64xf32, #tpu.memory_space<vmem>>
      %dma_start3A_132 = tpu.memref_squeeze %dma_start3A_131 : memref<1x128x64xf32, #tpu.memory_space<vmem>> -> memref<128x64xf32, #tpu.memory_space<vmem>>
      %dma_start3A_133 = tpu.memref_slice %arg4[%add3A_127, %mul3A_23] : memref<102400x128xf32, #tpu.memory_space<hbm>> -> memref<128x64xf32, #tpu.memory_space<hbm>>
      %dma_start3A_134 = tpu.memref_slice %arg4[%add3A_127, %mul3A_23] : memref<102400x128xf32, #tpu.memory_space<hbm>> -> memref<128x64xf32, #tpu.memory_space<hbm>>
      %dma_start3A_135 = arith.constant 0 : i32
      %dma_start3A_136 = arith.constant 0 : i32
      %dma_start3A_137 = tpu.memref_slice %arg6[%dma_start3A_128, %dma_start3A_135, %dma_start3A_136] : memref<2x128x64xf32, #tpu.memory_space<vmem>> -> memref<1x128x64xf32, #tpu.memory_space<vmem>>
      %dma_start3A_138 = tpu.memref_squeeze %dma_start3A_137 : memref<1x128x64xf32, #tpu.memory_space<vmem>> -> memref<128x64xf32, #tpu.memory_space<vmem>>
      tpu.enqueue_dma source(%dma_start3A_138 : memref<128x64xf32, #tpu.memory_space<vmem>>) target(%dma_start3A_134 : memref<128x64xf32, #tpu.memory_space<hbm>>) target_semaphore(%arg10 : memref<!tpu.dma_semaphore, #tpu.memory_space<semaphore_mem>>)
      %add3A_139 = arith.constant 2 : i32
      %add3A_140 = arith.addi %add3A_113, %add3A_139 : i32
      %lt3A_141 = arith.constant 50 : i32
      %lt3A_142 = arith.cmpi slt, %add3A_140, %lt3A_141 : i32
      %convert_element_type3A_143 = arith.extui %lt3A_142 : i1 to i32
      %cond3A_144 = arith.constant 0 : i32
      %cond3A_145 = arith.cmpi ne, %convert_element_type3A_143, %cond3A_144 : i32
      scf.if %cond3A_145 {
        %mul3A_146 = arith.constant 2048 : i32
        %mul3A_147 = arith.muli %add3A_113, %mul3A_146 : i32
        %add3A_148 = arith.addi %mul3A_147, %sub3A_21 : i32
        %dma_wait3A_149 = arith.constant 1 : i32
        %dma_wait3A_150 = arith.constant 0 : i32
        %dma_wait3A_151 = arith.constant 0 : i32
        %dma_wait3A_152 = tpu.memref_slice %arg6[%dma_wait3A_149, %dma_wait3A_150, %dma_wait3A_151] : memref<2x128x64xf32, #tpu.memory_space<vmem>> -> memref<1x128x64xf32, #tpu.memory_space<vmem>>
        %dma_wait3A_153 = tpu.memref_squeeze %dma_wait3A_152 : memref<1x128x64xf32, #tpu.memory_space<vmem>> -> memref<128x64xf32, #tpu.memory_space<vmem>>
        %dma_wait3A_154 = tpu.memref_slice %arg4[%add3A_148, %mul3A_23] : memref<102400x128xf32, #tpu.memory_space<hbm>> -> memref<128x64xf32, #tpu.memory_space<hbm>>
        %dma_wait3A_155 = tpu.memref_slice %arg4[%add3A_148, %mul3A_23] : memref<102400x128xf32, #tpu.memory_space<hbm>> -> memref<128x64xf32, #tpu.memory_space<hbm>>
        %dma_wait3A_156 = arith.constant 0 : i32
        %dma_wait3A_157 = arith.constant 0 : i32
        %dma_wait3A_158 = tpu.memref_slice %arg6[%dma_wait3A_149, %dma_wait3A_156, %dma_wait3A_157] : memref<2x128x64xf32, #tpu.memory_space<vmem>> -> memref<1x128x64xf32, #tpu.memory_space<vmem>>
        %dma_wait3A_159 = tpu.memref_squeeze %dma_wait3A_158 : memref<1x128x64xf32, #tpu.memory_space<vmem>> -> memref<128x64xf32, #tpu.memory_space<vmem>>
        tpu.wait_dma2 semaphore(%arg10 : memref<!tpu.dma_semaphore, #tpu.memory_space<semaphore_mem>>) src(%dma_wait3A_159 : memref<128x64xf32, #tpu.memory_space<vmem>>) dst(%dma_wait3A_155 : memref<128x64xf32, #tpu.memory_space<hbm>>)
        %add3A_160 = arith.constant 2 : i32
        %add3A_161 = arith.addi %add3A_113, %add3A_160 : i32
        %dma_start3A_162 = arith.constant 1 : i32
        %dma_start3A_163 = arith.constant 0 : i32
        %dma_start3A_164 = arith.constant 0 : i32
        %dma_start3A_165 = tpu.memref_slice %arg6[%dma_start3A_162, %dma_start3A_163, %dma_start3A_164] : memref<2x128x64xf32, #tpu.memory_space<vmem>> -> memref<1x128x64xf32, #tpu.memory_space<vmem>>
        %dma_start3A_166 = tpu.memref_squeeze %dma_start3A_165 : memref<1x128x64xf32, #tpu.memory_space<vmem>> -> memref<128x64xf32, #tpu.memory_space<vmem>>
        %dma_start3A_167 = arith.constant 0 : i32
        %dma_start3A_168 = tpu.memref_slice %arg5[%add3A_161, %dma_start3A_167] : memref<50x128xi32, #tpu.memory_space<vmem>> -> memref<1x128xi32, #tpu.memory_space<vmem>>
        %dma_start3A_169 = tpu.memref_squeeze %dma_start3A_168 : memref<1x128xi32, #tpu.memory_space<vmem>> -> memref<128xi32, #tpu.memory_space<vmem>>
        %dma_start3A_170 = arith.constant 0 : i32
        %dma_start3A_171 = arith.constant 0 : i32
        %dma_start3A_172 = tpu.memref_slice %arg2[%dma_start3A_170, %dma_start3A_171] : memref<2000000x64xf32, #tpu.memory_space<hbm>> -> memref<2000000x64xf32, #tpu.memory_space<hbm>>
        tpu.enqueue_indirect_dma source(%dma_start3A_172 : memref<2000000x64xf32, #tpu.memory_space<hbm>>) target(%dma_start3A_166 : memref<128x64xf32, #tpu.memory_space<vmem>>) offsets(%dma_start3A_169 : memref<128xi32, #tpu.memory_space<vmem>>) semaphore(%arg8 : memref<!tpu.dma_semaphore, #tpu.memory_space<semaphore_mem>>)
      } else {
      }
    }
    %scan3A_50 = arith.constant 25 : i32
    %add3A_51 = arith.constant 98304 : i32
    %add3A_52 = arith.addi %add3A_51, %sub3A_21 : i32
    %dma_wait3A = arith.constant 0 : i32
    %dma_wait3A_53 = arith.constant 0 : i32
    %dma_wait3A_54 = arith.constant 0 : i32
    %dma_wait3A_55 = tpu.memref_slice %arg6[%dma_wait3A, %dma_wait3A_53, %dma_wait3A_54] : memref<2x128x64xf32, #tpu.memory_space<vmem>> -> memref<1x128x64xf32, #tpu.memory_space<vmem>>
    %dma_wait3A_56 = tpu.memref_squeeze %dma_wait3A_55 : memref<1x128x64xf32, #tpu.memory_space<vmem>> -> memref<128x64xf32, #tpu.memory_space<vmem>>
    %dma_wait3A_57 = tpu.memref_slice %arg4[%add3A_52, %mul3A_23] : memref<102400x128xf32, #tpu.memory_space<hbm>> -> memref<128x64xf32, #tpu.memory_space<hbm>>
    %dma_wait3A_58 = tpu.memref_slice %arg4[%add3A_52, %mul3A_23] : memref<102400x128xf32, #tpu.memory_space<hbm>> -> memref<128x64xf32, #tpu.memory_space<hbm>>
    %dma_wait3A_59 = arith.constant 0 : i32
    %dma_wait3A_60 = arith.constant 0 : i32
    %dma_wait3A_61 = tpu.memref_slice %arg6[%dma_wait3A, %dma_wait3A_59, %dma_wait3A_60] : memref<2x128x64xf32, #tpu.memory_space<vmem>> -> memref<1x128x64xf32, #tpu.memory_space<vmem>>
    %dma_wait3A_62 = tpu.memref_squeeze %dma_wait3A_61 : memref<1x128x64xf32, #tpu.memory_space<vmem>> -> memref<128x64xf32, #tpu.memory_space<vmem>>
    tpu.wait_dma2 semaphore(%arg9 : memref<!tpu.dma_semaphore, #tpu.memory_space<semaphore_mem>>) src(%dma_wait3A_62 : memref<128x64xf32, #tpu.memory_space<vmem>>) dst(%dma_wait3A_58 : memref<128x64xf32, #tpu.memory_space<hbm>>)
    %add3A_63 = arith.constant 100352 : i32
    %add3A_64 = arith.addi %add3A_63, %sub3A_21 : i32
    %dma_wait3A_65 = arith.constant 1 : i32
    %dma_wait3A_66 = arith.constant 0 : i32
    %dma_wait3A_67 = arith.constant 0 : i32
    %dma_wait3A_68 = tpu.memref_slice %arg6[%dma_wait3A_65, %dma_wait3A_66, %dma_wait3A_67] : memref<2x128x64xf32, #tpu.memory_space<vmem>> -> memref<1x128x64xf32, #tpu.memory_space<vmem>>
    %dma_wait3A_69 = tpu.memref_squeeze %dma_wait3A_68 : memref<1x128x64xf32, #tpu.memory_space<vmem>> -> memref<128x64xf32, #tpu.memory_space<vmem>>
    %dma_wait3A_70 = tpu.memref_slice %arg4[%add3A_64, %mul3A_23] : memref<102400x128xf32, #tpu.memory_space<hbm>> -> memref<128x64xf32, #tpu.memory_space<hbm>>
    %dma_wait3A_71 = tpu.memref_slice %arg4[%add3A_64, %mul3A_23] : memref<102400x128xf32, #tpu.memory_space<hbm>> -> memref<128x64xf32, #tpu.memory_space<hbm>>
    %dma_wait3A_72 = arith.constant 0 : i32
    %dma_wait3A_73 = arith.constant 0 : i32
    %dma_wait3A_74 = tpu.memref_slice %arg6[%dma_wait3A_65, %dma_wait3A_72, %dma_wait3A_73] : memref<2x128x64xf32, #tpu.memory_space<vmem>> -> memref<1x128x64xf32, #tpu.memory_space<vmem>>
    %dma_wait3A_75 = tpu.memref_squeeze %dma_wait3A_74 : memref<1x128x64xf32, #tpu.memory_space<vmem>> -> memref<128x64xf32, #tpu.memory_space<vmem>>
    tpu.wait_dma2 semaphore(%arg10 : memref<!tpu.dma_semaphore, #tpu.memory_space<semaphore_mem>>) src(%dma_wait3A_75 : memref<128x64xf32, #tpu.memory_space<vmem>>) dst(%dma_wait3A_71 : memref<128x64xf32, #tpu.memory_space<hbm>>)
    return
  }
}

#map = affine_map<(d0, d1) -> (0, 0)>
module attributes {stable_mosaic.version = 14 : i64} {
  func.func @sc_gather_seg150(%arg0: i32, %arg1: i32, %arg2: memref<2000000x64xf32, #tpu.memory_space<hbm>>, %arg3: memref<200x4096xi32, #tpu.memory_space<hbm>>, %arg4: memref<102400x128xf32, #tpu.memory_space<hbm>>, %arg5: memref<50x128xi32, #tpu.memory_space<vmem>>, %arg6: memref<2x128x64xf32, #tpu.memory_space<vmem>>, %arg7: memref<!tpu.dma_semaphore, #tpu.memory_space<semaphore_mem>>, %arg8: memref<!tpu.dma_semaphore, #tpu.memory_space<semaphore_mem>>, %arg9: memref<!tpu.dma_semaphore, #tpu.memory_space<semaphore_mem>>, %arg10: memref<!tpu.dma_semaphore, #tpu.memory_space<semaphore_mem>>) attributes {dimension_semantics = [#tpu.dimension_semantics<core_parallel>, #tpu.dimension_semantics<subcore_parallel>], iteration_bounds = array<i64: 2, 16>, scalar_prefetch = 0 : i64, scratch_operands = 6 : i64, tpu.core_type = #tpu.core_type<sc_vector_subcore>, window_params = [{transform_indices = #map}, {transform_indices = #map}, {transform_indices = #map}]} {
    %mul3A = arith.constant 2 : i32
    %mul3A_0 = arith.muli %arg1, %mul3A : i32
    %add3A = arith.addi %mul3A_0, %arg0 : i32
    %mul3A_1 = arith.constant 128 : i32
    %mul3A_2 = arith.muli %add3A, %mul3A_1 : i32
    %jit3A = arith.constant 16 : i32
    %div3A = arith.divsi %add3A, %jit3A : i32
    %sign3A = arith.constant 0 : i32
    %sign3A_3 = arith.cmpi sgt, %add3A, %sign3A : i32
    %sign3A_4 = arith.extui %sign3A_3 : i1 to i32
    %sign3A_5 = arith.constant 0 : i32
    %sign3A_6 = arith.cmpi slt, %add3A, %sign3A_5 : i32
    %sign3A_7 = arith.extui %sign3A_6 : i1 to i32
    %sign3A_8 = arith.subi %sign3A_4, %sign3A_7 : i32
    %sign3A_9 = arith.constant 0 : i32
    %sign3A_10 = arith.cmpi sgt, %jit3A, %sign3A_9 : i32
    %sign3A_11 = arith.extui %sign3A_10 : i1 to i32
    %sign3A_12 = arith.constant 0 : i32
    %sign3A_13 = arith.cmpi slt, %jit3A, %sign3A_12 : i32
    %sign3A_14 = arith.extui %sign3A_13 : i1 to i32
    %sign3A_15 = arith.subi %sign3A_11, %sign3A_14 : i32
    %ne3A = arith.cmpi ne, %sign3A_8, %sign3A_15 : i32
    %rem3A = arith.remsi %add3A, %jit3A : i32
    %ne3A_16 = arith.constant 0 : i32
    %ne3A_17 = arith.cmpi ne, %rem3A, %ne3A_16 : i32
    %and3A = arith.andi %ne3A, %ne3A_17 : i1
    %sub3A = arith.constant 1 : i32
    %sub3A_18 = arith.subi %div3A, %sub3A : i32
    %select_n3A = arith.select %and3A, %sub3A_18, %div3A : i32
    %mul3A_19 = arith.constant 2048 : i32
    %mul3A_20 = arith.muli %select_n3A, %mul3A_19 : i32
    %sub3A_21 = arith.subi %mul3A_2, %mul3A_20 : i32
    %mul3A_22 = arith.constant 64 : i32
    %mul3A_23 = arith.muli %select_n3A, %mul3A_22 : i32
    "tpu.region"() ({
      %run_scoped3A = tpu.sem_alloc : memref<!tpu.dma_semaphore, #tpu.memory_space<semaphore_mem>>
      %dma_start3A_76 = arith.constant 150 : i32
      %dma_start3A_77 = tpu.memref_slice %arg3[%dma_start3A_76, %mul3A_2] : memref<200x4096xi32, #tpu.memory_space<hbm>> -> memref<50x128xi32, #tpu.memory_space<hbm>>
      %dma_start3A_78 = arith.constant 150 : i32
      %dma_start3A_79 = tpu.memref_slice %arg3[%dma_start3A_78, %mul3A_2] : memref<200x4096xi32, #tpu.memory_space<hbm>> -> memref<50x128xi32, #tpu.memory_space<hbm>>
      tpu.enqueue_dma source(%dma_start3A_79 : memref<50x128xi32, #tpu.memory_space<hbm>>) target(%arg5 : memref<50x128xi32, #tpu.memory_space<vmem>>) target_semaphore(%run_scoped3A : memref<!tpu.dma_semaphore, #tpu.memory_space<semaphore_mem>>)
      %dma_wait3A_80 = arith.constant 150 : i32
      %dma_wait3A_81 = tpu.memref_slice %arg3[%dma_wait3A_80, %mul3A_2] : memref<200x4096xi32, #tpu.memory_space<hbm>> -> memref<50x128xi32, #tpu.memory_space<hbm>>
      %dma_wait3A_82 = arith.constant 150 : i32
      %dma_wait3A_83 = tpu.memref_slice %arg3[%dma_wait3A_82, %mul3A_2] : memref<200x4096xi32, #tpu.memory_space<hbm>> -> memref<50x128xi32, #tpu.memory_space<hbm>>
      tpu.wait_dma2 semaphore(%run_scoped3A : memref<!tpu.dma_semaphore, #tpu.memory_space<semaphore_mem>>) src(%dma_wait3A_83 : memref<50x128xi32, #tpu.memory_space<hbm>>) dst(%arg5 : memref<50x128xi32, #tpu.memory_space<vmem>>)
      tpu.yield
    }) : () -> ()
    %dma_start3A = arith.constant 0 : i32
    %dma_start3A_24 = arith.constant 0 : i32
    %dma_start3A_25 = arith.constant 0 : i32
    %dma_start3A_26 = arith.constant 0 : i32
    %dma_start3A_27 = tpu.memref_slice %arg6[%dma_start3A_24, %dma_start3A_25, %dma_start3A_26] : memref<2x128x64xf32, #tpu.memory_space<vmem>> -> memref<1x128x64xf32, #tpu.memory_space<vmem>>
    %dma_start3A_28 = tpu.memref_squeeze %dma_start3A_27 : memref<1x128x64xf32, #tpu.memory_space<vmem>> -> memref<128x64xf32, #tpu.memory_space<vmem>>
    %dma_start3A_29 = arith.constant 0 : i32
    %dma_start3A_30 = tpu.memref_slice %arg5[%dma_start3A, %dma_start3A_29] : memref<50x128xi32, #tpu.memory_space<vmem>> -> memref<1x128xi32, #tpu.memory_space<vmem>>
    %dma_start3A_31 = tpu.memref_squeeze %dma_start3A_30 : memref<1x128xi32, #tpu.memory_space<vmem>> -> memref<128xi32, #tpu.memory_space<vmem>>
    %dma_start3A_32 = arith.constant 0 : i32
    %dma_start3A_33 = arith.constant 0 : i32
    %dma_start3A_34 = tpu.memref_slice %arg2[%dma_start3A_32, %dma_start3A_33] : memref<2000000x64xf32, #tpu.memory_space<hbm>> -> memref<2000000x64xf32, #tpu.memory_space<hbm>>
    tpu.enqueue_indirect_dma source(%dma_start3A_34 : memref<2000000x64xf32, #tpu.memory_space<hbm>>) target(%dma_start3A_28 : memref<128x64xf32, #tpu.memory_space<vmem>>) offsets(%dma_start3A_31 : memref<128xi32, #tpu.memory_space<vmem>>) semaphore(%arg7 : memref<!tpu.dma_semaphore, #tpu.memory_space<semaphore_mem>>)
    %dma_start3A_35 = arith.constant 1 : i32
    %dma_start3A_36 = arith.constant 1 : i32
    %dma_start3A_37 = arith.constant 0 : i32
    %dma_start3A_38 = arith.constant 0 : i32
    %dma_start3A_39 = tpu.memref_slice %arg6[%dma_start3A_36, %dma_start3A_37, %dma_start3A_38] : memref<2x128x64xf32, #tpu.memory_space<vmem>> -> memref<1x128x64xf32, #tpu.memory_space<vmem>>
    %dma_start3A_40 = tpu.memref_squeeze %dma_start3A_39 : memref<1x128x64xf32, #tpu.memory_space<vmem>> -> memref<128x64xf32, #tpu.memory_space<vmem>>
    %dma_start3A_41 = arith.constant 0 : i32
    %dma_start3A_42 = tpu.memref_slice %arg5[%dma_start3A_35, %dma_start3A_41] : memref<50x128xi32, #tpu.memory_space<vmem>> -> memref<1x128xi32, #tpu.memory_space<vmem>>
    %dma_start3A_43 = tpu.memref_squeeze %dma_start3A_42 : memref<1x128xi32, #tpu.memory_space<vmem>> -> memref<128xi32, #tpu.memory_space<vmem>>
    %dma_start3A_44 = arith.constant 0 : i32
    %dma_start3A_45 = arith.constant 0 : i32
    %dma_start3A_46 = tpu.memref_slice %arg2[%dma_start3A_44, %dma_start3A_45] : memref<2000000x64xf32, #tpu.memory_space<hbm>> -> memref<2000000x64xf32, #tpu.memory_space<hbm>>
    tpu.enqueue_indirect_dma source(%dma_start3A_46 : memref<2000000x64xf32, #tpu.memory_space<hbm>>) target(%dma_start3A_40 : memref<128x64xf32, #tpu.memory_space<vmem>>) offsets(%dma_start3A_43 : memref<128xi32, #tpu.memory_space<vmem>>) semaphore(%arg8 : memref<!tpu.dma_semaphore, #tpu.memory_space<semaphore_mem>>)
    %scan3A = arith.constant 0 : i32
    %scan3A_47 = arith.constant 25 : i32
    %scan3A_48 = arith.addi %scan3A, %scan3A_47 : i32
    %scan3A_49 = arith.constant 1 : i32
    scf.for %scan3A_76 = %scan3A to %scan3A_48 step %scan3A_49  : i32 {
      %mul3A_77 = arith.constant 2 : i32
      %mul3A_78 = arith.muli %scan3A_76, %mul3A_77 : i32
      %add3A_79 = arith.constant 0 : i32
      %add3A_80 = arith.addi %add3A_79, %mul3A_78 : i32
      %add3A_81 = arith.constant 0 : i32
      %add3A_82 = arith.addi %add3A_80, %add3A_81 : i32
      %dma_wait3A_83 = arith.constant 0 : i32
      %dma_wait3A_84 = arith.constant 0 : i32
      %dma_wait3A_85 = arith.constant 0 : i32
      %dma_wait3A_86 = tpu.memref_slice %arg6[%dma_wait3A_83, %dma_wait3A_84, %dma_wait3A_85] : memref<2x128x64xf32, #tpu.memory_space<vmem>> -> memref<1x128x64xf32, #tpu.memory_space<vmem>>
      %dma_wait3A_87 = tpu.memref_squeeze %dma_wait3A_86 : memref<1x128x64xf32, #tpu.memory_space<vmem>> -> memref<128x64xf32, #tpu.memory_space<vmem>>
      %dma_wait3A_88 = arith.constant 0 : i32
      %dma_wait3A_89 = tpu.memref_slice %arg5[%add3A_82, %dma_wait3A_88] : memref<50x128xi32, #tpu.memory_space<vmem>> -> memref<1x128xi32, #tpu.memory_space<vmem>>
      %dma_wait3A_90 = tpu.memref_squeeze %dma_wait3A_89 : memref<1x128xi32, #tpu.memory_space<vmem>> -> memref<128xi32, #tpu.memory_space<vmem>>
      %dma_wait3A_91 = arith.constant 0 : i32
      %dma_wait3A_92 = arith.constant 0 : i32
      %dma_wait3A_93 = tpu.memref_slice %arg2[%dma_wait3A_91, %dma_wait3A_92] : memref<2000000x64xf32, #tpu.memory_space<hbm>> -> memref<2000000x64xf32, #tpu.memory_space<hbm>>
      tpu.wait_indirect_dma semaphore(%arg7 : memref<!tpu.dma_semaphore, #tpu.memory_space<semaphore_mem>>) src(%dma_wait3A_93 : memref<2000000x64xf32, #tpu.memory_space<hbm>>) dst(%dma_wait3A_87 : memref<128x64xf32, #tpu.memory_space<vmem>>)
      %mul3A_94 = arith.constant 2048 : i32
      %mul3A_95 = arith.muli %add3A_82, %mul3A_94 : i32
      %add3A_96 = arith.addi %mul3A_95, %sub3A_21 : i32
      %dma_start3A_97 = arith.constant 0 : i32
      %dma_start3A_98 = arith.constant 0 : i32
      %dma_start3A_99 = arith.constant 0 : i32
      %dma_start3A_100 = tpu.memref_slice %arg6[%dma_start3A_97, %dma_start3A_98, %dma_start3A_99] : memref<2x128x64xf32, #tpu.memory_space<vmem>> -> memref<1x128x64xf32, #tpu.memory_space<vmem>>
      %dma_start3A_101 = tpu.memref_squeeze %dma_start3A_100 : memref<1x128x64xf32, #tpu.memory_space<vmem>> -> memref<128x64xf32, #tpu.memory_space<vmem>>
      %dma_start3A_102 = tpu.memref_slice %arg4[%add3A_96, %mul3A_23] : memref<102400x128xf32, #tpu.memory_space<hbm>> -> memref<128x64xf32, #tpu.memory_space<hbm>>
      %dma_start3A_103 = tpu.memref_slice %arg4[%add3A_96, %mul3A_23] : memref<102400x128xf32, #tpu.memory_space<hbm>> -> memref<128x64xf32, #tpu.memory_space<hbm>>
      %dma_start3A_104 = arith.constant 0 : i32
      %dma_start3A_105 = arith.constant 0 : i32
      %dma_start3A_106 = tpu.memref_slice %arg6[%dma_start3A_97, %dma_start3A_104, %dma_start3A_105] : memref<2x128x64xf32, #tpu.memory_space<vmem>> -> memref<1x128x64xf32, #tpu.memory_space<vmem>>
      %dma_start3A_107 = tpu.memref_squeeze %dma_start3A_106 : memref<1x128x64xf32, #tpu.memory_space<vmem>> -> memref<128x64xf32, #tpu.memory_space<vmem>>
      tpu.enqueue_dma source(%dma_start3A_107 : memref<128x64xf32, #tpu.memory_space<vmem>>) target(%dma_start3A_103 : memref<128x64xf32, #tpu.memory_space<hbm>>) target_semaphore(%arg9 : memref<!tpu.dma_semaphore, #tpu.memory_space<semaphore_mem>>)
      %add3A_108 = arith.constant 2 : i32
      %add3A_109 = arith.addi %add3A_82, %add3A_108 : i32
      %lt3A = arith.constant 50 : i32
      %lt3A_110 = arith.cmpi slt, %add3A_109, %lt3A : i32
      %convert_element_type3A = arith.extui %lt3A_110 : i1 to i32
      %cond3A = arith.constant 0 : i32
      %cond3A_111 = arith.cmpi ne, %convert_element_type3A, %cond3A : i32
      scf.if %cond3A_111 {
        %mul3A_146 = arith.constant 2048 : i32
        %mul3A_147 = arith.muli %add3A_82, %mul3A_146 : i32
        %add3A_148 = arith.addi %mul3A_147, %sub3A_21 : i32
        %dma_wait3A_149 = arith.constant 0 : i32
        %dma_wait3A_150 = arith.constant 0 : i32
        %dma_wait3A_151 = arith.constant 0 : i32
        %dma_wait3A_152 = tpu.memref_slice %arg6[%dma_wait3A_149, %dma_wait3A_150, %dma_wait3A_151] : memref<2x128x64xf32, #tpu.memory_space<vmem>> -> memref<1x128x64xf32, #tpu.memory_space<vmem>>
        %dma_wait3A_153 = tpu.memref_squeeze %dma_wait3A_152 : memref<1x128x64xf32, #tpu.memory_space<vmem>> -> memref<128x64xf32, #tpu.memory_space<vmem>>
        %dma_wait3A_154 = tpu.memref_slice %arg4[%add3A_148, %mul3A_23] : memref<102400x128xf32, #tpu.memory_space<hbm>> -> memref<128x64xf32, #tpu.memory_space<hbm>>
        %dma_wait3A_155 = tpu.memref_slice %arg4[%add3A_148, %mul3A_23] : memref<102400x128xf32, #tpu.memory_space<hbm>> -> memref<128x64xf32, #tpu.memory_space<hbm>>
        %dma_wait3A_156 = arith.constant 0 : i32
        %dma_wait3A_157 = arith.constant 0 : i32
        %dma_wait3A_158 = tpu.memref_slice %arg6[%dma_wait3A_149, %dma_wait3A_156, %dma_wait3A_157] : memref<2x128x64xf32, #tpu.memory_space<vmem>> -> memref<1x128x64xf32, #tpu.memory_space<vmem>>
        %dma_wait3A_159 = tpu.memref_squeeze %dma_wait3A_158 : memref<1x128x64xf32, #tpu.memory_space<vmem>> -> memref<128x64xf32, #tpu.memory_space<vmem>>
        tpu.wait_dma2 semaphore(%arg9 : memref<!tpu.dma_semaphore, #tpu.memory_space<semaphore_mem>>) src(%dma_wait3A_159 : memref<128x64xf32, #tpu.memory_space<vmem>>) dst(%dma_wait3A_155 : memref<128x64xf32, #tpu.memory_space<hbm>>)
        %add3A_160 = arith.constant 2 : i32
        %add3A_161 = arith.addi %add3A_82, %add3A_160 : i32
        %dma_start3A_162 = arith.constant 0 : i32
        %dma_start3A_163 = arith.constant 0 : i32
        %dma_start3A_164 = arith.constant 0 : i32
        %dma_start3A_165 = tpu.memref_slice %arg6[%dma_start3A_162, %dma_start3A_163, %dma_start3A_164] : memref<2x128x64xf32, #tpu.memory_space<vmem>> -> memref<1x128x64xf32, #tpu.memory_space<vmem>>
        %dma_start3A_166 = tpu.memref_squeeze %dma_start3A_165 : memref<1x128x64xf32, #tpu.memory_space<vmem>> -> memref<128x64xf32, #tpu.memory_space<vmem>>
        %dma_start3A_167 = arith.constant 0 : i32
        %dma_start3A_168 = tpu.memref_slice %arg5[%add3A_161, %dma_start3A_167] : memref<50x128xi32, #tpu.memory_space<vmem>> -> memref<1x128xi32, #tpu.memory_space<vmem>>
        %dma_start3A_169 = tpu.memref_squeeze %dma_start3A_168 : memref<1x128xi32, #tpu.memory_space<vmem>> -> memref<128xi32, #tpu.memory_space<vmem>>
        %dma_start3A_170 = arith.constant 0 : i32
        %dma_start3A_171 = arith.constant 0 : i32
        %dma_start3A_172 = tpu.memref_slice %arg2[%dma_start3A_170, %dma_start3A_171] : memref<2000000x64xf32, #tpu.memory_space<hbm>> -> memref<2000000x64xf32, #tpu.memory_space<hbm>>
        tpu.enqueue_indirect_dma source(%dma_start3A_172 : memref<2000000x64xf32, #tpu.memory_space<hbm>>) target(%dma_start3A_166 : memref<128x64xf32, #tpu.memory_space<vmem>>) offsets(%dma_start3A_169 : memref<128xi32, #tpu.memory_space<vmem>>) semaphore(%arg7 : memref<!tpu.dma_semaphore, #tpu.memory_space<semaphore_mem>>)
      } else {
      }
      %add3A_112 = arith.constant 1 : i32
      %add3A_113 = arith.addi %add3A_80, %add3A_112 : i32
      %dma_wait3A_114 = arith.constant 1 : i32
      %dma_wait3A_115 = arith.constant 0 : i32
      %dma_wait3A_116 = arith.constant 0 : i32
      %dma_wait3A_117 = tpu.memref_slice %arg6[%dma_wait3A_114, %dma_wait3A_115, %dma_wait3A_116] : memref<2x128x64xf32, #tpu.memory_space<vmem>> -> memref<1x128x64xf32, #tpu.memory_space<vmem>>
      %dma_wait3A_118 = tpu.memref_squeeze %dma_wait3A_117 : memref<1x128x64xf32, #tpu.memory_space<vmem>> -> memref<128x64xf32, #tpu.memory_space<vmem>>
      %dma_wait3A_119 = arith.constant 0 : i32
      %dma_wait3A_120 = tpu.memref_slice %arg5[%add3A_113, %dma_wait3A_119] : memref<50x128xi32, #tpu.memory_space<vmem>> -> memref<1x128xi32, #tpu.memory_space<vmem>>
      %dma_wait3A_121 = tpu.memref_squeeze %dma_wait3A_120 : memref<1x128xi32, #tpu.memory_space<vmem>> -> memref<128xi32, #tpu.memory_space<vmem>>
      %dma_wait3A_122 = arith.constant 0 : i32
      %dma_wait3A_123 = arith.constant 0 : i32
      %dma_wait3A_124 = tpu.memref_slice %arg2[%dma_wait3A_122, %dma_wait3A_123] : memref<2000000x64xf32, #tpu.memory_space<hbm>> -> memref<2000000x64xf32, #tpu.memory_space<hbm>>
      tpu.wait_indirect_dma semaphore(%arg8 : memref<!tpu.dma_semaphore, #tpu.memory_space<semaphore_mem>>) src(%dma_wait3A_124 : memref<2000000x64xf32, #tpu.memory_space<hbm>>) dst(%dma_wait3A_118 : memref<128x64xf32, #tpu.memory_space<vmem>>)
      %mul3A_125 = arith.constant 2048 : i32
      %mul3A_126 = arith.muli %add3A_113, %mul3A_125 : i32
      %add3A_127 = arith.addi %mul3A_126, %sub3A_21 : i32
      %dma_start3A_128 = arith.constant 1 : i32
      %dma_start3A_129 = arith.constant 0 : i32
      %dma_start3A_130 = arith.constant 0 : i32
      %dma_start3A_131 = tpu.memref_slice %arg6[%dma_start3A_128, %dma_start3A_129, %dma_start3A_130] : memref<2x128x64xf32, #tpu.memory_space<vmem>> -> memref<1x128x64xf32, #tpu.memory_space<vmem>>
      %dma_start3A_132 = tpu.memref_squeeze %dma_start3A_131 : memref<1x128x64xf32, #tpu.memory_space<vmem>> -> memref<128x64xf32, #tpu.memory_space<vmem>>
      %dma_start3A_133 = tpu.memref_slice %arg4[%add3A_127, %mul3A_23] : memref<102400x128xf32, #tpu.memory_space<hbm>> -> memref<128x64xf32, #tpu.memory_space<hbm>>
      %dma_start3A_134 = tpu.memref_slice %arg4[%add3A_127, %mul3A_23] : memref<102400x128xf32, #tpu.memory_space<hbm>> -> memref<128x64xf32, #tpu.memory_space<hbm>>
      %dma_start3A_135 = arith.constant 0 : i32
      %dma_start3A_136 = arith.constant 0 : i32
      %dma_start3A_137 = tpu.memref_slice %arg6[%dma_start3A_128, %dma_start3A_135, %dma_start3A_136] : memref<2x128x64xf32, #tpu.memory_space<vmem>> -> memref<1x128x64xf32, #tpu.memory_space<vmem>>
      %dma_start3A_138 = tpu.memref_squeeze %dma_start3A_137 : memref<1x128x64xf32, #tpu.memory_space<vmem>> -> memref<128x64xf32, #tpu.memory_space<vmem>>
      tpu.enqueue_dma source(%dma_start3A_138 : memref<128x64xf32, #tpu.memory_space<vmem>>) target(%dma_start3A_134 : memref<128x64xf32, #tpu.memory_space<hbm>>) target_semaphore(%arg10 : memref<!tpu.dma_semaphore, #tpu.memory_space<semaphore_mem>>)
      %add3A_139 = arith.constant 2 : i32
      %add3A_140 = arith.addi %add3A_113, %add3A_139 : i32
      %lt3A_141 = arith.constant 50 : i32
      %lt3A_142 = arith.cmpi slt, %add3A_140, %lt3A_141 : i32
      %convert_element_type3A_143 = arith.extui %lt3A_142 : i1 to i32
      %cond3A_144 = arith.constant 0 : i32
      %cond3A_145 = arith.cmpi ne, %convert_element_type3A_143, %cond3A_144 : i32
      scf.if %cond3A_145 {
        %mul3A_146 = arith.constant 2048 : i32
        %mul3A_147 = arith.muli %add3A_113, %mul3A_146 : i32
        %add3A_148 = arith.addi %mul3A_147, %sub3A_21 : i32
        %dma_wait3A_149 = arith.constant 1 : i32
        %dma_wait3A_150 = arith.constant 0 : i32
        %dma_wait3A_151 = arith.constant 0 : i32
        %dma_wait3A_152 = tpu.memref_slice %arg6[%dma_wait3A_149, %dma_wait3A_150, %dma_wait3A_151] : memref<2x128x64xf32, #tpu.memory_space<vmem>> -> memref<1x128x64xf32, #tpu.memory_space<vmem>>
        %dma_wait3A_153 = tpu.memref_squeeze %dma_wait3A_152 : memref<1x128x64xf32, #tpu.memory_space<vmem>> -> memref<128x64xf32, #tpu.memory_space<vmem>>
        %dma_wait3A_154 = tpu.memref_slice %arg4[%add3A_148, %mul3A_23] : memref<102400x128xf32, #tpu.memory_space<hbm>> -> memref<128x64xf32, #tpu.memory_space<hbm>>
        %dma_wait3A_155 = tpu.memref_slice %arg4[%add3A_148, %mul3A_23] : memref<102400x128xf32, #tpu.memory_space<hbm>> -> memref<128x64xf32, #tpu.memory_space<hbm>>
        %dma_wait3A_156 = arith.constant 0 : i32
        %dma_wait3A_157 = arith.constant 0 : i32
        %dma_wait3A_158 = tpu.memref_slice %arg6[%dma_wait3A_149, %dma_wait3A_156, %dma_wait3A_157] : memref<2x128x64xf32, #tpu.memory_space<vmem>> -> memref<1x128x64xf32, #tpu.memory_space<vmem>>
        %dma_wait3A_159 = tpu.memref_squeeze %dma_wait3A_158 : memref<1x128x64xf32, #tpu.memory_space<vmem>> -> memref<128x64xf32, #tpu.memory_space<vmem>>
        tpu.wait_dma2 semaphore(%arg10 : memref<!tpu.dma_semaphore, #tpu.memory_space<semaphore_mem>>) src(%dma_wait3A_159 : memref<128x64xf32, #tpu.memory_space<vmem>>) dst(%dma_wait3A_155 : memref<128x64xf32, #tpu.memory_space<hbm>>)
        %add3A_160 = arith.constant 2 : i32
        %add3A_161 = arith.addi %add3A_113, %add3A_160 : i32
        %dma_start3A_162 = arith.constant 1 : i32
        %dma_start3A_163 = arith.constant 0 : i32
        %dma_start3A_164 = arith.constant 0 : i32
        %dma_start3A_165 = tpu.memref_slice %arg6[%dma_start3A_162, %dma_start3A_163, %dma_start3A_164] : memref<2x128x64xf32, #tpu.memory_space<vmem>> -> memref<1x128x64xf32, #tpu.memory_space<vmem>>
        %dma_start3A_166 = tpu.memref_squeeze %dma_start3A_165 : memref<1x128x64xf32, #tpu.memory_space<vmem>> -> memref<128x64xf32, #tpu.memory_space<vmem>>
        %dma_start3A_167 = arith.constant 0 : i32
        %dma_start3A_168 = tpu.memref_slice %arg5[%add3A_161, %dma_start3A_167] : memref<50x128xi32, #tpu.memory_space<vmem>> -> memref<1x128xi32, #tpu.memory_space<vmem>>
        %dma_start3A_169 = tpu.memref_squeeze %dma_start3A_168 : memref<1x128xi32, #tpu.memory_space<vmem>> -> memref<128xi32, #tpu.memory_space<vmem>>
        %dma_start3A_170 = arith.constant 0 : i32
        %dma_start3A_171 = arith.constant 0 : i32
        %dma_start3A_172 = tpu.memref_slice %arg2[%dma_start3A_170, %dma_start3A_171] : memref<2000000x64xf32, #tpu.memory_space<hbm>> -> memref<2000000x64xf32, #tpu.memory_space<hbm>>
        tpu.enqueue_indirect_dma source(%dma_start3A_172 : memref<2000000x64xf32, #tpu.memory_space<hbm>>) target(%dma_start3A_166 : memref<128x64xf32, #tpu.memory_space<vmem>>) offsets(%dma_start3A_169 : memref<128xi32, #tpu.memory_space<vmem>>) semaphore(%arg8 : memref<!tpu.dma_semaphore, #tpu.memory_space<semaphore_mem>>)
      } else {
      }
    }
    %scan3A_50 = arith.constant 25 : i32
    %add3A_51 = arith.constant 98304 : i32
    %add3A_52 = arith.addi %add3A_51, %sub3A_21 : i32
    %dma_wait3A = arith.constant 0 : i32
    %dma_wait3A_53 = arith.constant 0 : i32
    %dma_wait3A_54 = arith.constant 0 : i32
    %dma_wait3A_55 = tpu.memref_slice %arg6[%dma_wait3A, %dma_wait3A_53, %dma_wait3A_54] : memref<2x128x64xf32, #tpu.memory_space<vmem>> -> memref<1x128x64xf32, #tpu.memory_space<vmem>>
    %dma_wait3A_56 = tpu.memref_squeeze %dma_wait3A_55 : memref<1x128x64xf32, #tpu.memory_space<vmem>> -> memref<128x64xf32, #tpu.memory_space<vmem>>
    %dma_wait3A_57 = tpu.memref_slice %arg4[%add3A_52, %mul3A_23] : memref<102400x128xf32, #tpu.memory_space<hbm>> -> memref<128x64xf32, #tpu.memory_space<hbm>>
    %dma_wait3A_58 = tpu.memref_slice %arg4[%add3A_52, %mul3A_23] : memref<102400x128xf32, #tpu.memory_space<hbm>> -> memref<128x64xf32, #tpu.memory_space<hbm>>
    %dma_wait3A_59 = arith.constant 0 : i32
    %dma_wait3A_60 = arith.constant 0 : i32
    %dma_wait3A_61 = tpu.memref_slice %arg6[%dma_wait3A, %dma_wait3A_59, %dma_wait3A_60] : memref<2x128x64xf32, #tpu.memory_space<vmem>> -> memref<1x128x64xf32, #tpu.memory_space<vmem>>
    %dma_wait3A_62 = tpu.memref_squeeze %dma_wait3A_61 : memref<1x128x64xf32, #tpu.memory_space<vmem>> -> memref<128x64xf32, #tpu.memory_space<vmem>>
    tpu.wait_dma2 semaphore(%arg9 : memref<!tpu.dma_semaphore, #tpu.memory_space<semaphore_mem>>) src(%dma_wait3A_62 : memref<128x64xf32, #tpu.memory_space<vmem>>) dst(%dma_wait3A_58 : memref<128x64xf32, #tpu.memory_space<hbm>>)
    %add3A_63 = arith.constant 100352 : i32
    %add3A_64 = arith.addi %add3A_63, %sub3A_21 : i32
    %dma_wait3A_65 = arith.constant 1 : i32
    %dma_wait3A_66 = arith.constant 0 : i32
    %dma_wait3A_67 = arith.constant 0 : i32
    %dma_wait3A_68 = tpu.memref_slice %arg6[%dma_wait3A_65, %dma_wait3A_66, %dma_wait3A_67] : memref<2x128x64xf32, #tpu.memory_space<vmem>> -> memref<1x128x64xf32, #tpu.memory_space<vmem>>
    %dma_wait3A_69 = tpu.memref_squeeze %dma_wait3A_68 : memref<1x128x64xf32, #tpu.memory_space<vmem>> -> memref<128x64xf32, #tpu.memory_space<vmem>>
    %dma_wait3A_70 = tpu.memref_slice %arg4[%add3A_64, %mul3A_23] : memref<102400x128xf32, #tpu.memory_space<hbm>> -> memref<128x64xf32, #tpu.memory_space<hbm>>
    %dma_wait3A_71 = tpu.memref_slice %arg4[%add3A_64, %mul3A_23] : memref<102400x128xf32, #tpu.memory_space<hbm>> -> memref<128x64xf32, #tpu.memory_space<hbm>>
    %dma_wait3A_72 = arith.constant 0 : i32
    %dma_wait3A_73 = arith.constant 0 : i32
    %dma_wait3A_74 = tpu.memref_slice %arg6[%dma_wait3A_65, %dma_wait3A_72, %dma_wait3A_73] : memref<2x128x64xf32, #tpu.memory_space<vmem>> -> memref<1x128x64xf32, #tpu.memory_space<vmem>>
    %dma_wait3A_75 = tpu.memref_squeeze %dma_wait3A_74 : memref<1x128x64xf32, #tpu.memory_space<vmem>> -> memref<128x64xf32, #tpu.memory_space<vmem>>
    tpu.wait_dma2 semaphore(%arg10 : memref<!tpu.dma_semaphore, #tpu.memory_space<semaphore_mem>>) src(%dma_wait3A_75 : memref<128x64xf32, #tpu.memory_space<vmem>>) dst(%dma_wait3A_71 : memref<128x64xf32, #tpu.memory_space<hbm>>)
    return
  }
}

module attributes {stable_mosaic.version = 14 : i64} {
  func.func @tc_transpose_seg0(%arg0: i32, %arg1: memref<2048x128xf32, #tpu.memory_space<vmem>>, %arg2: memref<1x64x4096xf32, #tpu.memory_space<vmem>>) attributes {dimension_semantics = [#tpu.dimension_semantics<arbitrary>], iteration_bounds = array<i64: 50>, scalar_prefetch = 0 : i64, scratch_operands = 0 : i64, tpu.core_type = #tpu.core_type<tc>, window_params = [{transform_indices = @transform_0, window_bounds = array<i64: 2048, 128>}, {transform_indices = @transform_1, window_bounds = array<i64: 1, 64, 4096>}]} {
    %get3A = arith.constant 0 : index
    %get3A_0 = arith.constant 0 : index
    %get3A_1 = vector.load %arg1[%get3A, %get3A_0] : memref<2048x128xf32, #tpu.memory_space<vmem>>, vector<2048x128xf32>
    %slice3A = vector.extract_strided_slice %get3A_1 {offsets = [0, 0], sizes = [2048, 64], strides = [1, 1]} : vector<2048x128xf32> to vector<2048x64xf32>
    %transpose3A = tpu.transpose %slice3A, [1, 0] : vector<2048x64xf32> -> vector<64x2048xf32>
    %mul3A = arith.constant 8.000000e+00 : f32
    %mul3A_2 = vector.broadcast %mul3A : f32 to vector<64x2048xf32>
    %mul3A_3 = arith.mulf %transpose3A, %mul3A_2 : vector<64x2048xf32>
    %swap3A = arith.constant 0 : index
    %swap3A_4 = arith.constant 0 : index
    %swap3A_5 = arith.constant 0 : index
    %swap3A_6 = vector.load %arg2[%swap3A, %swap3A_4, %swap3A_5] : memref<1x64x4096xf32, #tpu.memory_space<vmem>>, vector<1x64x2048xf32>
    %swap3A_7 = vector.shape_cast %swap3A_6 : vector<1x64x2048xf32> to vector<64x2048xf32>
    %swap3A_8 = vector.shape_cast %mul3A_3 : vector<64x2048xf32> to vector<1x64x2048xf32>
    tpu.vector_store %arg2[%swap3A, %swap3A_4, %swap3A_5], %swap3A_8 {strides = array<i32>} : memref<1x64x4096xf32, #tpu.memory_space<vmem>>, vector<1x64x2048xf32>,
    %slice3A_9 = vector.extract_strided_slice %get3A_1 {offsets = [0, 64], sizes = [2048, 64], strides = [1, 1]} : vector<2048x128xf32> to vector<2048x64xf32>
    %transpose3A_10 = tpu.transpose %slice3A_9, [1, 0] : vector<2048x64xf32> -> vector<64x2048xf32>
    %mul3A_11 = arith.constant 8.000000e+00 : f32
    %mul3A_12 = vector.broadcast %mul3A_11 : f32 to vector<64x2048xf32>
    %mul3A_13 = arith.mulf %transpose3A_10, %mul3A_12 : vector<64x2048xf32>
    %swap3A_14 = arith.constant 0 : index
    %swap3A_15 = arith.constant 0 : index
    %swap3A_16 = arith.constant 2048 : index
    %swap3A_17 = vector.load %arg2[%swap3A_14, %swap3A_15, %swap3A_16] : memref<1x64x4096xf32, #tpu.memory_space<vmem>>, vector<1x64x2048xf32>
    %swap3A_18 = vector.shape_cast %swap3A_17 : vector<1x64x2048xf32> to vector<64x2048xf32>
    %swap3A_19 = vector.shape_cast %mul3A_13 : vector<64x2048xf32> to vector<1x64x2048xf32>
    tpu.vector_store %arg2[%swap3A_14, %swap3A_15, %swap3A_16], %swap3A_19 {strides = array<i32>} : memref<1x64x4096xf32, #tpu.memory_space<vmem>>, vector<1x64x2048xf32>,
    return
  }
  func.func @transform_0(%arg0: i32) -> (i32, i32) {
    %c0_i32 = arith.constant 0 : i32
    %c0_i32_0 = arith.constant 0 : i32
    return %arg0, %c0_i32 : i32, i32
  }
  func.func @transform_1(%arg0: i32) -> (i32, i32, i32) {
    %c0_i32 = arith.constant 0 : i32
    %c0_i32_0 = arith.constant 0 : i32
    %c0_i32_1 = arith.constant 0 : i32
    return %arg0, %c0_i32, %c0_i32_0 : i32, i32, i32
  }
}

module attributes {stable_mosaic.version = 14 : i64} {
  func.func @tc_transpose_seg1(%arg0: i32, %arg1: memref<2048x128xf32, #tpu.memory_space<vmem>>, %arg2: memref<200x64x4096xf32, #tpu.memory_space<any>>, %arg3: memref<1x64x4096xf32, #tpu.memory_space<vmem>>) attributes {dimension_semantics = [#tpu.dimension_semantics<arbitrary>], iteration_bounds = array<i64: 50>, scalar_prefetch = 0 : i64, scratch_operands = 0 : i64, tpu.core_type = #tpu.core_type<tc>, window_params = [{transform_indices = @transform_0, window_bounds = array<i64: 2048, 128>}, {}, {transform_indices = @transform_2, window_bounds = array<i64: 1, 64, 4096>}]} {
    %get3A = arith.constant 0 : index
    %get3A_0 = arith.constant 0 : index
    %get3A_1 = vector.load %arg1[%get3A, %get3A_0] : memref<2048x128xf32, #tpu.memory_space<vmem>>, vector<2048x128xf32>
    %slice3A = vector.extract_strided_slice %get3A_1 {offsets = [0, 0], sizes = [2048, 64], strides = [1, 1]} : vector<2048x128xf32> to vector<2048x64xf32>
    %transpose3A = tpu.transpose %slice3A, [1, 0] : vector<2048x64xf32> -> vector<64x2048xf32>
    %mul3A = arith.constant 8.000000e+00 : f32
    %mul3A_2 = vector.broadcast %mul3A : f32 to vector<64x2048xf32>
    %mul3A_3 = arith.mulf %transpose3A, %mul3A_2 : vector<64x2048xf32>
    %swap3A = arith.constant 0 : index
    %swap3A_4 = arith.constant 0 : index
    %swap3A_5 = arith.constant 0 : index
    %swap3A_6 = vector.load %arg3[%swap3A, %swap3A_4, %swap3A_5] : memref<1x64x4096xf32, #tpu.memory_space<vmem>>, vector<1x64x2048xf32>
    %swap3A_7 = vector.shape_cast %swap3A_6 : vector<1x64x2048xf32> to vector<64x2048xf32>
    %swap3A_8 = vector.shape_cast %mul3A_3 : vector<64x2048xf32> to vector<1x64x2048xf32>
    tpu.vector_store %arg3[%swap3A, %swap3A_4, %swap3A_5], %swap3A_8 {strides = array<i32>} : memref<1x64x4096xf32, #tpu.memory_space<vmem>>, vector<1x64x2048xf32>,
    %slice3A_9 = vector.extract_strided_slice %get3A_1 {offsets = [0, 64], sizes = [2048, 64], strides = [1, 1]} : vector<2048x128xf32> to vector<2048x64xf32>
    %transpose3A_10 = tpu.transpose %slice3A_9, [1, 0] : vector<2048x64xf32> -> vector<64x2048xf32>
    %mul3A_11 = arith.constant 8.000000e+00 : f32
    %mul3A_12 = vector.broadcast %mul3A_11 : f32 to vector<64x2048xf32>
    %mul3A_13 = arith.mulf %transpose3A_10, %mul3A_12 : vector<64x2048xf32>
    %swap3A_14 = arith.constant 0 : index
    %swap3A_15 = arith.constant 0 : index
    %swap3A_16 = arith.constant 2048 : index
    %swap3A_17 = vector.load %arg3[%swap3A_14, %swap3A_15, %swap3A_16] : memref<1x64x4096xf32, #tpu.memory_space<vmem>>, vector<1x64x2048xf32>
    %swap3A_18 = vector.shape_cast %swap3A_17 : vector<1x64x2048xf32> to vector<64x2048xf32>
    %swap3A_19 = vector.shape_cast %mul3A_13 : vector<64x2048xf32> to vector<1x64x2048xf32>
    tpu.vector_store %arg3[%swap3A_14, %swap3A_15, %swap3A_16], %swap3A_19 {strides = array<i32>} : memref<1x64x4096xf32, #tpu.memory_space<vmem>>, vector<1x64x2048xf32>,
    return
  }
  func.func @transform_0(%arg0: i32) -> (i32, i32) {
    %c0_i32 = arith.constant 0 : i32
    %c0_i32_0 = arith.constant 0 : i32
    return %arg0, %c0_i32 : i32, i32
  }
  func.func @transform_2(%arg0: i32) -> (i32, i32, i32) {
    %add3A = arith.constant 50 : i32
    %add3A_0 = arith.addi %add3A, %arg0 : i32
    %c0_i32 = arith.constant 0 : i32
    %c0_i32_1 = arith.constant 0 : i32
    %c0_i32_2 = arith.constant 0 : i32
    return %add3A_0, %c0_i32, %c0_i32_1 : i32, i32, i32
  }
}

module attributes {stable_mosaic.version = 14 : i64} {
  func.func @tc_transpose_seg2(%arg0: i32, %arg1: memref<2048x128xf32, #tpu.memory_space<vmem>>, %arg2: memref<200x64x4096xf32, #tpu.memory_space<any>>, %arg3: memref<1x64x4096xf32, #tpu.memory_space<vmem>>) attributes {dimension_semantics = [#tpu.dimension_semantics<arbitrary>], iteration_bounds = array<i64: 50>, scalar_prefetch = 0 : i64, scratch_operands = 0 : i64, tpu.core_type = #tpu.core_type<tc>, window_params = [{transform_indices = @transform_0, window_bounds = array<i64: 2048, 128>}, {}, {transform_indices = @transform_2, window_bounds = array<i64: 1, 64, 4096>}]} {
    %get3A = arith.constant 0 : index
    %get3A_0 = arith.constant 0 : index
    %get3A_1 = vector.load %arg1[%get3A, %get3A_0] : memref<2048x128xf32, #tpu.memory_space<vmem>>, vector<2048x128xf32>
    %slice3A = vector.extract_strided_slice %get3A_1 {offsets = [0, 0], sizes = [2048, 64], strides = [1, 1]} : vector<2048x128xf32> to vector<2048x64xf32>
    %transpose3A = tpu.transpose %slice3A, [1, 0] : vector<2048x64xf32> -> vector<64x2048xf32>
    %mul3A = arith.constant 8.000000e+00 : f32
    %mul3A_2 = vector.broadcast %mul3A : f32 to vector<64x2048xf32>
    %mul3A_3 = arith.mulf %transpose3A, %mul3A_2 : vector<64x2048xf32>
    %swap3A = arith.constant 0 : index
    %swap3A_4 = arith.constant 0 : index
    %swap3A_5 = arith.constant 0 : index
    %swap3A_6 = vector.load %arg3[%swap3A, %swap3A_4, %swap3A_5] : memref<1x64x4096xf32, #tpu.memory_space<vmem>>, vector<1x64x2048xf32>
    %swap3A_7 = vector.shape_cast %swap3A_6 : vector<1x64x2048xf32> to vector<64x2048xf32>
    %swap3A_8 = vector.shape_cast %mul3A_3 : vector<64x2048xf32> to vector<1x64x2048xf32>
    tpu.vector_store %arg3[%swap3A, %swap3A_4, %swap3A_5], %swap3A_8 {strides = array<i32>} : memref<1x64x4096xf32, #tpu.memory_space<vmem>>, vector<1x64x2048xf32>,
    %slice3A_9 = vector.extract_strided_slice %get3A_1 {offsets = [0, 64], sizes = [2048, 64], strides = [1, 1]} : vector<2048x128xf32> to vector<2048x64xf32>
    %transpose3A_10 = tpu.transpose %slice3A_9, [1, 0] : vector<2048x64xf32> -> vector<64x2048xf32>
    %mul3A_11 = arith.constant 8.000000e+00 : f32
    %mul3A_12 = vector.broadcast %mul3A_11 : f32 to vector<64x2048xf32>
    %mul3A_13 = arith.mulf %transpose3A_10, %mul3A_12 : vector<64x2048xf32>
    %swap3A_14 = arith.constant 0 : index
    %swap3A_15 = arith.constant 0 : index
    %swap3A_16 = arith.constant 2048 : index
    %swap3A_17 = vector.load %arg3[%swap3A_14, %swap3A_15, %swap3A_16] : memref<1x64x4096xf32, #tpu.memory_space<vmem>>, vector<1x64x2048xf32>
    %swap3A_18 = vector.shape_cast %swap3A_17 : vector<1x64x2048xf32> to vector<64x2048xf32>
    %swap3A_19 = vector.shape_cast %mul3A_13 : vector<64x2048xf32> to vector<1x64x2048xf32>
    tpu.vector_store %arg3[%swap3A_14, %swap3A_15, %swap3A_16], %swap3A_19 {strides = array<i32>} : memref<1x64x4096xf32, #tpu.memory_space<vmem>>, vector<1x64x2048xf32>,
    return
  }
  func.func @transform_0(%arg0: i32) -> (i32, i32) {
    %c0_i32 = arith.constant 0 : i32
    %c0_i32_0 = arith.constant 0 : i32
    return %arg0, %c0_i32 : i32, i32
  }
  func.func @transform_2(%arg0: i32) -> (i32, i32, i32) {
    %add3A = arith.constant 100 : i32
    %add3A_0 = arith.addi %add3A, %arg0 : i32
    %c0_i32 = arith.constant 0 : i32
    %c0_i32_1 = arith.constant 0 : i32
    %c0_i32_2 = arith.constant 0 : i32
    return %add3A_0, %c0_i32, %c0_i32_1 : i32, i32, i32
  }
}

module attributes {stable_mosaic.version = 14 : i64} {
  func.func @tc_transpose_seg3(%arg0: i32, %arg1: memref<2048x128xf32, #tpu.memory_space<vmem>>, %arg2: memref<200x64x4096xf32, #tpu.memory_space<any>>, %arg3: memref<1x64x4096xf32, #tpu.memory_space<vmem>>) attributes {dimension_semantics = [#tpu.dimension_semantics<arbitrary>], iteration_bounds = array<i64: 50>, scalar_prefetch = 0 : i64, scratch_operands = 0 : i64, tpu.core_type = #tpu.core_type<tc>, window_params = [{transform_indices = @transform_0, window_bounds = array<i64: 2048, 128>}, {}, {transform_indices = @transform_2, window_bounds = array<i64: 1, 64, 4096>}]} {
    %get3A = arith.constant 0 : index
    %get3A_0 = arith.constant 0 : index
    %get3A_1 = vector.load %arg1[%get3A, %get3A_0] : memref<2048x128xf32, #tpu.memory_space<vmem>>, vector<2048x128xf32>
    %slice3A = vector.extract_strided_slice %get3A_1 {offsets = [0, 0], sizes = [2048, 64], strides = [1, 1]} : vector<2048x128xf32> to vector<2048x64xf32>
    %transpose3A = tpu.transpose %slice3A, [1, 0] : vector<2048x64xf32> -> vector<64x2048xf32>
    %mul3A = arith.constant 8.000000e+00 : f32
    %mul3A_2 = vector.broadcast %mul3A : f32 to vector<64x2048xf32>
    %mul3A_3 = arith.mulf %transpose3A, %mul3A_2 : vector<64x2048xf32>
    %swap3A = arith.constant 0 : index
    %swap3A_4 = arith.constant 0 : index
    %swap3A_5 = arith.constant 0 : index
    %swap3A_6 = vector.load %arg3[%swap3A, %swap3A_4, %swap3A_5] : memref<1x64x4096xf32, #tpu.memory_space<vmem>>, vector<1x64x2048xf32>
    %swap3A_7 = vector.shape_cast %swap3A_6 : vector<1x64x2048xf32> to vector<64x2048xf32>
    %swap3A_8 = vector.shape_cast %mul3A_3 : vector<64x2048xf32> to vector<1x64x2048xf32>
    tpu.vector_store %arg3[%swap3A, %swap3A_4, %swap3A_5], %swap3A_8 {strides = array<i32>} : memref<1x64x4096xf32, #tpu.memory_space<vmem>>, vector<1x64x2048xf32>,
    %slice3A_9 = vector.extract_strided_slice %get3A_1 {offsets = [0, 64], sizes = [2048, 64], strides = [1, 1]} : vector<2048x128xf32> to vector<2048x64xf32>
    %transpose3A_10 = tpu.transpose %slice3A_9, [1, 0] : vector<2048x64xf32> -> vector<64x2048xf32>
    %mul3A_11 = arith.constant 8.000000e+00 : f32
    %mul3A_12 = vector.broadcast %mul3A_11 : f32 to vector<64x2048xf32>
    %mul3A_13 = arith.mulf %transpose3A_10, %mul3A_12 : vector<64x2048xf32>
    %swap3A_14 = arith.constant 0 : index
    %swap3A_15 = arith.constant 0 : index
    %swap3A_16 = arith.constant 2048 : index
    %swap3A_17 = vector.load %arg3[%swap3A_14, %swap3A_15, %swap3A_16] : memref<1x64x4096xf32, #tpu.memory_space<vmem>>, vector<1x64x2048xf32>
    %swap3A_18 = vector.shape_cast %swap3A_17 : vector<1x64x2048xf32> to vector<64x2048xf32>
    %swap3A_19 = vector.shape_cast %mul3A_13 : vector<64x2048xf32> to vector<1x64x2048xf32>
    tpu.vector_store %arg3[%swap3A_14, %swap3A_15, %swap3A_16], %swap3A_19 {strides = array<i32>} : memref<1x64x4096xf32, #tpu.memory_space<vmem>>, vector<1x64x2048xf32>,
    return
  }
  func.func @transform_0(%arg0: i32) -> (i32, i32) {
    %c0_i32 = arith.constant 0 : i32
    %c0_i32_0 = arith.constant 0 : i32
    return %arg0, %c0_i32 : i32, i32
  }
  func.func @transform_2(%arg0: i32) -> (i32, i32, i32) {
    %add3A = arith.constant 150 : i32
    %add3A_0 = arith.addi %add3A, %arg0 : i32
    %c0_i32 = arith.constant 0 : i32
    %c0_i32_1 = arith.constant 0 : i32
    %c0_i32_2 = arith.constant 0 : i32
    return %add3A_0, %c0_i32, %c0_i32_1 : i32, i32, i32
  }
}

</mosaic_0001>

<sc_bundles>
// kernel: sc_gather_seg0.3.cloned.1.call-start
scs
__scs_entry_jumppad:
0x0: {  	(pc) =	sbr.rel $0x88, $3  }
0x1: {  	(tag) =	ssettag $0x0;
	lr =	simm.s32 $0x1  }
0x2: {  	[smem:$0x3F9F] =	sst lr;
	_ =	strace $0xD0000000  }
0x3: {  	_ = 	snop  }
0x4: {  	_ = 	snop  }
0x5: {  	_ = 	snop  }
0x6: {  	_ = 	snop  }
0x7: {  	_ = 	snop  }
__scs_overlays_trampoline_lowered:
0x8: {  	[smem:$0x3FAE] =	sst s0  }
0x9: {  	[smem:$0x3FAF] =	sst s1  }
0xa: {  	[smem:$0x3FB0] =	sst s2  }
0xb: {  	[smem:$0x3FB1] =	sst s3  }
0xc: {  	[smem:$0x3FB2] =	sst s4  }
0xd: {  	[smem:$0x3FB3] =	sst s5  }
0xe: {  	[smem:$0x3FB4] =	sst s6  }
0xf: {  	[smem:$0x3FB5] =	sst s7  }
0x10: {  	[smem:$0x3FB6] =	sst s8  }
0x11: {  	[smem:$0x3FB7] =	sst s9;
	s0 =	simm.s32 @!p0 $0x0  }
0x12: {  	s1 =	sld [smem:$0x3F9D];
	s0 =	simm.s32 @p0 $0x1  }
0x13: {  	[smem:$0x3FB8] =	sst s0;
	s0 =	simm.s32 @!p1 $0x0  }
0x14: {  	s2 =	sld [smem:$0x3F9C];
	s0 =	simm.s32 @p1 $0x1  }
0x15: {  	[smem:$0x3FB9] =	sst s0;
	s0 =	simm.s32 @!p2 $0x0  }
0x16: {  	s3 =	sld [smem:$0x3FDB];
	s0 =	simm.s32 @p2 $0x1  }
0x17: {  	s4 =	simm.s32 $0x1BF5;
	[smem:$0x3FBB] =	sst s0  }
0x18: {  	s0 =	sld [smem:$0x3F9E];
	_ =	swait.ge [sflag:s4], $0x0  }
0x19: {  	s7 =	sld [smem:$0x3F9F]  }
0x1a: {  	s8 =	sadd.s32 $0xFFFFE003, lr  }
0x1b: {  	s9 =	sadd.s32 $0xFFFFFEF7, lr;
	s5 =	simm.s32 $0xFFFFFFFF;
	p2 =	slt.u32 s8, $0xFFFFF086  }
0x1c: {  	p1 =	slt.u32 s9, $0xF7A;
	s5 =	simm.s32 @!p2 $0x0  }
0x1d: {  	s5 =	simm.s32 @p1 $0x1;
	p0 =	seq.s32 s7, s2  }
0x1e: {  	s7 =	smul.u32 @!p0 $0xF7A, s2;
	p2 =	seq.s32 @!p0 s5, $0x0  }
0x1f: {  	s9 =	smul.u32 $0xF7A, s1;
	s8 =	simm.s32 @!p0 $0x1BF5;
	p2 =	por !p2, p0  }
0x20: {  	[sflag:s8] =	ssyncset.s32 @!p0 $0xFFFFF086;
	s6 =	sadd.s32 @!p0 s3, s7;
	s7 =	simm.s32 @!p0 $0x108  }
0x21: {  	s3 =	sadd.s32 s3, s9;
	s6 =	sadd.s32 @!p0 $0x88, s6;
	s7 =	simm.s32 @p2 $0x1082  }
0x22: {  	[simem:s7], [sflag:s8] =	dma.local @!p0 [hbm:s6], $0xF7A  }
0x23: {  	s9 =	sor.u32 $0xD0000000, s2;
	s6 =	simm.s32 $0x108;
	_ =	swait.ge @!p0 [sflag:s8], $0x0  }
0x24: {  	s3 =	sadd.s32 $0x88, s3;
	s6 =	simm.s32 @!p1 $0x1082;
	[sflag:s4] =	ssyncset.s32 $0xFFFFF086  }
0x25: {  	[simem:s6], [sflag:s4] =	dma.local [hbm:s3], $0xF7A  }
0x26: {  	[smem:$0x3F9F] =	sst s1;
	(tag) =	ssettag s2;
	_ =	strace s9  }
0x27: {  	s1 =	sld [smem:$0x3FAF]  }
0x28: {  	s2 =	sld [smem:$0x3FB0]  }
0x29: {  	s4 =	sld [smem:$0x3FB2]  }
0x2a: {  	p0 =	seq.s32 s5, $0x0;
	s5 =	sld [smem:$0x3FB3]  }
0x2b: {  	s6 =	sld [smem:$0x3FB4]  }
0x2c: {  	s7 =	sld [smem:$0x3FB5]  }
0x2d: {  	s3 =	simm.s32 $0x108;
	s8 =	sld [smem:$0x3FB6]  }
0x2e: {  	s3 =	simm.s32 @!p0 $0x1082;
	s9 =	sld [smem:$0x3FB7]  }
0x2f: {  	lr =	sadd.s32 s0, s3;
	s0 =	sld [smem:$0x3FAE]  }
0x30: {  	s3 =	sld [smem:$0x3FB1]  }
0x31: {  	[smem:$0x3FBA] =	sst s10  }
0x32: {  	s10 =	sld [smem:$0x3FB8];
	_ =	sdelay $0x3  }
0x33: {  	p0 =	seq.s32 s10, $0x1;
	s10 =	sld [smem:$0x3FBA];
	_ =	sdelay $0x3  }
0x34: {  	[smem:$0x3FBA] =	sst s10  }
0x35: {  	s10 =	sld [smem:$0x3FB9];
	_ =	sdelay $0x3  }
0x36: {  	p1 =	seq.s32 s10, $0x1;
	s10 =	sld [smem:$0x3FBA];
	_ =	sdelay $0x3  }
0x37: {  	[smem:$0x3FBA] =	sst s10  }
0x38: {  	s10 =	sld [smem:$0x3FBB]  }
0x39: {  	_ = 	snop;
	(pc) =	sbr.ind lr, $3  }
0x3a: {  	_ = 	snop  }
0x3b: {  	_ = 	snop  }
0x3c: {  	p2 =	seq.s32 s10, $0x1;
	s10 =	sld [smem:$0x3FBA]  }
0x3d: {  	_ =	shalt  }
0x3e: {  	_ =	shalt  }
0x3f: {  	_ =	shalt  }
0x40: {  	_ =	shalt  }
0x41: {  	_ =	shalt  }
0x42: {  	_ =	shalt  }
0x43: {  	_ =	shalt  }
0x44: {  	_ =	shalt  }
0x45: {  	_ =	shalt  }
0x46: {  	_ =	shalt  }
0x47: {  	_ =	shalt  }
0x48: {  	_ =	shalt  }
0x49: {  	_ =	shalt  }
0x4a: {  	_ =	shalt  }
0x4b: {  	_ =	shalt  }
0x4c: {  	_ =	shalt  }
0x4d: {  	_ =	shalt  }
0x4e: {  	_ =	shalt  }
0x4f: {  	_ =	shalt  }
0x50: {  	_ =	shalt  }
0x51: {  	_ =	shalt  }
0x52: {  	_ =	shalt  }
0x53: {  	_ =	shalt  }
0x54: {  	_ =	shalt  }
0x55: {  	_ =	shalt  }
0x56: {  	_ =	shalt  }
0x57: {  	_ =	shalt  }
0x58: {  	_ =	shalt  }
0x59: {  	_ =	shalt  }
0x5a: {  	_ =	shalt  }
0x5b: {  	_ =	shalt  }
0x5c: {  	_ =	shalt  }
0x5d: {  	_ =	shalt  }
0x5e: {  	_ =	shalt  }
0x5f: {  	_ =	shalt  }
0x60: {  	_ =	shalt  }
0x61: {  	_ =	shalt  }
0x62: {  	_ =	shalt  }
0x63: {  	_ =	shalt  }
0x64: {  	_ =	shalt  }
0x65: {  	_ =	shalt  }
0x66: {  	_ =	shalt  }
0x67: {  	_ =	shalt  }
0x68: {  	_ =	shalt  }
0x69: {  	_ =	shalt  }
0x6a: {  	_ =	shalt  }
0x6b: {  	_ =	shalt  }
0x6c: {  	_ =	shalt  }
0x6d: {  	_ =	shalt  }
0x6e: {  	_ =	shalt  }
0x6f: {  	_ =	shalt  }
0x70: {  	_ =	shalt  }
0x71: {  	_ =	shalt  }
0x72: {  	_ =	shalt  }
0x73: {  	_ =	shalt  }
0x74: {  	_ =	shalt  }
0x75: {  	_ =	shalt  }
0x76: {  	_ =	shalt  }
0x77: {  	_ =	shalt  }
0x78: {  	_ =	shalt  }
0x79: {  	_ =	shalt  }
0x7a: {  	_ =	shalt  }
0x7b: {  	_ =	shalt  }
0x7c: {  	_ =	shalt  }
0x7d: {  	_ =	shalt  }
0x7e: {  	_ =	shalt  }
0x7f: {  	_ =	shalt  }
0x80: {  	_ =	shalt  }
0x81: {  	_ =	shalt  }
0x82: {  	_ =	shalt  }
0x83: {  	_ =	shalt  }
0x84: {  	_ =	shalt  }
0x85: {  	_ =	shalt  }
0x86: {  	_ =	shalt  }
0x87: {  	_ =	shalt  }
.Lfunc_end0:
.L_simem_size_0:
called_computation.1_lowered:
.L_overlay_start_0:
0x88: {  	s2 =	sld [smem:$0x3FD9]  }
0x89: {  	s3 =	sld [smem:$0x3FFE];
	_ =	sdelay $0x1  }
0x8a: {  	s1 =	srdreg.scid  }
0x8b: {  	s0 =	sand.u32 $0x1, s1  }
0x8c: {  	s16 =	sshll.u32 s0, $0xA;
	s2 =	sadd.s32 s3, s2  }
0x8d: {  	s2 =	sadd.s32 s2, s16  }
0x8e: {  	[smem:$0x3FC6] =	sst s2  }
0x8f: {  	_ = 	snop  }
0x90: {  	(tm) =	ssettm $0x1  }
0x91: {  	s17 =	sld [smem:$0x3FFB];
	_ =	sdelay $0x3  }
0x92: {  	_ =	strace s17  }
0x93: {  	s2 =	sld [smem:$0x3FFC];
	_ =	sdelay $0x3  }
0x94: {  	_ =	strace s2  }
0x95: {  	s2 =	sld [smem:$0x3FFD];
	_ =	sdelay $0x3  }
0x96: {  	_ =	strace s2  }
0x97: {  	_ =	strace $0x8FFFFFFF  }
0x98: {  	s18 =	sld [smem:$0x3FDB];
	_ =	sdelay $0x1  }
0x99: {  	s19 =	simm.s32 $_scs_section_size  }
0x9a: {  	s4 =	simm.s32 $_size__tile_overlayer_lowered;
	s5 =	simm.s32 $_tile_overlayer_lowered  }
0x9b: {  	s22 =	simm.s32 $0x1BFF;
	s21 =	sshll.u32 s5, $0x1;
	s2 =	sadd.s32 s19, s18  }
0x9c: {  	s6 =	simm.s32 $0x0;
	s20 =	sshll.u32 s4, $0x1;
	s4 =	sadd.s32 s21, s2  }
0x9d: {  	[timem:s6], [sflag:s22] =	dma.local [hbm:s4], s20  }
0x9e: {  	_ =	swait.ge [sflag:s22], s20  }
0x9f: {  	s3 =	ssub.s32 $0x0, s20;
	[sflag:s22] =	ssyncset.done $0x0  }
0xa0: {  	[sflag:s22] =	ssyncadd.s32 s3;
	_ =	sdelay $0x1  }
0xa1: {  	s23 =	simm.s32 $0x1B8B  }
0xa2: {  	_ =	swait.ge [sflag:s23], $0x1  }
0xa3: {  	[sflag:s23] =	ssyncset.done $0x0  }
0xa4: {  	s25 =	simm.s32 $0x1B8E;
	s24 =	sld [smem:$0x3FFE];
	[sflag:s23] =	ssyncadd.s32 $0xFFFFFFFF  }
0xa5: {  	s26 =	simm.s32 $execute0_lowered;
	[smem:$0x3FD2] =	sst s25  }
0xa6: {  	s4 =	sshll.u32 s26, $0x1;
	_ =	strace $0x80000049;
	[dreg:$0x1] =	wrdreg $0xFFFFFFFF  }
0xa7: {  	s28 =	simm.s32 $_size_execute0_lowered;
	s2 =	sadd.s32 s2, s4;
	[dreg:$0x0] =	wrdreg $0x0  }
0xa8: {  	s4 =	sshll.u32 s28, $0x1;
	[dreg:$0x2] =	wrdreg s2  }
0xa9: {  	[dreg:$0x3] =	wrdreg s4  }
0xaa: {  	[dreg:$0x4] =	wrdreg $0xC0  }
0xab: {  	_ =	task [dreg:s6], $0x5FFFF  }
0xac: {  	[dreg:$0x1] =	wrdreg $0xFFFFFFFF  }
0xad: {  	[dreg:$0x0] =	wrdreg $0x60  }
0xae: {  	[dreg:$0x2] =	wrdreg s24  }
0xaf: {  	[dreg:$0x3] =	wrdreg $0x9  }
0xb0: {  	_ =	task.clear_ibuf [dreg:s6], $0x4FFFF;
	_ =	strace $0x90000049  }
0xb1: {  	s29 =	simm.s32 $0x9;
	_ =	strace $0x8000004B  }
0xb2: {  	_ =	swait.ge [sflag:s29], $0x1  }
0xb3: {  	[sflag:s29] =	ssyncadd.s32 $0xFFFFFFFF  }
0xb4: {  	_ =	strace $0x9000004B  }
0xb5: {  	_ =	sfence  }
0xb6: {  	s30 =	sld [smem:$0x0];
	_ =	sdelay $0x2  }
0xb7: {  	s31 =	sshll.u32 s1, $0xD;
	s1 =	sshrl.u32 s1, $0x2  }
0xb8: {  	s3 =	sand.u32 $0x4000, s31;
	s1 =	sadd.s32 s1, s30  }
0xb9: {  	s0 =	sor.u32 s3, s0;
	s1 =	sshll.u32 s1, $0x11  }
0xba: {  	s0 =	sor.u32 s1, s0  }
0xbb: {  	s0 =	sadd.s32 $0x8F2B, s0  }
0xbc: {  	[sflag:s0] =	ssyncadd.remote.s32 $0x1  }
0xbd: {  	_ =	sfence.sel $0xFFFF  }
0xbe: {  	[dreg:$0x0] =	wrdreg $0xFFFFFFFF;
	(pc) =	sbr.abs _section_cstart, $3  }
0xbf: {  	[dreg:$0x1] =	wrdreg $0xFFFFFFFF  }
0xc0: {  	_ =	task.clear_ibuf [dreg:s6], $0x2FFFF;
	_ =	strace $0x9FFFFFFF  }
0xc1: {  	(tm) =	ssettm $0x7FFFFFFF  }
tec
execute0_lowered:
.L_overlay_start_1:
0x0: {  	(tag) =	ssettag $0x1  }
0x1: {  	s4 =	rddreg [dreg:$0x0]  }
0x2: {  	s0 =	rddreg [dreg:$0x1]  }
0x3: {  	s3 =	srdreg.scid;
	s1 =	stileid.u32;
	s2 =	simm.s32 $0x0  }
0x4: {  	s13 =	simm.s32 $0x5;
	s14 =	simm.s32 $0x1900;
	s15 =	simm.s32 $0x3900  }
0x5: {  	s16 =	simm.s32 $0x1;
	s17 =	simm.s32 $0x40;
	s18 =	simm.s32 $0x3  }
0x6: {  	s19 =	simm.s32 $0x2;
	s20 =	simm.s32 $0x4;
	s21 =	simm.s32 $0x0  }
0x7: {  	s6 =	sand.u32 $0x1, s3;
	s23 =	sshll.u32 s1, $0x1;
	[smem:$0x7FF] =	sst s2  }
0x8: {  	s3 =	sadd.s32 $0xF5CA00, s4;
	s10 =	sshrl.u32 s1, $0x3;
	s26 =	sshll.u32 s1, $0xF  }
0x9: {  	s5 =	sor.u32 s6, s23;
	_ =	strace $0x8000004A;
	s8 =	ssub.s32 $0x2, s6  }
0xa: {  	s24 =	sshll.u32 s10, $0x12;
	s25 =	sshll.u32 s10, $0x6;
	s12 =	sshll.u32 s6, $0xE  }
0xb: {  	s10 =	smul.u32 $0x3FFC0, s10;
	s7 =	sshll.u32 s5, $0x4;
	s9 =	sshrl.u32 s8, $0x1  }
0xc: {  	s11 =	sshll.u32 s5, $0xE;
	s28 =	sor.u32 s12, s26;
	s12 =	simm.s32 $0x1000  }
0xd: {  	s7 =	sadd.s32 s7, s4;
	s8 =	ssub.s32 s8, s9;
	s9 =	ssub.s32 s11, s24  }
0xe: {  	s4 =	sadd.s32 $0x1600, s4;
	s5 =	sadd.s32 $0xF43A00, s7;
	s7 =	sor.u32 s25, s9  }
0xf: {  	s9 =	sadd.s32 $0xC00000, s7;
	s29 =	sadd.s32 $0xC40000, s7;
	s7 =	ssub.s32 s28, s10  }
0x10: {  	s11 =	simm.s32 $0x80;
	s6 =	smax.u32 s8, $0x1;
	s10 =	sadd.s32 $0x40000, s7  }
0x11: {  	s30 =	sshrl.u32 s9, $0x3;
	s31 =	sshrl.u32 s29, $0x3;
	s10 =	sshrl.u32 s10, $0x3  }
0x12: {  	s8 =	sadd.s32 s4, s30;
	s9 =	sadd.s32 s4, s31;
	s10 =	sadd.s32 s10, s4  }
.LBB2_1:
0x13: {  	[tilespmem:s2], [sflag:$0x5] =	stream.strided.gather [hbm4b:s5+s11], $0x1900, s12, s11, $0x38;
	[tilespmem:$0x5900] =	vst v63  }
0x14: {  	_ =	swait.ge [sflag:s13], $0x1900  }
0x15: {  	[sflag:s13] =	ssyncset.done $0x0  }
0x16: {  	[sflag:s13] =	ssyncadd.s32 $0xFFFFE700  }
0x17: {  	[tilespmem:s14], [sflag:$0x1] =	stream.indirect.gather [hbm4b:s3+s11], $0x40, s2, s11, $0xb8;
	[tilespmem:$0x5900] =	vst v63  }
0x18: {  	_ = 	snop  }
0x19: {  	[tilespmem:s15], [sflag:$0x2] =	stream.indirect.gather [hbm4b:s3+s11], $0x40, s11, s11, $0xb8;
	[tilespmem:$0x5900] =	vst v63  }
0x1a: {  	_ =	swait.ge [sflag:s16], $0x2000  }
0x1b: {  	s22 =	sshrl.u32 s7, $0x3;
	[sflag:s16] =	ssyncset.done $0x0  }
0x1c: {  	s22 =	sadd.s32 s4, s22;
	[sflag:s16] =	ssyncadd.s32 $0xFFFFE000  }
0x1d: {  	[hbm4b:s22+s17] =	stream.strided.scatter [tilespmem:s14], [sflag:$0x3], $0x2000, s11, s17, $0x38;
	[tilespmem:$0x5900] =	vst v63  }
0x1e: {  	_ =	swait.ge [sflag:s18], $0x2000  }
0x1f: {  	[sflag:s18] =	ssyncset.done $0x0  }
0x20: {  	s30 =	simm.s32 $0x100;
	[sflag:s18] =	ssyncadd.s32 $0xFFFFE000  }
0x21: {  	[tilespmem:s14], [sflag:$0x1] =	stream.indirect.gather [hbm4b:s3+s11], $0x40, s30, s11, $0xb8;
	[tilespmem:$0x5900] =	vst v63  }
0x22: {  	_ =	swait.ge [sflag:s19], $0x2000  }
0x23: {  	[sflag:s19] =	ssyncset.done $0x0  }
0x24: {  	s31 =	sadd.s32 $0x0, s10;
	[sflag:s19] =	ssyncadd.s32 $0xFFFFE000  }
0x25: {  	[hbm4b:s31+s17] =	stream.strided.scatter [tilespmem:s15], [sflag:$0x4], $0x2000, s11, s17, $0x38;
	[tilespmem:$0x5900] =	vst v63  }
0x26: {  	_ =	swait.ge [sflag:s20], $0x2000  }
0x27: {  	s23 =	simm.s32 $0x10000;
	s24 =	sadd.s32 $0x80000, s7;
	[sflag:s20] =	ssyncset.done $0x0  }
0x28: {  	s25 =	simm.s32 $0x280;
	s22 =	simm.s32 $0x180;
	[sflag:s20] =	ssyncadd.s32 $0xFFFFE000  }
.LBB2_2:
0x29: {  	[tilespmem:s15], [sflag:$0x2] =	stream.indirect.gather [hbm4b:s3+s11], $0x40, s22, s11, $0xb8;
	[tilespmem:$0x5900] =	vst v63  }
0x2a: {  	s26 =	smov.u32 s23;
	s22 =	smov.u32 s25  }
0x2b: {  	p0 =	sne.s32 s23, $0x170000;
	s23 =	sadd.s32 $0x10000, s23;
	_ =	swait.ge [sflag:s16], $0x2000  }
0x2c: {  	s28 =	sshrl.u32 s24, $0x3;
	[sflag:s16] =	ssyncset.done $0x0  }
0x2d: {  	s28 =	sadd.s32 s4, s28;
	[sflag:s16] =	ssyncadd.s32 $0xFFFFE000  }
0x2e: {  	[hbm4b:s28+s17] =	stream.strided.scatter [tilespmem:s14], [sflag:$0x3], $0x2000, s11, s17, $0x38;
	[tilespmem:$0x5900] =	vst v63  }
0x2f: {  	_ =	swait.ge [sflag:s18], $0x2000  }
0x30: {  	[sflag:s18] =	ssyncset.done $0x0  }
0x31: {  	s28 =	sadd.s32 $0xFFFFFF80, s25;
	[sflag:s18] =	ssyncadd.s32 $0xFFFFE000  }
0x32: {  	[tilespmem:s14], [sflag:$0x1] =	stream.indirect.gather [hbm4b:s3+s11], $0x40, s28, s11, $0xb8;
	[tilespmem:$0x5900] =	vst v63  }
0x33: {  	_ =	swait.ge [sflag:s19], $0x2000  }
0x34: {  	[sflag:s19] =	ssyncset.done $0x0  }
.Ltmp0:
0x35: {  	s26 =	sadd.s32 s26, s10;
	[sflag:s19] =	ssyncadd.s32 $0xFFFFE000;
	(pc) =	sbr.rel @p0 .LBB2_2-.Ltmp0, $4  }
0x36: {  	[hbm4b:s26+s17] =	stream.strided.scatter [tilespmem:s15], [sflag:$0x4], $0x2000, s11, s17, $0x38;
	[tilespmem:$0x5900] =	vst v63  }
0x37: {  	_ =	swait.ge [sflag:s20], $0x2000  }
0x38: {  	[sflag:s20] =	ssyncset.done $0x0  }
0x39: {  	s24 =	sadd.s32 $0x80000, s24;
	s25 =	sadd.s32 $0x100, s25;
	[sflag:s20] =	ssyncadd.s32 $0xFFFFE000  }
0x3a: {  	[tilespmem:s15], [sflag:$0x2] =	stream.indirect.gather [hbm4b:s3+s11], $0x40, s22, s11, $0xb8;
	[tilespmem:$0x5900] =	vst v63  }
0x3b: {  	_ =	swait.ge [sflag:s16], $0x2000  }
0x3c: {  	[sflag:s16] =	ssyncset.done $0x0  }
0x3d: {  	[sflag:s16] =	ssyncadd.s32 $0xFFFFE000  }
0x3e: {  	[hbm4b:s8+s17] =	stream.strided.scatter [tilespmem:s14], [sflag:$0x3], $0x2000, s11, s17, $0x38;
	[tilespmem:$0x5900] =	vst v63  }
0x3f: {  	_ =	swait.ge [sflag:s19], $0x2000  }
0x40: {  	[sflag:s19] =	ssyncset.done $0x0  }
0x41: {  	s21 =	sadd.s32 $0x1, s21;
	[sflag:s19] =	ssyncadd.s32 $0xFFFFE000  }
0x42: {  	[hbm4b:s9+s17] =	stream.strided.scatter [tilespmem:s15], [sflag:$0x4], $0x2000, s11, s17, $0x38;
	[tilespmem:$0x5900] =	vst v63  }
0x43: {  	p0 =	sne.s32 s21, s6;
	_ =	swait.ge [sflag:s18], $0x2000  }
.Ltmp1:
0x44: {  	[sflag:s18] =	ssyncset.done $0x0;
	(pc) =	sbr.rel @p0 .LBB2_1-.Ltmp1, $4  }
0x45: {  	[sflag:s18] =	ssyncadd.s32 $0xFFFFE000  }
0x46: {  	_ =	swait.ge [sflag:s20], $0x2000  }
0x47: {  	[sflag:s20] =	ssyncset.done $0x0  }
0x48: {  	[sflag:s20] =	ssyncadd.s32 $0xFFFFE000  }
0x49: {  	_ =	sfence.sel $0x180000  }
0x4a: {  	[bflag:$0x0] =	sbarrier.arrive $0xFFFF  }
0x4b: {  	p0 =	sne.s32 s1, $0x0;
	_ =	strace $0x9000004A  }
0x4c: {  	s0 =	sadd.s32 @!p0 $0x100000, s0;
	[bflag:$0x2] =	sbarrier.arrive $0xFFFF  }
0x4d: {  	[sflag:s0] =	ssyncadd.tile.s32 @!p0 $0x1;
	_ =	shalt  }
.Lfunc_end2:
_tile_overlayer_lowered:
.L_overlay_start_2:
0x4e: {  	(tag) =	ssettag $0x2  }
0x4f: {  	s0 =	rddreg [dreg:$0x0];
	s2 =	stileid.u32  }
0x50: {  	s1 =	rddreg [dreg:$0x1];
	p0 =	sne.s32 s2, $0x0  }
0x51: {  	s3 =	rddreg [dreg:$0x2];
	[bflag:$0x3] =	sbarrier.arrive $0xFFFF;
	s2 =	simm.s32 @!p0 $0x1C05  }
0x52: {  	[timem:s3], [sflag:s2] =	dma.local @!p0 [hbm:s0], s1  }
0x53: {  	s0 =	simm.s32 @!p0 $0x5  }
0x54: {  	_ =	swait.ge @!p0 [sflag:s0], s1  }
0x55: {  	s1 =	ssub.s32 @!p0 $0x0, s1;
	[sflag:s0] =	ssyncset.done @!p0 $0x0  }
0x56: {  	[sflag:s0] =	ssyncadd.s32 @!p0 s1  }
0x57: {  	[bflag:$0x3] =	sbarrier.arrive $0xFFFF  }
0x58: {  	_ =	shalt  }

// kernel: sc_gather_seg100.3.cloned.1.call-start
scs
__scs_entry_jumppad:
0x0: {  	(pc) =	sbr.rel $0x88, $3  }
0x1: {  	(tag) =	ssettag $0x0;
	lr =	simm.s32 $0x1  }
0x2: {  	[smem:$0x3F9F] =	sst lr;
	_ =	strace $0xD0000000  }
0x3: {  	_ = 	snop  }
0x4: {  	_ = 	snop  }
0x5: {  	_ = 	snop  }
0x6: {  	_ = 	snop  }
0x7: {  	_ = 	snop  }
__scs_overlays_trampoline_lowered:
0x8: {  	[smem:$0x3FAE] =	sst s0  }
0x9: {  	[smem:$0x3FAF] =	sst s1  }
0xa: {  	[smem:$0x3FB0] =	sst s2  }
0xb: {  	[smem:$0x3FB1] =	sst s3  }
0xc: {  	[smem:$0x3FB2] =	sst s4  }
0xd: {  	[smem:$0x3FB3] =	sst s5  }
0xe: {  	[smem:$0x3FB4] =	sst s6  }
0xf: {  	[smem:$0x3FB5] =	sst s7  }
0x10: {  	[smem:$0x3FB6] =	sst s8  }
0x11: {  	[smem:$0x3FB7] =	sst s9;
	s0 =	simm.s32 @!p0 $0x0  }
0x12: {  	s1 =	sld [smem:$0x3F9D];
	s0 =	simm.s32 @p0 $0x1  }
0x13: {  	[smem:$0x3FB8] =	sst s0;
	s0 =	simm.s32 @!p1 $0x0  }
0x14: {  	s2 =	sld [smem:$0x3F9C];
	s0 =	simm.s32 @p1 $0x1  }
0x15: {  	[smem:$0x3FB9] =	sst s0;
	s0 =	simm.s32 @!p2 $0x0  }
0x16: {  	s3 =	sld [smem:$0x3FDB];
	s0 =	simm.s32 @p2 $0x1  }
0x17: {  	s4 =	simm.s32 $0x1BF5;
	[smem:$0x3FBB] =	sst s0  }
0x18: {  	s0 =	sld [smem:$0x3F9E];
	_ =	swait.ge [sflag:s4], $0x0  }
0x19: {  	s7 =	sld [smem:$0x3F9F]  }
0x1a: {  	s8 =	sadd.s32 $0xFFFFE003, lr  }
0x1b: {  	s9 =	sadd.s32 $0xFFFFFEF7, lr;
	s5 =	simm.s32 $0xFFFFFFFF;
	p2 =	slt.u32 s8, $0xFFFFF086  }
0x1c: {  	p1 =	slt.u32 s9, $0xF7A;
	s5 =	simm.s32 @!p2 $0x0  }
0x1d: {  	s5 =	simm.s32 @p1 $0x1;
	p0 =	seq.s32 s7, s2  }
0x1e: {  	s7 =	smul.u32 @!p0 $0xF7A, s2;
	p2 =	seq.s32 @!p0 s5, $0x0  }
0x1f: {  	s9 =	smul.u32 $0xF7A, s1;
	s8 =	simm.s32 @!p0 $0x1BF5;
	p2 =	por !p2, p0  }
0x20: {  	[sflag:s8] =	ssyncset.s32 @!p0 $0xFFFFF086;
	s6 =	sadd.s32 @!p0 s3, s7;
	s7 =	simm.s32 @!p0 $0x108  }
0x21: {  	s3 =	sadd.s32 s3, s9;
	s6 =	sadd.s32 @!p0 $0x88, s6;
	s7 =	simm.s32 @p2 $0x1082  }
0x22: {  	[simem:s7], [sflag:s8] =	dma.local @!p0 [hbm:s6], $0xF7A  }
0x23: {  	s9 =	sor.u32 $0xD0000000, s2;
	s6 =	simm.s32 $0x108;
	_ =	swait.ge @!p0 [sflag:s8], $0x0  }
0x24: {  	s3 =	sadd.s32 $0x88, s3;
	s6 =	simm.s32 @!p1 $0x1082;
	[sflag:s4] =	ssyncset.s32 $0xFFFFF086  }
0x25: {  	[simem:s6], [sflag:s4] =	dma.local [hbm:s3], $0xF7A  }
0x26: {  	[smem:$0x3F9F] =	sst s1;
	(tag) =	ssettag s2;
	_ =	strace s9  }
0x27: {  	s1 =	sld [smem:$0x3FAF]  }
0x28: {  	s2 =	sld [smem:$0x3FB0]  }
0x29: {  	s4 =	sld [smem:$0x3FB2]  }
0x2a: {  	p0 =	seq.s32 s5, $0x0;
	s5 =	sld [smem:$0x3FB3]  }
0x2b: {  	s6 =	sld [smem:$0x3FB4]  }
0x2c: {  	s7 =	sld [smem:$0x3FB5]  }
0x2d: {  	s3 =	simm.s32 $0x108;
	s8 =	sld [smem:$0x3FB6]  }
0x2e: {  	s3 =	simm.s32 @!p0 $0x1082;
	s9 =	sld [smem:$0x3FB7]  }
0x2f: {  	lr =	sadd.s32 s0, s3;
	s0 =	sld [smem:$0x3FAE]  }
0x30: {  	s3 =	sld [smem:$0x3FB1]  }
0x31: {  	[smem:$0x3FBA] =	sst s10  }
0x32: {  	s10 =	sld [smem:$0x3FB8];
	_ =	sdelay $0x3  }
0x33: {  	p0 =	seq.s32 s10, $0x1;
	s10 =	sld [smem:$0x3FBA];
	_ =	sdelay $0x3  }
0x34: {  	[smem:$0x3FBA] =	sst s10  }
0x35: {  	s10 =	sld [smem:$0x3FB9];
	_ =	sdelay $0x3  }
0x36: {  	p1 =	seq.s32 s10, $0x1;
	s10 =	sld [smem:$0x3FBA];
	_ =	sdelay $0x3  }
0x37: {  	[smem:$0x3FBA] =	sst s10  }
0x38: {  	s10 =	sld [smem:$0x3FBB]  }
0x39: {  	_ = 	snop;
	(pc) =	sbr.ind lr, $3  }
0x3a: {  	_ = 	snop  }
0x3b: {  	_ = 	snop  }
0x3c: {  	p2 =	seq.s32 s10, $0x1;
	s10 =	sld [smem:$0x3FBA]  }
0x3d: {  	_ =	shalt  }
0x3e: {  	_ =	shalt  }
0x3f: {  	_ =	shalt  }
0x40: {  	_ =	shalt  }
0x41: {  	_ =	shalt  }
0x42: {  	_ =	shalt  }
0x43: {  	_ =	shalt  }
0x44: {  	_ =	shalt  }
0x45: {  	_ =	shalt  }
0x46: {  	_ =	shalt  }
0x47: {  	_ =	shalt  }
0x48: {  	_ =	shalt  }
0x49: {  	_ =	shalt  }
0x4a: {  	_ =	shalt  }
0x4b: {  	_ =	shalt  }
0x4c: {  	_ =	shalt  }
0x4d: {  	_ =	shalt  }
0x4e: {  	_ =	shalt  }
0x4f: {  	_ =	shalt  }
0x50: {  	_ =	shalt  }
0x51: {  	_ =	shalt  }
0x52: {  	_ =	shalt  }
0x53: {  	_ =	shalt  }
0x54: {  	_ =	shalt  }
0x55: {  	_ =	shalt  }
0x56: {  	_ =	shalt  }
0x57: {  	_ =	shalt  }
0x58: {  	_ =	shalt  }
0x59: {  	_ =	shalt  }
0x5a: {  	_ =	shalt  }
0x5b: {  	_ =	shalt  }
0x5c: {  	_ =	shalt  }
0x5d: {  	_ =	shalt  }
0x5e: {  	_ =	shalt  }
0x5f: {  	_ =	shalt  }
0x60: {  	_ =	shalt  }
0x61: {  	_ =	shalt  }
0x62: {  	_ =	shalt  }
0x63: {  	_ =	shalt  }
0x64: {  	_ =	shalt  }
0x65: {  	_ =	shalt  }
0x66: {  	_ =	shalt  }
0x67: {  	_ =	shalt  }
0x68: {  	_ =	shalt  }
0x69: {  	_ =	shalt  }
0x6a: {  	_ =	shalt  }
0x6b: {  	_ =	shalt  }
0x6c: {  	_ =	shalt  }
0x6d: {  	_ =	shalt  }
0x6e: {  	_ =	shalt  }
0x6f: {  	_ =	shalt  }
0x70: {  	_ =	shalt  }
0x71: {  	_ =	shalt  }
0x72: {  	_ =	shalt  }
0x73: {  	_ =	shalt  }
0x74: {  	_ =	shalt  }
0x75: {  	_ =	shalt  }
0x76: {  	_ =	shalt  }
0x77: {  	_ =	shalt  }
0x78: {  	_ =	shalt  }
0x79: {  	_ =	shalt  }
0x7a: {  	_ =	shalt  }
0x7b: {  	_ =	shalt  }
0x7c: {  	_ =	shalt  }
0x7d: {  	_ =	shalt  }
0x7e: {  	_ =	shalt  }
0x7f: {  	_ =	shalt  }
0x80: {  	_ =	shalt  }
0x81: {  	_ =	shalt  }
0x82: {  	_ =	shalt  }
0x83: {  	_ =	shalt  }
0x84: {  	_ =	shalt  }
0x85: {  	_ =	shalt  }
0x86: {  	_ =	shalt  }
0x87: {  	_ =	shalt  }
.Lfunc_end0:
.L_simem_size_0:
called_computation.3_lowered:
.L_overlay_start_0:
0x88: {  	s2 =	sld [smem:$0x3FD9]  }
0x89: {  	s3 =	sld [smem:$0x3FFE];
	_ =	sdelay $0x1  }
0x8a: {  	s1 =	srdreg.scid  }
0x8b: {  	s0 =	sand.u32 $0x1, s1  }
0x8c: {  	s17 =	sshll.u32 s0, $0xA;
	s2 =	sadd.s32 s3, s2  }
0x8d: {  	s2 =	sadd.s32 s2, s17  }
0x8e: {  	[smem:$0x3FC6] =	sst s2  }
0x8f: {  	_ = 	snop  }
0x90: {  	(tm) =	ssettm $0x1  }
0x91: {  	s18 =	sld [smem:$0x3FFB];
	_ =	sdelay $0x3  }
0x92: {  	_ =	strace s18  }
0x93: {  	s2 =	sld [smem:$0x3FFC];
	_ =	sdelay $0x3  }
0x94: {  	_ =	strace s2  }
0x95: {  	s2 =	sld [smem:$0x3FFD];
	_ =	sdelay $0x3  }
0x96: {  	_ =	strace s2  }
0x97: {  	_ =	strace $0x8FFFFFFF  }
0x98: {  	s19 =	sld [smem:$0x3FDB];
	_ =	sdelay $0x1  }
0x99: {  	s20 =	simm.s32 $_scs_section_size  }
0x9a: {  	s4 =	simm.s32 $_size__tile_overlayer_lowered;
	s5 =	simm.s32 $_tile_overlayer_lowered  }
0x9b: {  	s6 =	simm.s32 $0x1BFF;
	s21 =	sshll.u32 s5, $0x1;
	s3 =	sadd.s32 s20, s19  }
0x9c: {  	s22 =	simm.s32 $0x0;
	s4 =	sshll.u32 s4, $0x1;
	s5 =	sadd.s32 s21, s3  }
0x9d: {  	[timem:s22], [sflag:s6] =	dma.local [hbm:s5], s4  }
0x9e: {  	_ =	swait.ge [sflag:s6], s4  }
0x9f: {  	s4 =	ssub.s32 $0x0, s4;
	[sflag:s6] =	ssyncset.done $0x0  }
0xa0: {  	[sflag:s6] =	ssyncadd.s32 s4;
	_ =	sdelay $0x1  }
0xa1: {  	s23 =	simm.s32 $0x1B8B  }
0xa2: {  	_ =	swait.ge [sflag:s23], $0x1  }
0xa3: {  	[sflag:s23] =	ssyncset.done $0x0  }
0xa4: {  	[sflag:s23] =	ssyncadd.s32 $0xFFFFFFFF  }
0xa5: {  	s4 =	sld [smem:$0x0]  }
0xa6: {  	s5 =	sand.u32 $0xFFFFFFFE, s1  }
0xa7: {  	p0 =	sne.s32 s1, s5  }
0xa8: {  	s5 =	sshll.u32 @p0 s5, $0xE  }
0xa9: {  	s5 =	sadd.s32 @p0 $0x11B8D, s5;
	s6 =	sshll.u32 @p0 s4, $0x11  }
0xaa: {  	s5 =	sor.u32 @p0 s6, s5  }
0xab: {  	[sflag:s5] =	ssyncadd.remote.s32 @p0 $0x1;
	_ =	sdelay $0x1  }
0xac: {  	s5 =	simm.s32 @p0 $0x1B8D  }
0xad: {  	_ =	swait.eq @p0 [sflag:s5], $0x1  }
0xae: {  	[sflag:s5] =	ssyncadd.s32 @p0 $0xFFFFFFFF  }
0xaf: {  	s6 =	sshll.u32 @!p0 s1, $0xE  }
0xb0: {  	s6 =	sor.u32 @!p0 $0x4000, s6;
	s5 =	simm.s32 @!p0 $0x1B8D  }
0xb1: {  	s4 =	sshll.u32 @!p0 s4, $0x11;
	s6 =	sadd.s32 @!p0 $0x11B8D, s6;
	_ =	swait.eq @!p0 [sflag:s5], $0x1  }
0xb2: {  	s4 =	sor.u32 @!p0 s4, s6;
	[sflag:s5] =	ssyncadd.s32 @!p0 $0xFFFFFFFF  }
0xb3: {  	s25 =	simm.s32 $0x1B8E;
	s24 =	sld [smem:$0x3FFE];
	[sflag:s4] =	ssyncadd.remote.s32 @!p0 $0x1  }
0xb4: {  	s26 =	simm.s32 $execute0_lowered;
	[smem:$0x3FD2] =	sst s25  }
0xb5: {  	s5 =	sshll.u32 s26, $0x1;
	_ =	strace $0x8000004F;
	[dreg:$0x1] =	wrdreg $0xFFFFFFFF  }
0xb6: {  	s28 =	simm.s32 $_size_execute0_lowered;
	s3 =	sadd.s32 s3, s5;
	[dreg:$0x0] =	wrdreg $0x0  }
0xb7: {  	s5 =	sshll.u32 s28, $0x1;
	[dreg:$0x2] =	wrdreg s3  }
0xb8: {  	[dreg:$0x3] =	wrdreg s5  }
0xb9: {  	[dreg:$0x4] =	wrdreg $0xC0  }
0xba: {  	_ =	task [dreg:s22], $0x5FFFF  }
0xbb: {  	[dreg:$0x1] =	wrdreg $0xFFFFFFFF  }
0xbc: {  	[dreg:$0x0] =	wrdreg $0x60  }
0xbd: {  	[dreg:$0x2] =	wrdreg s24  }
0xbe: {  	[dreg:$0x3] =	wrdreg $0xB  }
0xbf: {  	_ =	task.clear_ibuf [dreg:s22], $0x4FFFF;
	_ =	strace $0x9000004F  }
0xc0: {  	s29 =	simm.s32 $0xB;
	_ =	strace $0x80000051  }
0xc1: {  	_ =	swait.ge [sflag:s29], $0x1  }
0xc2: {  	[sflag:s29] =	ssyncadd.s32 $0xFFFFFFFF  }
0xc3: {  	_ =	strace $0x90000051  }
0xc4: {  	_ =	sfence  }
0xc5: {  	s30 =	sld [smem:$0x0];
	_ =	sdelay $0x2  }
0xc6: {  	s31 =	sshll.u32 s1, $0xD;
	s1 =	sshrl.u32 s1, $0x2  }
0xc7: {  	s4 =	sand.u32 $0x4000, s31;
	s1 =	sadd.s32 s1, s30  }
0xc8: {  	s0 =	sor.u32 s4, s0;
	s1 =	sshll.u32 s1, $0x11  }
0xc9: {  	s0 =	sor.u32 s1, s0  }
0xca: {  	s0 =	sadd.s32 $0x8F2B, s0  }
0xcb: {  	[sflag:s0] =	ssyncadd.remote.s32 $0x1  }
0xcc: {  	_ =	sfence.sel $0xFFFF  }
0xcd: {  	[dreg:$0x0] =	wrdreg $0xFFFFFFFF;
	(pc) =	sbr.abs _section_cstart, $3  }
0xce: {  	[dreg:$0x1] =	wrdreg $0xFFFFFFFF  }
0xcf: {  	_ =	task.clear_ibuf [dreg:s22], $0x2FFFF;
	_ =	strace $0x9FFFFFFF  }
0xd0: {  	(tm) =	ssettm $0x7FFFFFFF  }
0xd1: {  	_ =	shalt  }
tec
execute0_lowered:
.L_overlay_start_1:
0x0: {  	(tag) =	ssettag $0x1  }
0x1: {  	s4 =	rddreg [dreg:$0x0]  }
0x2: {  	s2 =	srdreg.scid;
	s0 =	rddreg [dreg:$0x1]  }
0x3: {  	s1 =	stileid.u32;
	s13 =	simm.s32 $0x5;
	s14 =	simm.s32 $0x1900  }
0x4: {  	s15 =	simm.s32 $0x3900;
	s16 =	simm.s32 $0x1;
	s17 =	simm.s32 $0x40  }
0x5: {  	s18 =	simm.s32 $0x3;
	s19 =	simm.s32 $0x2;
	s20 =	simm.s32 $0x4  }
0x6: {  	s21 =	simm.s32 $0x0;
	s6 =	sand.u32 $0x1, s2;
	s2 =	simm.s32 $0x0  }
0x7: {  	s3 =	sshll.u32 s1, $0x8;
	s10 =	sshrl.u32 s1, $0x3;
	s26 =	sshll.u32 s1, $0xF  }
0x8: {  	s5 =	sshll.u32 s6, $0x7;
	[smem:$0x7FF] =	sst s2;
	s8 =	ssub.s32 $0x2, s6  }
0x9: {  	s24 =	sshll.u32 s10, $0x12;
	s25 =	sshll.u32 s10, $0x6;
	s12 =	sshll.u32 s6, $0xE  }
0xa: {  	s10 =	smul.u32 $0x3FFC0, s10;
	s5 =	sor.u32 s5, s3;
	_ =	strace $0x80000050  }
0xb: {  	s3 =	sadd.s32 $0xF5CA00, s4;
	s9 =	sshrl.u32 s8, $0x1;
	s28 =	sor.u32 s12, s26  }
0xc: {  	s12 =	simm.s32 $0x1000;
	s7 =	sshrl.u32 s5, $0x3;
	s11 =	sshll.u32 s5, $0x7  }
0xd: {  	s8 =	ssub.s32 s8, s9;
	s7 =	sadd.s32 s7, s4;
	s9 =	ssub.s32 s11, s24  }
0xe: {  	s4 =	sadd.s32 $0x321600, s4;
	s5 =	sadd.s32 $0xF50200, s7;
	s7 =	sor.u32 s25, s9  }
0xf: {  	s9 =	sadd.s32 $0xC00000, s7;
	s29 =	sadd.s32 $0xC40000, s7;
	s7 =	ssub.s32 s28, s10  }
0x10: {  	s6 =	smax.u32 s8, $0x1;
	s11 =	simm.s32 $0x80;
	s10 =	sadd.s32 $0x40000, s7  }
0x11: {  	s30 =	sshrl.u32 s9, $0x3;
	s31 =	sshrl.u32 s29, $0x3;
	s10 =	sshrl.u32 s10, $0x3  }
0x12: {  	s8 =	sadd.s32 s4, s30;
	s9 =	sadd.s32 s4, s31;
	s10 =	sadd.s32 s10, s4  }
.LBB2_1:
0x13: {  	[tilespmem:s2], [sflag:$0x5] =	stream.strided.gather [hbm4b:s5+s11], $0x1900, s12, s11, $0x38;
	[tilespmem:$0x5900] =	vst v63  }
0x14: {  	_ =	swait.ge [sflag:s13], $0x1900  }
0x15: {  	[sflag:s13] =	ssyncset.done $0x0  }
0x16: {  	[sflag:s13] =	ssyncadd.s32 $0xFFFFE700  }
0x17: {  	[tilespmem:s14], [sflag:$0x1] =	stream.indirect.gather [hbm4b:s3+s11], $0x40, s2, s11, $0xb8;
	[tilespmem:$0x5900] =	vst v63  }
0x18: {  	_ = 	snop  }
0x19: {  	[tilespmem:s15], [sflag:$0x2] =	stream.indirect.gather [hbm4b:s3+s11], $0x40, s11, s11, $0xb8;
	[tilespmem:$0x5900] =	vst v63  }
0x1a: {  	_ =	swait.ge [sflag:s16], $0x2000  }
0x1b: {  	s22 =	sshrl.u32 s7, $0x3;
	[sflag:s16] =	ssyncset.done $0x0  }
0x1c: {  	s22 =	sadd.s32 s4, s22;
	[sflag:s16] =	ssyncadd.s32 $0xFFFFE000  }
0x1d: {  	[hbm4b:s22+s17] =	stream.strided.scatter [tilespmem:s14], [sflag:$0x3], $0x2000, s11, s17, $0x38;
	[tilespmem:$0x5900] =	vst v63  }
0x1e: {  	_ =	swait.ge [sflag:s18], $0x2000  }
0x1f: {  	[sflag:s18] =	ssyncset.done $0x0  }
0x20: {  	s30 =	simm.s32 $0x100;
	[sflag:s18] =	ssyncadd.s32 $0xFFFFE000  }
0x21: {  	[tilespmem:s14], [sflag:$0x1] =	stream.indirect.gather [hbm4b:s3+s11], $0x40, s30, s11, $0xb8;
	[tilespmem:$0x5900] =	vst v63  }
0x22: {  	_ =	swait.ge [sflag:s19], $0x2000  }
0x23: {  	[sflag:s19] =	ssyncset.done $0x0  }
0x24: {  	s31 =	sadd.s32 $0x0, s10;
	[sflag:s19] =	ssyncadd.s32 $0xFFFFE000  }
0x25: {  	[hbm4b:s31+s17] =	stream.strided.scatter [tilespmem:s15], [sflag:$0x4], $0x2000, s11, s17, $0x38;
	[tilespmem:$0x5900] =	vst v63  }
0x26: {  	_ =	swait.ge [sflag:s20], $0x2000  }
0x27: {  	s23 =	simm.s32 $0x10000;
	s24 =	sadd.s32 $0x80000, s7;
	[sflag:s20] =	ssyncset.done $0x0  }
0x28: {  	s25 =	simm.s32 $0x280;
	s22 =	simm.s32 $0x180;
	[sflag:s20] =	ssyncadd.s32 $0xFFFFE000  }
.LBB2_2:
0x29: {  	[tilespmem:s15], [sflag:$0x2] =	stream.indirect.gather [hbm4b:s3+s11], $0x40, s22, s11, $0xb8;
	[tilespmem:$0x5900] =	vst v63  }
0x2a: {  	s26 =	smov.u32 s23;
	s22 =	smov.u32 s25  }
0x2b: {  	p0 =	sne.s32 s23, $0x170000;
	s23 =	sadd.s32 $0x10000, s23;
	_ =	swait.ge [sflag:s16], $0x2000  }
0x2c: {  	s28 =	sshrl.u32 s24, $0x3;
	[sflag:s16] =	ssyncset.done $0x0  }
0x2d: {  	s28 =	sadd.s32 s4, s28;
	[sflag:s16] =	ssyncadd.s32 $0xFFFFE000  }
0x2e: {  	[hbm4b:s28+s17] =	stream.strided.scatter [tilespmem:s14], [sflag:$0x3], $0x2000, s11, s17, $0x38;
	[tilespmem:$0x5900] =	vst v63  }
0x2f: {  	_ =	swait.ge [sflag:s18], $0x2000  }
0x30: {  	[sflag:s18] =	ssyncset.done $0x0  }
0x31: {  	s28 =	sadd.s32 $0xFFFFFF80, s25;
	[sflag:s18] =	ssyncadd.s32 $0xFFFFE000  }
0x32: {  	[tilespmem:s14], [sflag:$0x1] =	stream.indirect.gather [hbm4b:s3+s11], $0x40, s28, s11, $0xb8;
	[tilespmem:$0x5900] =	vst v63  }
0x33: {  	_ =	swait.ge [sflag:s19], $0x2000  }
0x34: {  	[sflag:s19] =	ssyncset.done $0x0  }
.Ltmp0:
0x35: {  	s26 =	sadd.s32 s26, s10;
	[sflag:s19] =	ssyncadd.s32 $0xFFFFE000;
	(pc) =	sbr.rel @p0 .LBB2_2-.Ltmp0, $4  }
0x36: {  	[hbm4b:s26+s17] =	stream.strided.scatter [tilespmem:s15], [sflag:$0x4], $0x2000, s11, s17, $0x38;
	[tilespmem:$0x5900] =	vst v63  }
0x37: {  	_ =	swait.ge [sflag:s20], $0x2000  }
0x38: {  	[sflag:s20] =	ssyncset.done $0x0  }
0x39: {  	s24 =	sadd.s32 $0x80000, s24;
	s25 =	sadd.s32 $0x100, s25;
	[sflag:s20] =	ssyncadd.s32 $0xFFFFE000  }
0x3a: {  	[tilespmem:s15], [sflag:$0x2] =	stream.indirect.gather [hbm4b:s3+s11], $0x40, s22, s11, $0xb8;
	[tilespmem:$0x5900] =	vst v63  }
0x3b: {  	_ =	swait.ge [sflag:s16], $0x2000  }
0x3c: {  	[sflag:s16] =	ssyncset.done $0x0  }
0x3d: {  	[sflag:s16] =	ssyncadd.s32 $0xFFFFE000  }
0x3e: {  	[hbm4b:s8+s17] =	stream.strided.scatter [tilespmem:s14], [sflag:$0x3], $0x2000, s11, s17, $0x38;
	[tilespmem:$0x5900] =	vst v63  }
0x3f: {  	_ =	swait.ge [sflag:s19], $0x2000  }
0x40: {  	[sflag:s19] =	ssyncset.done $0x0  }
0x41: {  	s21 =	sadd.s32 $0x1, s21;
	[sflag:s19] =	ssyncadd.s32 $0xFFFFE000  }
0x42: {  	[hbm4b:s9+s17] =	stream.strided.scatter [tilespmem:s15], [sflag:$0x4], $0x2000, s11, s17, $0x38;
	[tilespmem:$0x5900] =	vst v63  }
0x43: {  	p0 =	sne.s32 s21, s6;
	_ =	swait.ge [sflag:s18], $0x2000  }
.Ltmp1:
0x44: {  	[sflag:s18] =	ssyncset.done $0x0;
	(pc) =	sbr.rel @p0 .LBB2_1-.Ltmp1, $4  }
0x45: {  	[sflag:s18] =	ssyncadd.s32 $0xFFFFE000  }
0x46: {  	_ =	swait.ge [sflag:s20], $0x2000  }
0x47: {  	[sflag:s20] =	ssyncset.done $0x0  }
0x48: {  	[sflag:s20] =	ssyncadd.s32 $0xFFFFE000  }
0x49: {  	_ =	sfence.sel $0x180000  }
0x4a: {  	[bflag:$0x0] =	sbarrier.arrive $0xFFFF  }
0x4b: {  	p0 =	sne.s32 s1, $0x0;
	_ =	strace $0x90000050  }
0x4c: {  	s0 =	sadd.s32 @!p0 $0x100000, s0;
	[bflag:$0x2] =	sbarrier.arrive $0xFFFF  }
0x4d: {  	[sflag:s0] =	ssyncadd.tile.s32 @!p0 $0x1;
	_ =	shalt  }
.Lfunc_end2:
_tile_overlayer_lowered:
.L_overlay_start_2:
0x4e: {  	(tag) =	ssettag $0x2  }
0x4f: {  	s0 =	rddreg [dreg:$0x0];
	s2 =	stileid.u32  }
0x50: {  	s1 =	rddreg [dreg:$0x1];
	p0 =	sne.s32 s2, $0x0  }
0x51: {  	s3 =	rddreg [dreg:$0x2];
	[bflag:$0x3] =	sbarrier.arrive $0xFFFF;
	s2 =	simm.s32 @!p0 $0x1C05  }
0x52: {  	[timem:s3], [sflag:s2] =	dma.local @!p0 [hbm:s0], s1  }
0x53: {  	s0 =	simm.s32 @!p0 $0x5  }
0x54: {  	_ =	swait.ge @!p0 [sflag:s0], s1  }
0x55: {  	s1 =	ssub.s32 @!p0 $0x0, s1;
	[sflag:s0] =	ssyncset.done @!p0 $0x0  }
0x56: {  	[sflag:s0] =	ssyncadd.s32 @!p0 s1  }
0x57: {  	[bflag:$0x3] =	sbarrier.arrive $0xFFFF  }
0x58: {  	_ =	shalt  }

// kernel: sc_gather_seg150.3.cloned.1.call-start
scs
__scs_entry_jumppad:
0x0: {  	(pc) =	sbr.rel $0x88, $3  }
0x1: {  	(tag) =	ssettag $0x0;
	lr =	simm.s32 $0x1  }
0x2: {  	[smem:$0x3F9F] =	sst lr;
	_ =	strace $0xD0000000  }
0x3: {  	_ = 	snop  }
0x4: {  	_ = 	snop  }
0x5: {  	_ = 	snop  }
0x6: {  	_ = 	snop  }
0x7: {  	_ = 	snop  }
__scs_overlays_trampoline_lowered:
0x8: {  	[smem:$0x3FAE] =	sst s0  }
0x9: {  	[smem:$0x3FAF] =	sst s1  }
0xa: {  	[smem:$0x3FB0] =	sst s2  }
0xb: {  	[smem:$0x3FB1] =	sst s3  }
0xc: {  	[smem:$0x3FB2] =	sst s4  }
0xd: {  	[smem:$0x3FB3] =	sst s5  }
0xe: {  	[smem:$0x3FB4] =	sst s6  }
0xf: {  	[smem:$0x3FB5] =	sst s7  }
0x10: {  	[smem:$0x3FB6] =	sst s8  }
0x11: {  	[smem:$0x3FB7] =	sst s9;
	s0 =	simm.s32 @!p0 $0x0  }
0x12: {  	s1 =	sld [smem:$0x3F9D];
	s0 =	simm.s32 @p0 $0x1  }
0x13: {  	[smem:$0x3FB8] =	sst s0;
	s0 =	simm.s32 @!p1 $0x0  }
0x14: {  	s2 =	sld [smem:$0x3F9C];
	s0 =	simm.s32 @p1 $0x1  }
0x15: {  	[smem:$0x3FB9] =	sst s0;
	s0 =	simm.s32 @!p2 $0x0  }
0x16: {  	s3 =	sld [smem:$0x3FDB];
	s0 =	simm.s32 @p2 $0x1  }
0x17: {  	s4 =	simm.s32 $0x1BF5;
	[smem:$0x3FBB] =	sst s0  }
0x18: {  	s0 =	sld [smem:$0x3F9E];
	_ =	swait.ge [sflag:s4], $0x0  }
0x19: {  	s7 =	sld [smem:$0x3F9F]  }
0x1a: {  	s8 =	sadd.s32 $0xFFFFE003, lr  }
0x1b: {  	s9 =	sadd.s32 $0xFFFFFEF7, lr;
	s5 =	simm.s32 $0xFFFFFFFF;
	p2 =	slt.u32 s8, $0xFFFFF086  }
0x1c: {  	p1 =	slt.u32 s9, $0xF7A;
	s5 =	simm.s32 @!p2 $0x0  }
0x1d: {  	s5 =	simm.s32 @p1 $0x1;
	p0 =	seq.s32 s7, s2  }
0x1e: {  	s7 =	smul.u32 @!p0 $0xF7A, s2;
	p2 =	seq.s32 @!p0 s5, $0x0  }
0x1f: {  	s9 =	smul.u32 $0xF7A, s1;
	s8 =	simm.s32 @!p0 $0x1BF5;
	p2 =	por !p2, p0  }
0x20: {  	[sflag:s8] =	ssyncset.s32 @!p0 $0xFFFFF086;
	s6 =	sadd.s32 @!p0 s3, s7;
	s7 =	simm.s32 @!p0 $0x108  }
0x21: {  	s3 =	sadd.s32 s3, s9;
	s6 =	sadd.s32 @!p0 $0x88, s6;
	s7 =	simm.s32 @p2 $0x1082  }
0x22: {  	[simem:s7], [sflag:s8] =	dma.local @!p0 [hbm:s6], $0xF7A  }
0x23: {  	s9 =	sor.u32 $0xD0000000, s2;
	s6 =	simm.s32 $0x108;
	_ =	swait.ge @!p0 [sflag:s8], $0x0  }
0x24: {  	s3 =	sadd.s32 $0x88, s3;
	s6 =	simm.s32 @!p1 $0x1082;
	[sflag:s4] =	ssyncset.s32 $0xFFFFF086  }
0x25: {  	[simem:s6], [sflag:s4] =	dma.local [hbm:s3], $0xF7A  }
0x26: {  	[smem:$0x3F9F] =	sst s1;
	(tag) =	ssettag s2;
	_ =	strace s9  }
0x27: {  	s1 =	sld [smem:$0x3FAF]  }
0x28: {  	s2 =	sld [smem:$0x3FB0]  }
0x29: {  	s4 =	sld [smem:$0x3FB2]  }
0x2a: {  	p0 =	seq.s32 s5, $0x0;
	s5 =	sld [smem:$0x3FB3]  }
0x2b: {  	s6 =	sld [smem:$0x3FB4]  }
0x2c: {  	s7 =	sld [smem:$0x3FB5]  }
0x2d: {  	s3 =	simm.s32 $0x108;
	s8 =	sld [smem:$0x3FB6]  }
0x2e: {  	s3 =	simm.s32 @!p0 $0x1082;
	s9 =	sld [smem:$0x3FB7]  }
0x2f: {  	lr =	sadd.s32 s0, s3;
	s0 =	sld [smem:$0x3FAE]  }
0x30: {  	s3 =	sld [smem:$0x3FB1]  }
0x31: {  	[smem:$0x3FBA] =	sst s10  }
0x32: {  	s10 =	sld [smem:$0x3FB8];
	_ =	sdelay $0x3  }
0x33: {  	p0 =	seq.s32 s10, $0x1;
	s10 =	sld [smem:$0x3FBA];
	_ =	sdelay $0x3  }
0x34: {  	[smem:$0x3FBA] =	sst s10  }
0x35: {  	s10 =	sld [smem:$0x3FB9];
	_ =	sdelay $0x3  }
0x36: {  	p1 =	seq.s32 s10, $0x1;
	s10 =	sld [smem:$0x3FBA];
	_ =	sdelay $0x3  }
0x37: {  	[smem:$0x3FBA] =	sst s10  }
0x38: {  	s10 =	sld [smem:$0x3FBB]  }
0x39: {  	_ = 	snop;
	(pc) =	sbr.ind lr, $3  }
0x3a: {  	_ = 	snop  }
0x3b: {  	_ = 	snop  }
0x3c: {  	p2 =	seq.s32 s10, $0x1;
	s10 =	sld [smem:$0x3FBA]  }
0x3d: {  	_ =	shalt  }
0x3e: {  	_ =	shalt  }
0x3f: {  	_ =	shalt  }
0x40: {  	_ =	shalt  }
0x41: {  	_ =	shalt  }
0x42: {  	_ =	shalt  }
0x43: {  	_ =	shalt  }
0x44: {  	_ =	shalt  }
0x45: {  	_ =	shalt  }
0x46: {  	_ =	shalt  }
0x47: {  	_ =	shalt  }
0x48: {  	_ =	shalt  }
0x49: {  	_ =	shalt  }
0x4a: {  	_ =	shalt  }
0x4b: {  	_ =	shalt  }
0x4c: {  	_ =	shalt  }
0x4d: {  	_ =	shalt  }
0x4e: {  	_ =	shalt  }
0x4f: {  	_ =	shalt  }
0x50: {  	_ =	shalt  }
0x51: {  	_ =	shalt  }
0x52: {  	_ =	shalt  }
0x53: {  	_ =	shalt  }
0x54: {  	_ =	shalt  }
0x55: {  	_ =	shalt  }
0x56: {  	_ =	shalt  }
0x57: {  	_ =	shalt  }
0x58: {  	_ =	shalt  }
0x59: {  	_ =	shalt  }
0x5a: {  	_ =	shalt  }
0x5b: {  	_ =	shalt  }
0x5c: {  	_ =	shalt  }
0x5d: {  	_ =	shalt  }
0x5e: {  	_ =	shalt  }
0x5f: {  	_ =	shalt  }
0x60: {  	_ =	shalt  }
0x61: {  	_ =	shalt  }
0x62: {  	_ =	shalt  }
0x63: {  	_ =	shalt  }
0x64: {  	_ =	shalt  }
0x65: {  	_ =	shalt  }
0x66: {  	_ =	shalt  }
0x67: {  	_ =	shalt  }
0x68: {  	_ =	shalt  }
0x69: {  	_ =	shalt  }
0x6a: {  	_ =	shalt  }
0x6b: {  	_ =	shalt  }
0x6c: {  	_ =	shalt  }
0x6d: {  	_ =	shalt  }
0x6e: {  	_ =	shalt  }
0x6f: {  	_ =	shalt  }
0x70: {  	_ =	shalt  }
0x71: {  	_ =	shalt  }
0x72: {  	_ =	shalt  }
0x73: {  	_ =	shalt  }
0x74: {  	_ =	shalt  }
0x75: {  	_ =	shalt  }
0x76: {  	_ =	shalt  }
0x77: {  	_ =	shalt  }
0x78: {  	_ =	shalt  }
0x79: {  	_ =	shalt  }
0x7a: {  	_ =	shalt  }
0x7b: {  	_ =	shalt  }
0x7c: {  	_ =	shalt  }
0x7d: {  	_ =	shalt  }
0x7e: {  	_ =	shalt  }
0x7f: {  	_ =	shalt  }
0x80: {  	_ =	shalt  }
0x81: {  	_ =	shalt  }
0x82: {  	_ =	shalt  }
0x83: {  	_ =	shalt  }
0x84: {  	_ =	shalt  }
0x85: {  	_ =	shalt  }
0x86: {  	_ =	shalt  }
0x87: {  	_ =	shalt  }
.Lfunc_end0:
.L_simem_size_0:
called_computation.4_lowered:
.L_overlay_start_0:
0x88: {  	s2 =	sld [smem:$0x3FD9]  }
0x89: {  	s3 =	sld [smem:$0x3FFE];
	_ =	sdelay $0x1  }
0x8a: {  	s1 =	srdreg.scid  }
0x8b: {  	s0 =	sand.u32 $0x1, s1  }
0x8c: {  	s17 =	sshll.u32 s0, $0xA;
	s2 =	sadd.s32 s3, s2  }
0x8d: {  	s2 =	sadd.s32 s2, s17  }
0x8e: {  	[smem:$0x3FC6] =	sst s2  }
0x8f: {  	_ = 	snop  }
0x90: {  	(tm) =	ssettm $0x1  }
0x91: {  	s18 =	sld [smem:$0x3FFB];
	_ =	sdelay $0x3  }
0x92: {  	_ =	strace s18  }
0x93: {  	s2 =	sld [smem:$0x3FFC];
	_ =	sdelay $0x3  }
0x94: {  	_ =	strace s2  }
0x95: {  	s2 =	sld [smem:$0x3FFD];
	_ =	sdelay $0x3  }
0x96: {  	_ =	strace s2  }
0x97: {  	_ =	strace $0x8FFFFFFF  }
0x98: {  	s19 =	sld [smem:$0x3FDB];
	_ =	sdelay $0x1  }
0x99: {  	s20 =	simm.s32 $_scs_section_size  }
0x9a: {  	s4 =	simm.s32 $_size__tile_overlayer_lowered;
	s5 =	simm.s32 $_tile_overlayer_lowered  }
0x9b: {  	s6 =	simm.s32 $0x1BFF;
	s21 =	sshll.u32 s5, $0x1;
	s3 =	sadd.s32 s20, s19  }
0x9c: {  	s22 =	simm.s32 $0x0;
	s4 =	sshll.u32 s4, $0x1;
	s5 =	sadd.s32 s21, s3  }
0x9d: {  	[timem:s22], [sflag:s6] =	dma.local [hbm:s5], s4  }
0x9e: {  	_ =	swait.ge [sflag:s6], s4  }
0x9f: {  	s4 =	ssub.s32 $0x0, s4;
	[sflag:s6] =	ssyncset.done $0x0  }
0xa0: {  	[sflag:s6] =	ssyncadd.s32 s4;
	_ =	sdelay $0x1  }
0xa1: {  	s23 =	simm.s32 $0x1B8B  }
0xa2: {  	_ =	swait.ge [sflag:s23], $0x1  }
0xa3: {  	[sflag:s23] =	ssyncset.done $0x0  }
0xa4: {  	[sflag:s23] =	ssyncadd.s32 $0xFFFFFFFF  }
0xa5: {  	s4 =	sld [smem:$0x0]  }
0xa6: {  	s5 =	sand.u32 $0xFFFFFFFE, s1  }
0xa7: {  	p0 =	sne.s32 s1, s5  }
0xa8: {  	s5 =	sshll.u32 @p0 s5, $0xE  }
0xa9: {  	s5 =	sadd.s32 @p0 $0x11B8D, s5;
	s6 =	sshll.u32 @p0 s4, $0x11  }
0xaa: {  	s5 =	sor.u32 @p0 s6, s5  }
0xab: {  	[sflag:s5] =	ssyncadd.remote.s32 @p0 $0x1;
	_ =	sdelay $0x1  }
0xac: {  	s5 =	simm.s32 @p0 $0x1B8D  }
0xad: {  	_ =	swait.eq @p0 [sflag:s5], $0x1  }
0xae: {  	[sflag:s5] =	ssyncadd.s32 @p0 $0xFFFFFFFF  }
0xaf: {  	s6 =	sshll.u32 @!p0 s1, $0xE  }
0xb0: {  	s6 =	sor.u32 @!p0 $0x4000, s6;
	s5 =	simm.s32 @!p0 $0x1B8D  }
0xb1: {  	s4 =	sshll.u32 @!p0 s4, $0x11;
	s6 =	sadd.s32 @!p0 $0x11B8D, s6;
	_ =	swait.eq @!p0 [sflag:s5], $0x1  }
0xb2: {  	s4 =	sor.u32 @!p0 s4, s6;
	[sflag:s5] =	ssyncadd.s32 @!p0 $0xFFFFFFFF  }
0xb3: {  	s25 =	simm.s32 $0x1B8E;
	s24 =	sld [smem:$0x3FFE];
	[sflag:s4] =	ssyncadd.remote.s32 @!p0 $0x1  }
0xb4: {  	s26 =	simm.s32 $execute0_lowered;
	[smem:$0x3FD2] =	sst s25  }
0xb5: {  	s5 =	sshll.u32 s26, $0x1;
	_ =	strace $0x80000052;
	[dreg:$0x1] =	wrdreg $0xFFFFFFFF  }
0xb6: {  	s28 =	simm.s32 $_size_execute0_lowered;
	s3 =	sadd.s32 s3, s5;
	[dreg:$0x0] =	wrdreg $0x0  }
0xb7: {  	s5 =	sshll.u32 s28, $0x1;
	[dreg:$0x2] =	wrdreg s3  }
0xb8: {  	[dreg:$0x3] =	wrdreg s5  }
0xb9: {  	[dreg:$0x4] =	wrdreg $0xC0  }
0xba: {  	_ =	task [dreg:s22], $0x5FFFF  }
0xbb: {  	[dreg:$0x1] =	wrdreg $0xFFFFFFFF  }
0xbc: {  	[dreg:$0x0] =	wrdreg $0x60  }
0xbd: {  	[dreg:$0x2] =	wrdreg s24  }
0xbe: {  	[dreg:$0x3] =	wrdreg $0xC  }
0xbf: {  	_ =	task.clear_ibuf [dreg:s22], $0x4FFFF;
	_ =	strace $0x90000052  }
0xc0: {  	s29 =	simm.s32 $0xC;
	_ =	strace $0x80000054  }
0xc1: {  	_ =	swait.ge [sflag:s29], $0x1  }
0xc2: {  	[sflag:s29] =	ssyncadd.s32 $0xFFFFFFFF  }
0xc3: {  	_ =	strace $0x90000054  }
0xc4: {  	_ =	sfence  }
0xc5: {  	s30 =	sld [smem:$0x0];
	_ =	sdelay $0x2  }
0xc6: {  	s31 =	sshll.u32 s1, $0xD;
	s1 =	sshrl.u32 s1, $0x2  }
0xc7: {  	s4 =	sand.u32 $0x4000, s31;
	s1 =	sadd.s32 s1, s30  }
0xc8: {  	s0 =	sor.u32 s4, s0;
	s1 =	sshll.u32 s1, $0x11  }
0xc9: {  	s0 =	sor.u32 s1, s0  }
0xca: {  	s0 =	sadd.s32 $0x8F2B, s0  }
0xcb: {  	[sflag:s0] =	ssyncadd.remote.s32 $0x1  }
0xcc: {  	_ =	sfence.sel $0xFFFF  }
0xcd: {  	[dreg:$0x0] =	wrdreg $0xFFFFFFFF;
	(pc) =	sbr.abs _section_cstart, $3  }
0xce: {  	[dreg:$0x1] =	wrdreg $0xFFFFFFFF  }
0xcf: {  	_ =	task.clear_ibuf [dreg:s22], $0x2FFFF;
	_ =	strace $0x9FFFFFFF  }
0xd0: {  	(tm) =	ssettm $0x7FFFFFFF  }
0xd1: {  	_ =	shalt  }
tec
execute0_lowered:
.L_overlay_start_1:
0x0: {  	(tag) =	ssettag $0x1  }
0x1: {  	s4 =	rddreg [dreg:$0x0]  }
0x2: {  	s2 =	srdreg.scid;
	s0 =	rddreg [dreg:$0x1]  }
0x3: {  	s1 =	stileid.u32;
	s13 =	simm.s32 $0x5;
	s14 =	simm.s32 $0x1900  }
0x4: {  	s15 =	simm.s32 $0x3900;
	s16 =	simm.s32 $0x1;
	s17 =	simm.s32 $0x40  }
0x5: {  	s18 =	simm.s32 $0x3;
	s19 =	simm.s32 $0x2;
	s20 =	simm.s32 $0x4  }
0x6: {  	s21 =	simm.s32 $0x0;
	s6 =	sand.u32 $0x1, s2;
	s2 =	simm.s32 $0x0  }
0x7: {  	s3 =	sshll.u32 s1, $0x8;
	s10 =	sshrl.u32 s1, $0x3;
	s26 =	sshll.u32 s1, $0xF  }
0x8: {  	s5 =	sshll.u32 s6, $0x7;
	[smem:$0x7FF] =	sst s2;
	s8 =	ssub.s32 $0x2, s6  }
0x9: {  	s24 =	sshll.u32 s10, $0x12;
	s25 =	sshll.u32 s10, $0x6;
	s12 =	sshll.u32 s6, $0xE  }
0xa: {  	s10 =	smul.u32 $0x3FFC0, s10;
	s5 =	sor.u32 s5, s3;
	_ =	strace $0x80000053  }
0xb: {  	s3 =	sadd.s32 $0xF5CA00, s4;
	s9 =	sshrl.u32 s8, $0x1;
	s28 =	sor.u32 s12, s26  }
0xc: {  	s12 =	simm.s32 $0x1000;
	s7 =	sshrl.u32 s5, $0x3;
	s11 =	sshll.u32 s5, $0x7  }
0xd: {  	s8 =	ssub.s32 s8, s9;
	s7 =	sadd.s32 s7, s4;
	s9 =	ssub.s32 s11, s24  }
0xe: {  	s4 =	sadd.s32 $0x4B1600, s4;
	s5 =	sadd.s32 $0xF56600, s7;
	s7 =	sor.u32 s25, s9  }
0xf: {  	s9 =	sadd.s32 $0xC00000, s7;
	s29 =	sadd.s32 $0xC40000, s7;
	s7 =	ssub.s32 s28, s10  }
0x10: {  	s6 =	smax.u32 s8, $0x1;
	s11 =	simm.s32 $0x80;
	s10 =	sadd.s32 $0x40000, s7  }
0x11: {  	s30 =	sshrl.u32 s9, $0x3;
	s31 =	sshrl.u32 s29, $0x3;
	s10 =	sshrl.u32 s10, $0x3  }
0x12: {  	s8 =	sadd.s32 s4, s30;
	s9 =	sadd.s32 s4, s31;
	s10 =	sadd.s32 s10, s4  }
.LBB2_1:
0x13: {  	[tilespmem:s2], [sflag:$0x5] =	stream.strided.gather [hbm4b:s5+s11], $0x1900, s12, s11, $0x38;
	[tilespmem:$0x5900] =	vst v63  }
0x14: {  	_ =	swait.ge [sflag:s13], $0x1900  }
0x15: {  	[sflag:s13] =	ssyncset.done $0x0  }
0x16: {  	[sflag:s13] =	ssyncadd.s32 $0xFFFFE700  }
0x17: {  	[tilespmem:s14], [sflag:$0x1] =	stream.indirect.gather [hbm4b:s3+s11], $0x40, s2, s11, $0xb8;
	[tilespmem:$0x5900] =	vst v63  }
0x18: {  	_ = 	snop  }
0x19: {  	[tilespmem:s15], [sflag:$0x2] =	stream.indirect.gather [hbm4b:s3+s11], $0x40, s11, s11, $0xb8;
	[tilespmem:$0x5900] =	vst v63  }
0x1a: {  	_ =	swait.ge [sflag:s16], $0x2000  }
0x1b: {  	s22 =	sshrl.u32 s7, $0x3;
	[sflag:s16] =	ssyncset.done $0x0  }
0x1c: {  	s22 =	sadd.s32 s4, s22;
	[sflag:s16] =	ssyncadd.s32 $0xFFFFE000  }
0x1d: {  	[hbm4b:s22+s17] =	stream.strided.scatter [tilespmem:s14], [sflag:$0x3], $0x2000, s11, s17, $0x38;
	[tilespmem:$0x5900] =	vst v63  }
0x1e: {  	_ =	swait.ge [sflag:s18], $0x2000  }
0x1f: {  	[sflag:s18] =	ssyncset.done $0x0  }
0x20: {  	s30 =	simm.s32 $0x100;
	[sflag:s18] =	ssyncadd.s32 $0xFFFFE000  }
0x21: {  	[tilespmem:s14], [sflag:$0x1] =	stream.indirect.gather [hbm4b:s3+s11], $0x40, s30, s11, $0xb8;
	[tilespmem:$0x5900] =	vst v63  }
0x22: {  	_ =	swait.ge [sflag:s19], $0x2000  }
0x23: {  	[sflag:s19] =	ssyncset.done $0x0  }
0x24: {  	s31 =	sadd.s32 $0x0, s10;
	[sflag:s19] =	ssyncadd.s32 $0xFFFFE000  }
0x25: {  	[hbm4b:s31+s17] =	stream.strided.scatter [tilespmem:s15], [sflag:$0x4], $0x2000, s11, s17, $0x38;
	[tilespmem:$0x5900] =	vst v63  }
0x26: {  	_ =	swait.ge [sflag:s20], $0x2000  }
0x27: {  	s23 =	simm.s32 $0x10000;
	s24 =	sadd.s32 $0x80000, s7;
	[sflag:s20] =	ssyncset.done $0x0  }
0x28: {  	s25 =	simm.s32 $0x280;
	s22 =	simm.s32 $0x180;
	[sflag:s20] =	ssyncadd.s32 $0xFFFFE000  }
.LBB2_2:
0x29: {  	[tilespmem:s15], [sflag:$0x2] =	stream.indirect.gather [hbm4b:s3+s11], $0x40, s22, s11, $0xb8;
	[tilespmem:$0x5900] =	vst v63  }
0x2a: {  	s26 =	smov.u32 s23;
	s22 =	smov.u32 s25  }
0x2b: {  	p0 =	sne.s32 s23, $0x170000;
	s23 =	sadd.s32 $0x10000, s23;
	_ =	swait.ge [sflag:s16], $0x2000  }
0x2c: {  	s28 =	sshrl.u32 s24, $0x3;
	[sflag:s16] =	ssyncset.done $0x0  }
0x2d: {  	s28 =	sadd.s32 s4, s28;
	[sflag:s16] =	ssyncadd.s32 $0xFFFFE000  }
0x2e: {  	[hbm4b:s28+s17] =	stream.strided.scatter [tilespmem:s14], [sflag:$0x3], $0x2000, s11, s17, $0x38;
	[tilespmem:$0x5900] =	vst v63  }
0x2f: {  	_ =	swait.ge [sflag:s18], $0x2000  }
0x30: {  	[sflag:s18] =	ssyncset.done $0x0  }
0x31: {  	s28 =	sadd.s32 $0xFFFFFF80, s25;
	[sflag:s18] =	ssyncadd.s32 $0xFFFFE000  }
0x32: {  	[tilespmem:s14], [sflag:$0x1] =	stream.indirect.gather [hbm4b:s3+s11], $0x40, s28, s11, $0xb8;
	[tilespmem:$0x5900] =	vst v63  }
0x33: {  	_ =	swait.ge [sflag:s19], $0x2000  }
0x34: {  	[sflag:s19] =	ssyncset.done $0x0  }
.Ltmp0:
0x35: {  	s26 =	sadd.s32 s26, s10;
	[sflag:s19] =	ssyncadd.s32 $0xFFFFE000;
	(pc) =	sbr.rel @p0 .LBB2_2-.Ltmp0, $4  }
0x36: {  	[hbm4b:s26+s17] =	stream.strided.scatter [tilespmem:s15], [sflag:$0x4], $0x2000, s11, s17, $0x38;
	[tilespmem:$0x5900] =	vst v63  }
0x37: {  	_ =	swait.ge [sflag:s20], $0x2000  }
0x38: {  	[sflag:s20] =	ssyncset.done $0x0  }
0x39: {  	s24 =	sadd.s32 $0x80000, s24;
	s25 =	sadd.s32 $0x100, s25;
	[sflag:s20] =	ssyncadd.s32 $0xFFFFE000  }
0x3a: {  	[tilespmem:s15], [sflag:$0x2] =	stream.indirect.gather [hbm4b:s3+s11], $0x40, s22, s11, $0xb8;
	[tilespmem:$0x5900] =	vst v63  }
0x3b: {  	_ =	swait.ge [sflag:s16], $0x2000  }
0x3c: {  	[sflag:s16] =	ssyncset.done $0x0  }
0x3d: {  	[sflag:s16] =	ssyncadd.s32 $0xFFFFE000  }
0x3e: {  	[hbm4b:s8+s17] =	stream.strided.scatter [tilespmem:s14], [sflag:$0x3], $0x2000, s11, s17, $0x38;
	[tilespmem:$0x5900] =	vst v63  }
0x3f: {  	_ =	swait.ge [sflag:s19], $0x2000  }
0x40: {  	[sflag:s19] =	ssyncset.done $0x0  }
0x41: {  	s21 =	sadd.s32 $0x1, s21;
	[sflag:s19] =	ssyncadd.s32 $0xFFFFE000  }
0x42: {  	[hbm4b:s9+s17] =	stream.strided.scatter [tilespmem:s15], [sflag:$0x4], $0x2000, s11, s17, $0x38;
	[tilespmem:$0x5900] =	vst v63  }
0x43: {  	p0 =	sne.s32 s21, s6;
	_ =	swait.ge [sflag:s18], $0x2000  }
.Ltmp1:
0x44: {  	[sflag:s18] =	ssyncset.done $0x0;
	(pc) =	sbr.rel @p0 .LBB2_1-.Ltmp1, $4  }
0x45: {  	[sflag:s18] =	ssyncadd.s32 $0xFFFFE000  }
0x46: {  	_ =	swait.ge [sflag:s20], $0x2000  }
0x47: {  	[sflag:s20] =	ssyncset.done $0x0  }
0x48: {  	[sflag:s20] =	ssyncadd.s32 $0xFFFFE000  }
0x49: {  	_ =	sfence.sel $0x180000  }
0x4a: {  	[bflag:$0x0] =	sbarrier.arrive $0xFFFF  }
0x4b: {  	p0 =	sne.s32 s1, $0x0;
	_ =	strace $0x90000053  }
0x4c: {  	s0 =	sadd.s32 @!p0 $0x100000, s0;
	[bflag:$0x2] =	sbarrier.arrive $0xFFFF  }
0x4d: {  	[sflag:s0] =	ssyncadd.tile.s32 @!p0 $0x1;
	_ =	shalt  }
.Lfunc_end2:
_tile_overlayer_lowered:
.L_overlay_start_2:
0x4e: {  	(tag) =	ssettag $0x2  }
0x4f: {  	s0 =	rddreg [dreg:$0x0];
	s2 =	stileid.u32  }
0x50: {  	s1 =	rddreg [dreg:$0x1];
	p0 =	sne.s32 s2, $0x0  }
0x51: {  	s3 =	rddreg [dreg:$0x2];
	[bflag:$0x3] =	sbarrier.arrive $0xFFFF;
	s2 =	simm.s32 @!p0 $0x1C05  }
0x52: {  	[timem:s3], [sflag:s2] =	dma.local @!p0 [hbm:s0], s1  }
0x53: {  	s0 =	simm.s32 @!p0 $0x5  }
0x54: {  	_ =	swait.ge @!p0 [sflag:s0], s1  }
0x55: {  	s1 =	ssub.s32 @!p0 $0x0, s1;
	[sflag:s0] =	ssyncset.done @!p0 $0x0  }
0x56: {  	[sflag:s0] =	ssyncadd.s32 @!p0 s1  }
0x57: {  	[bflag:$0x3] =	sbarrier.arrive $0xFFFF  }
0x58: {  	_ =	shalt  }

// kernel: sc_gather_seg50.3.cloned.1.call-start
scs
__scs_entry_jumppad:
0x0: {  	(pc) =	sbr.rel $0x88, $3  }
0x1: {  	(tag) =	ssettag $0x0;
	lr =	simm.s32 $0x1  }
0x2: {  	[smem:$0x3F9F] =	sst lr;
	_ =	strace $0xD0000000  }
0x3: {  	_ = 	snop  }
0x4: {  	_ = 	snop  }
0x5: {  	_ = 	snop  }
0x6: {  	_ = 	snop  }
0x7: {  	_ = 	snop  }
__scs_overlays_trampoline_lowered:
0x8: {  	[smem:$0x3FAE] =	sst s0  }
0x9: {  	[smem:$0x3FAF] =	sst s1  }
0xa: {  	[smem:$0x3FB0] =	sst s2  }
0xb: {  	[smem:$0x3FB1] =	sst s3  }
0xc: {  	[smem:$0x3FB2] =	sst s4  }
0xd: {  	[smem:$0x3FB3] =	sst s5  }
0xe: {  	[smem:$0x3FB4] =	sst s6  }
0xf: {  	[smem:$0x3FB5] =	sst s7  }
0x10: {  	[smem:$0x3FB6] =	sst s8  }
0x11: {  	[smem:$0x3FB7] =	sst s9;
	s0 =	simm.s32 @!p0 $0x0  }
0x12: {  	s1 =	sld [smem:$0x3F9D];
	s0 =	simm.s32 @p0 $0x1  }
0x13: {  	[smem:$0x3FB8] =	sst s0;
	s0 =	simm.s32 @!p1 $0x0  }
0x14: {  	s2 =	sld [smem:$0x3F9C];
	s0 =	simm.s32 @p1 $0x1  }
0x15: {  	[smem:$0x3FB9] =	sst s0;
	s0 =	simm.s32 @!p2 $0x0  }
0x16: {  	s3 =	sld [smem:$0x3FDB];
	s0 =	simm.s32 @p2 $0x1  }
0x17: {  	s4 =	simm.s32 $0x1BF5;
	[smem:$0x3FBB] =	sst s0  }
0x18: {  	s0 =	sld [smem:$0x3F9E];
	_ =	swait.ge [sflag:s4], $0x0  }
0x19: {  	s7 =	sld [smem:$0x3F9F]  }
0x1a: {  	s8 =	sadd.s32 $0xFFFFE003, lr  }
0x1b: {  	s9 =	sadd.s32 $0xFFFFFEF7, lr;
	s5 =	simm.s32 $0xFFFFFFFF;
	p2 =	slt.u32 s8, $0xFFFFF086  }
0x1c: {  	p1 =	slt.u32 s9, $0xF7A;
	s5 =	simm.s32 @!p2 $0x0  }
0x1d: {  	s5 =	simm.s32 @p1 $0x1;
	p0 =	seq.s32 s7, s2  }
0x1e: {  	s7 =	smul.u32 @!p0 $0xF7A, s2;
	p2 =	seq.s32 @!p0 s5, $0x0  }
0x1f: {  	s9 =	smul.u32 $0xF7A, s1;
	s8 =	simm.s32 @!p0 $0x1BF5;
	p2 =	por !p2, p0  }
0x20: {  	[sflag:s8] =	ssyncset.s32 @!p0 $0xFFFFF086;
	s6 =	sadd.s32 @!p0 s3, s7;
	s7 =	simm.s32 @!p0 $0x108  }
0x21: {  	s3 =	sadd.s32 s3, s9;
	s6 =	sadd.s32 @!p0 $0x88, s6;
	s7 =	simm.s32 @p2 $0x1082  }
0x22: {  	[simem:s7], [sflag:s8] =	dma.local @!p0 [hbm:s6], $0xF7A  }
0x23: {  	s9 =	sor.u32 $0xD0000000, s2;
	s6 =	simm.s32 $0x108;
	_ =	swait.ge @!p0 [sflag:s8], $0x0  }
0x24: {  	s3 =	sadd.s32 $0x88, s3;
	s6 =	simm.s32 @!p1 $0x1082;
	[sflag:s4] =	ssyncset.s32 $0xFFFFF086  }
0x25: {  	[simem:s6], [sflag:s4] =	dma.local [hbm:s3], $0xF7A  }
0x26: {  	[smem:$0x3F9F] =	sst s1;
	(tag) =	ssettag s2;
	_ =	strace s9  }
0x27: {  	s1 =	sld [smem:$0x3FAF]  }
0x28: {  	s2 =	sld [smem:$0x3FB0]  }
0x29: {  	s4 =	sld [smem:$0x3FB2]  }
0x2a: {  	p0 =	seq.s32 s5, $0x0;
	s5 =	sld [smem:$0x3FB3]  }
0x2b: {  	s6 =	sld [smem:$0x3FB4]  }
0x2c: {  	s7 =	sld [smem:$0x3FB5]  }
0x2d: {  	s3 =	simm.s32 $0x108;
	s8 =	sld [smem:$0x3FB6]  }
0x2e: {  	s3 =	simm.s32 @!p0 $0x1082;
	s9 =	sld [smem:$0x3FB7]  }
0x2f: {  	lr =	sadd.s32 s0, s3;
	s0 =	sld [smem:$0x3FAE]  }
0x30: {  	s3 =	sld [smem:$0x3FB1]  }
0x31: {  	[smem:$0x3FBA] =	sst s10  }
0x32: {  	s10 =	sld [smem:$0x3FB8];
	_ =	sdelay $0x3  }
0x33: {  	p0 =	seq.s32 s10, $0x1;
	s10 =	sld [smem:$0x3FBA];
	_ =	sdelay $0x3  }
0x34: {  	[smem:$0x3FBA] =	sst s10  }
0x35: {  	s10 =	sld [smem:$0x3FB9];
	_ =	sdelay $0x3  }
0x36: {  	p1 =	seq.s32 s10, $0x1;
	s10 =	sld [smem:$0x3FBA];
	_ =	sdelay $0x3  }
0x37: {  	[smem:$0x3FBA] =	sst s10  }
0x38: {  	s10 =	sld [smem:$0x3FBB]  }
0x39: {  	_ = 	snop;
	(pc) =	sbr.ind lr, $3  }
0x3a: {  	_ = 	snop  }
0x3b: {  	_ = 	snop  }
0x3c: {  	p2 =	seq.s32 s10, $0x1;
	s10 =	sld [smem:$0x3FBA]  }
0x3d: {  	_ =	shalt  }
0x3e: {  	_ =	shalt  }
0x3f: {  	_ =	shalt  }
0x40: {  	_ =	shalt  }
0x41: {  	_ =	shalt  }
0x42: {  	_ =	shalt  }
0x43: {  	_ =	shalt  }
0x44: {  	_ =	shalt  }
0x45: {  	_ =	shalt  }
0x46: {  	_ =	shalt  }
0x47: {  	_ =	shalt  }
0x48: {  	_ =	shalt  }
0x49: {  	_ =	shalt  }
0x4a: {  	_ =	shalt  }
0x4b: {  	_ =	shalt  }
0x4c: {  	_ =	shalt  }
0x4d: {  	_ =	shalt  }
0x4e: {  	_ =	shalt  }
0x4f: {  	_ =	shalt  }
0x50: {  	_ =	shalt  }
0x51: {  	_ =	shalt  }
0x52: {  	_ =	shalt  }
0x53: {  	_ =	shalt  }
0x54: {  	_ =	shalt  }
0x55: {  	_ =	shalt  }
0x56: {  	_ =	shalt  }
0x57: {  	_ =	shalt  }
0x58: {  	_ =	shalt  }
0x59: {  	_ =	shalt  }
0x5a: {  	_ =	shalt  }
0x5b: {  	_ =	shalt  }
0x5c: {  	_ =	shalt  }
0x5d: {  	_ =	shalt  }
0x5e: {  	_ =	shalt  }
0x5f: {  	_ =	shalt  }
0x60: {  	_ =	shalt  }
0x61: {  	_ =	shalt  }
0x62: {  	_ =	shalt  }
0x63: {  	_ =	shalt  }
0x64: {  	_ =	shalt  }
0x65: {  	_ =	shalt  }
0x66: {  	_ =	shalt  }
0x67: {  	_ =	shalt  }
0x68: {  	_ =	shalt  }
0x69: {  	_ =	shalt  }
0x6a: {  	_ =	shalt  }
0x6b: {  	_ =	shalt  }
0x6c: {  	_ =	shalt  }
0x6d: {  	_ =	shalt  }
0x6e: {  	_ =	shalt  }
0x6f: {  	_ =	shalt  }
0x70: {  	_ =	shalt  }
0x71: {  	_ =	shalt  }
0x72: {  	_ =	shalt  }
0x73: {  	_ =	shalt  }
0x74: {  	_ =	shalt  }
0x75: {  	_ =	shalt  }
0x76: {  	_ =	shalt  }
0x77: {  	_ =	shalt  }
0x78: {  	_ =	shalt  }
0x79: {  	_ =	shalt  }
0x7a: {  	_ =	shalt  }
0x7b: {  	_ =	shalt  }
0x7c: {  	_ =	shalt  }
0x7d: {  	_ =	shalt  }
0x7e: {  	_ =	shalt  }
0x7f: {  	_ =	shalt  }
0x80: {  	_ =	shalt  }
0x81: {  	_ =	shalt  }
0x82: {  	_ =	shalt  }
0x83: {  	_ =	shalt  }
0x84: {  	_ =	shalt  }
0x85: {  	_ =	shalt  }
0x86: {  	_ =	shalt  }
0x87: {  	_ =	shalt  }
.Lfunc_end0:
.L_simem_size_0:
called_computation.2_lowered:
.L_overlay_start_0:
0x88: {  	s2 =	sld [smem:$0x3FD9]  }
0x89: {  	s3 =	sld [smem:$0x3FFE];
	_ =	sdelay $0x1  }
0x8a: {  	s1 =	srdreg.scid  }
0x8b: {  	s0 =	sand.u32 $0x1, s1  }
0x8c: {  	s17 =	sshll.u32 s0, $0xA;
	s2 =	sadd.s32 s3, s2  }
0x8d: {  	s2 =	sadd.s32 s2, s17  }
0x8e: {  	[smem:$0x3FC6] =	sst s2  }
0x8f: {  	_ = 	snop  }
0x90: {  	(tm) =	ssettm $0x1  }
0x91: {  	s18 =	sld [smem:$0x3FFB];
	_ =	sdelay $0x3  }
0x92: {  	_ =	strace s18  }
0x93: {  	s2 =	sld [smem:$0x3FFC];
	_ =	sdelay $0x3  }
0x94: {  	_ =	strace s2  }
0x95: {  	s2 =	sld [smem:$0x3FFD];
	_ =	sdelay $0x3  }
0x96: {  	_ =	strace s2  }
0x97: {  	_ =	strace $0x8FFFFFFF  }
0x98: {  	s19 =	sld [smem:$0x3FDB];
	_ =	sdelay $0x1  }
0x99: {  	s20 =	simm.s32 $_scs_section_size  }
0x9a: {  	s4 =	simm.s32 $_size__tile_overlayer_lowered;
	s5 =	simm.s32 $_tile_overlayer_lowered  }
0x9b: {  	s6 =	simm.s32 $0x1BFF;
	s21 =	sshll.u32 s5, $0x1;
	s3 =	sadd.s32 s20, s19  }
0x9c: {  	s22 =	simm.s32 $0x0;
	s4 =	sshll.u32 s4, $0x1;
	s5 =	sadd.s32 s21, s3  }
0x9d: {  	[timem:s22], [sflag:s6] =	dma.local [hbm:s5], s4  }
0x9e: {  	_ =	swait.ge [sflag:s6], s4  }
0x9f: {  	s4 =	ssub.s32 $0x0, s4;
	[sflag:s6] =	ssyncset.done $0x0  }
0xa0: {  	[sflag:s6] =	ssyncadd.s32 s4;
	_ =	sdelay $0x1  }
0xa1: {  	s23 =	simm.s32 $0x1B8B  }
0xa2: {  	_ =	swait.ge [sflag:s23], $0x1  }
0xa3: {  	[sflag:s23] =	ssyncset.done $0x0  }
0xa4: {  	[sflag:s23] =	ssyncadd.s32 $0xFFFFFFFF  }
0xa5: {  	s4 =	sld [smem:$0x0]  }
0xa6: {  	s5 =	sand.u32 $0xFFFFFFFE, s1  }
0xa7: {  	p0 =	sne.s32 s1, s5  }
0xa8: {  	s5 =	sshll.u32 @p0 s5, $0xE  }
0xa9: {  	s5 =	sadd.s32 @p0 $0x11B8D, s5;
	s6 =	sshll.u32 @p0 s4, $0x11  }
0xaa: {  	s5 =	sor.u32 @p0 s6, s5  }
0xab: {  	[sflag:s5] =	ssyncadd.remote.s32 @p0 $0x1;
	_ =	sdelay $0x1  }
0xac: {  	s5 =	simm.s32 @p0 $0x1B8D  }
0xad: {  	_ =	swait.eq @p0 [sflag:s5], $0x1  }
0xae: {  	[sflag:s5] =	ssyncadd.s32 @p0 $0xFFFFFFFF  }
0xaf: {  	s6 =	sshll.u32 @!p0 s1, $0xE  }
0xb0: {  	s6 =	sor.u32 @!p0 $0x4000, s6;
	s5 =	simm.s32 @!p0 $0x1B8D  }
0xb1: {  	s4 =	sshll.u32 @!p0 s4, $0x11;
	s6 =	sadd.s32 @!p0 $0x11B8D, s6;
	_ =	swait.eq @!p0 [sflag:s5], $0x1  }
0xb2: {  	s4 =	sor.u32 @!p0 s4, s6;
	[sflag:s5] =	ssyncadd.s32 @!p0 $0xFFFFFFFF  }
0xb3: {  	s25 =	simm.s32 $0x1B8E;
	s24 =	sld [smem:$0x3FFE];
	[sflag:s4] =	ssyncadd.remote.s32 @!p0 $0x1  }
0xb4: {  	s26 =	simm.s32 $execute0_lowered;
	[smem:$0x3FD2] =	sst s25  }
0xb5: {  	s5 =	sshll.u32 s26, $0x1;
	_ =	strace $0x8000004C;
	[dreg:$0x1] =	wrdreg $0xFFFFFFFF  }
0xb6: {  	s28 =	simm.s32 $_size_execute0_lowered;
	s3 =	sadd.s32 s3, s5;
	[dreg:$0x0] =	wrdreg $0x0  }
0xb7: {  	s5 =	sshll.u32 s28, $0x1;
	[dreg:$0x2] =	wrdreg s3  }
0xb8: {  	[dreg:$0x3] =	wrdreg s5  }
0xb9: {  	[dreg:$0x4] =	wrdreg $0xC0  }
0xba: {  	_ =	task [dreg:s22], $0x5FFFF  }
0xbb: {  	[dreg:$0x1] =	wrdreg $0xFFFFFFFF  }
0xbc: {  	[dreg:$0x0] =	wrdreg $0x60  }
0xbd: {  	[dreg:$0x2] =	wrdreg s24  }
0xbe: {  	[dreg:$0x3] =	wrdreg $0xA  }
0xbf: {  	_ =	task.clear_ibuf [dreg:s22], $0x4FFFF;
	_ =	strace $0x9000004C  }
0xc0: {  	s29 =	simm.s32 $0xA;
	_ =	strace $0x8000004E  }
0xc1: {  	_ =	swait.ge [sflag:s29], $0x1  }
0xc2: {  	[sflag:s29] =	ssyncadd.s32 $0xFFFFFFFF  }
0xc3: {  	_ =	strace $0x9000004E  }
0xc4: {  	_ =	sfence  }
0xc5: {  	s30 =	sld [smem:$0x0];
	_ =	sdelay $0x2  }
0xc6: {  	s31 =	sshll.u32 s1, $0xD;
	s1 =	sshrl.u32 s1, $0x2  }
0xc7: {  	s4 =	sand.u32 $0x4000, s31;
	s1 =	sadd.s32 s1, s30  }
0xc8: {  	s0 =	sor.u32 s4, s0;
	s1 =	sshll.u32 s1, $0x11  }
0xc9: {  	s0 =	sor.u32 s1, s0  }
0xca: {  	s0 =	sadd.s32 $0x8F2B, s0  }
0xcb: {  	[sflag:s0] =	ssyncadd.remote.s32 $0x1  }
0xcc: {  	_ =	sfence.sel $0xFFFF  }
0xcd: {  	[dreg:$0x0] =	wrdreg $0xFFFFFFFF;
	(pc) =	sbr.abs _section_cstart, $3  }
0xce: {  	[dreg:$0x1] =	wrdreg $0xFFFFFFFF  }
0xcf: {  	_ =	task.clear_ibuf [dreg:s22], $0x2FFFF;
	_ =	strace $0x9FFFFFFF  }
0xd0: {  	(tm) =	ssettm $0x7FFFFFFF  }
0xd1: {  	_ =	shalt  }
tec
execute0_lowered:
.L_overlay_start_1:
0x0: {  	(tag) =	ssettag $0x1  }
0x1: {  	s4 =	rddreg [dreg:$0x0]  }
0x2: {  	s2 =	srdreg.scid;
	s0 =	rddreg [dreg:$0x1]  }
0x3: {  	s1 =	stileid.u32;
	s13 =	simm.s32 $0x5;
	s14 =	simm.s32 $0x1900  }
0x4: {  	s15 =	simm.s32 $0x3900;
	s16 =	simm.s32 $0x1;
	s17 =	simm.s32 $0x40  }
0x5: {  	s18 =	simm.s32 $0x3;
	s19 =	simm.s32 $0x2;
	s20 =	simm.s32 $0x4  }
0x6: {  	s21 =	simm.s32 $0x0;
	s6 =	sand.u32 $0x1, s2;
	s2 =	simm.s32 $0x0  }
0x7: {  	s3 =	sshll.u32 s1, $0x8;
	s10 =	sshrl.u32 s1, $0x3;
	s26 =	sshll.u32 s1, $0xF  }
0x8: {  	s5 =	sshll.u32 s6, $0x7;
	[smem:$0x7FF] =	sst s2;
	s8 =	ssub.s32 $0x2, s6  }
0x9: {  	s24 =	sshll.u32 s10, $0x12;
	s25 =	sshll.u32 s10, $0x6;
	s12 =	sshll.u32 s6, $0xE  }
0xa: {  	s10 =	smul.u32 $0x3FFC0, s10;
	s5 =	sor.u32 s5, s3;
	_ =	strace $0x8000004D  }
0xb: {  	s3 =	sadd.s32 $0xF5CA00, s4;
	s9 =	sshrl.u32 s8, $0x1;
	s28 =	sor.u32 s12, s26  }
0xc: {  	s12 =	simm.s32 $0x1000;
	s7 =	sshrl.u32 s5, $0x3;
	s11 =	sshll.u32 s5, $0x7  }
0xd: {  	s8 =	ssub.s32 s8, s9;
	s7 =	sadd.s32 s7, s4;
	s9 =	ssub.s32 s11, s24  }
0xe: {  	s4 =	sadd.s32 $0x191600, s4;
	s5 =	sadd.s32 $0xF49E00, s7;
	s7 =	sor.u32 s25, s9  }
0xf: {  	s9 =	sadd.s32 $0xC00000, s7;
	s29 =	sadd.s32 $0xC40000, s7;
	s7 =	ssub.s32 s28, s10  }
0x10: {  	s6 =	smax.u32 s8, $0x1;
	s11 =	simm.s32 $0x80;
	s10 =	sadd.s32 $0x40000, s7  }
0x11: {  	s30 =	sshrl.u32 s9, $0x3;
	s31 =	sshrl.u32 s29, $0x3;
	s10 =	sshrl.u32 s10, $0x3  }
0x12: {  	s8 =	sadd.s32 s4, s30;
	s9 =	sadd.s32 s4, s31;
	s10 =	sadd.s32 s10, s4  }
.LBB2_1:
0x13: {  	[tilespmem:s2], [sflag:$0x5] =	stream.strided.gather [hbm4b:s5+s11], $0x1900, s12, s11, $0x38;
	[tilespmem:$0x5900] =	vst v63  }
0x14: {  	_ =	swait.ge [sflag:s13], $0x1900  }
0x15: {  	[sflag:s13] =	ssyncset.done $0x0  }
0x16: {  	[sflag:s13] =	ssyncadd.s32 $0xFFFFE700  }
0x17: {  	[tilespmem:s14], [sflag:$0x1] =	stream.indirect.gather [hbm4b:s3+s11], $0x40, s2, s11, $0xb8;
	[tilespmem:$0x5900] =	vst v63  }
0x18: {  	_ = 	snop  }
0x19: {  	[tilespmem:s15], [sflag:$0x2] =	stream.indirect.gather [hbm4b:s3+s11], $0x40, s11, s11, $0xb8;
	[tilespmem:$0x5900] =	vst v63  }
0x1a: {  	_ =	swait.ge [sflag:s16], $0x2000  }
0x1b: {  	s22 =	sshrl.u32 s7, $0x3;
	[sflag:s16] =	ssyncset.done $0x0  }
0x1c: {  	s22 =	sadd.s32 s4, s22;
	[sflag:s16] =	ssyncadd.s32 $0xFFFFE000  }
0x1d: {  	[hbm4b:s22+s17] =	stream.strided.scatter [tilespmem:s14], [sflag:$0x3], $0x2000, s11, s17, $0x38;
	[tilespmem:$0x5900] =	vst v63  }
0x1e: {  	_ =	swait.ge [sflag:s18], $0x2000  }
0x1f: {  	[sflag:s18] =	ssyncset.done $0x0  }
0x20: {  	s30 =	simm.s32 $0x100;
	[sflag:s18] =	ssyncadd.s32 $0xFFFFE000  }
0x21: {  	[tilespmem:s14], [sflag:$0x1] =	stream.indirect.gather [hbm4b:s3+s11], $0x40, s30, s11, $0xb8;
	[tilespmem:$0x5900] =	vst v63  }
0x22: {  	_ =	swait.ge [sflag:s19], $0x2000  }
0x23: {  	[sflag:s19] =	ssyncset.done $0x0  }
0x24: {  	s31 =	sadd.s32 $0x0, s10;
	[sflag:s19] =	ssyncadd.s32 $0xFFFFE000  }
0x25: {  	[hbm4b:s31+s17] =	stream.strided.scatter [tilespmem:s15], [sflag:$0x4], $0x2000, s11, s17, $0x38;
	[tilespmem:$0x5900] =	vst v63  }
0x26: {  	_ =	swait.ge [sflag:s20], $0x2000  }
0x27: {  	s23 =	simm.s32 $0x10000;
	s24 =	sadd.s32 $0x80000, s7;
	[sflag:s20] =	ssyncset.done $0x0  }
0x28: {  	s25 =	simm.s32 $0x280;
	s22 =	simm.s32 $0x180;
	[sflag:s20] =	ssyncadd.s32 $0xFFFFE000  }
.LBB2_2:
0x29: {  	[tilespmem:s15], [sflag:$0x2] =	stream.indirect.gather [hbm4b:s3+s11], $0x40, s22, s11, $0xb8;
	[tilespmem:$0x5900] =	vst v63  }
0x2a: {  	s26 =	smov.u32 s23;
	s22 =	smov.u32 s25  }
0x2b: {  	p0 =	sne.s32 s23, $0x170000;
	s23 =	sadd.s32 $0x10000, s23;
	_ =	swait.ge [sflag:s16], $0x2000  }
0x2c: {  	s28 =	sshrl.u32 s24, $0x3;
	[sflag:s16] =	ssyncset.done $0x0  }
0x2d: {  	s28 =	sadd.s32 s4, s28;
	[sflag:s16] =	ssyncadd.s32 $0xFFFFE000  }
0x2e: {  	[hbm4b:s28+s17] =	stream.strided.scatter [tilespmem:s14], [sflag:$0x3], $0x2000, s11, s17, $0x38;
	[tilespmem:$0x5900] =	vst v63  }
0x2f: {  	_ =	swait.ge [sflag:s18], $0x2000  }
0x30: {  	[sflag:s18] =	ssyncset.done $0x0  }
0x31: {  	s28 =	sadd.s32 $0xFFFFFF80, s25;
	[sflag:s18] =	ssyncadd.s32 $0xFFFFE000  }
0x32: {  	[tilespmem:s14], [sflag:$0x1] =	stream.indirect.gather [hbm4b:s3+s11], $0x40, s28, s11, $0xb8;
	[tilespmem:$0x5900] =	vst v63  }
0x33: {  	_ =	swait.ge [sflag:s19], $0x2000  }
0x34: {  	[sflag:s19] =	ssyncset.done $0x0  }
.Ltmp0:
0x35: {  	s26 =	sadd.s32 s26, s10;
	[sflag:s19] =	ssyncadd.s32 $0xFFFFE000;
	(pc) =	sbr.rel @p0 .LBB2_2-.Ltmp0, $4  }
0x36: {  	[hbm4b:s26+s17] =	stream.strided.scatter [tilespmem:s15], [sflag:$0x4], $0x2000, s11, s17, $0x38;
	[tilespmem:$0x5900] =	vst v63  }
0x37: {  	_ =	swait.ge [sflag:s20], $0x2000  }
0x38: {  	[sflag:s20] =	ssyncset.done $0x0  }
0x39: {  	s24 =	sadd.s32 $0x80000, s24;
	s25 =	sadd.s32 $0x100, s25;
	[sflag:s20] =	ssyncadd.s32 $0xFFFFE000  }
0x3a: {  	[tilespmem:s15], [sflag:$0x2] =	stream.indirect.gather [hbm4b:s3+s11], $0x40, s22, s11, $0xb8;
	[tilespmem:$0x5900] =	vst v63  }
0x3b: {  	_ =	swait.ge [sflag:s16], $0x2000  }
0x3c: {  	[sflag:s16] =	ssyncset.done $0x0  }
0x3d: {  	[sflag:s16] =	ssyncadd.s32 $0xFFFFE000  }
0x3e: {  	[hbm4b:s8+s17] =	stream.strided.scatter [tilespmem:s14], [sflag:$0x3], $0x2000, s11, s17, $0x38;
	[tilespmem:$0x5900] =	vst v63  }
0x3f: {  	_ =	swait.ge [sflag:s19], $0x2000  }
0x40: {  	[sflag:s19] =	ssyncset.done $0x0  }
0x41: {  	s21 =	sadd.s32 $0x1, s21;
	[sflag:s19] =	ssyncadd.s32 $0xFFFFE000  }
0x42: {  	[hbm4b:s9+s17] =	stream.strided.scatter [tilespmem:s15], [sflag:$0x4], $0x2000, s11, s17, $0x38;
	[tilespmem:$0x5900] =	vst v63  }
0x43: {  	p0 =	sne.s32 s21, s6;
	_ =	swait.ge [sflag:s18], $0x2000  }
.Ltmp1:
0x44: {  	[sflag:s18] =	ssyncset.done $0x0;
	(pc) =	sbr.rel @p0 .LBB2_1-.Ltmp1, $4  }
0x45: {  	[sflag:s18] =	ssyncadd.s32 $0xFFFFE000  }
0x46: {  	_ =	swait.ge [sflag:s20], $0x2000  }
0x47: {  	[sflag:s20] =	ssyncset.done $0x0  }
0x48: {  	[sflag:s20] =	ssyncadd.s32 $0xFFFFE000  }
0x49: {  	_ =	sfence.sel $0x180000  }
0x4a: {  	[bflag:$0x0] =	sbarrier.arrive $0xFFFF  }
0x4b: {  	p0 =	sne.s32 s1, $0x0;
	_ =	strace $0x9000004D  }
0x4c: {  	s0 =	sadd.s32 @!p0 $0x100000, s0;
	[bflag:$0x2] =	sbarrier.arrive $0xFFFF  }
0x4d: {  	[sflag:s0] =	ssyncadd.tile.s32 @!p0 $0x1;
	_ =	shalt  }
.Lfunc_end2:
_tile_overlayer_lowered:
.L_overlay_start_2:
0x4e: {  	(tag) =	ssettag $0x2  }
0x4f: {  	s0 =	rddreg [dreg:$0x0];
	s2 =	stileid.u32  }
0x50: {  	s1 =	rddreg [dreg:$0x1];
	p0 =	sne.s32 s2, $0x0  }
0x51: {  	s3 =	rddreg [dreg:$0x2];
	[bflag:$0x3] =	sbarrier.arrive $0xFFFF;
	s2 =	simm.s32 @!p0 $0x1C05  }
0x52: {  	[timem:s3], [sflag:s2] =	dma.local @!p0 [hbm:s0], s1  }
0x53: {  	s0 =	simm.s32 @!p0 $0x5  }
0x54: {  	_ =	swait.ge @!p0 [sflag:s0], s1  }
0x55: {  	s1 =	ssub.s32 @!p0 $0x0, s1;
	[sflag:s0] =	ssyncset.done @!p0 $0x0  }
0x56: {  	[sflag:s0] =	ssyncadd.s32 @!p0 s1  }
0x57: {  	[bflag:$0x3] =	sbarrier.arrive $0xFFFF  }
0x58: {  	_ =	shalt  }

// kernel: sparse-core-data-format-call.cloned.1.call-start
scs
called_computation_lowered:
.L_overlay_start_0:
0x0: {  	s2 =	sld [smem:$0x3FD9]  }
0x1: {  	s3 =	sld [smem:$0x3FFE];
	_ =	sdelay $0x1  }
0x2: {  	s1 =	srdreg.scid  }
0x3: {  	s0 =	sand.u32 $0x1, s1  }
0x4: {  	s18 =	sshll.u32 s0, $0xA;
	s2 =	sadd.s32 s3, s2  }
0x5: {  	s2 =	sadd.s32 s2, s18  }
0x6: {  	[smem:$0x3FC6] =	sst s2  }
0x7: {  	_ = 	snop  }
0x8: {  	s2 =	sld [smem:$0x3FC8];
	(tm) =	ssettm $0x1  }
0x9: {  	s19 =	sld [smem:$0x3FFB];
	_ =	sdelay $0x3  }
0xa: {  	_ =	strace s19  }
0xb: {  	s3 =	sld [smem:$0x3FFC];
	_ =	sdelay $0x3  }
0xc: {  	_ =	strace s3  }
0xd: {  	s3 =	sld [smem:$0x3FFD];
	_ =	sdelay $0x3  }
0xe: {  	_ =	strace s3  }
0xf: {  	_ =	strace $0x8FFFFFFF  }
0x10: {  	s20 =	sld [smem:$0x3FDB];
	_ =	sdelay $0x1  }
0x11: {  	s4 =	simm.s32 $_scs_section_size  }
0x12: {  	s5 =	simm.s32 $_size__tile_overlayer_lowered;
	s6 =	simm.s32 $_tile_overlayer_lowered  }
0x13: {  	s23 =	simm.s32 $0x1BFF;
	s22 =	sshll.u32 s6, $0x1;
	s3 =	sadd.s32 s4, s20  }
0x14: {  	s7 =	simm.s32 $0x0;
	s21 =	sshll.u32 s5, $0x1;
	s5 =	sadd.s32 s22, s3  }
0x15: {  	[timem:s7], [sflag:s23] =	dma.local [hbm:s5], s21  }
0x16: {  	_ =	swait.ge [sflag:s23], s21  }
0x17: {  	s4 =	ssub.s32 $0x0, s21;
	[sflag:s23] =	ssyncset.done $0x0  }
0x18: {  	[sflag:s23] =	ssyncadd.s32 s4;
	_ =	sdelay $0x1  }
0x19: {  	s24 =	simm.s32 $0x1B8B  }
0x1a: {  	_ =	swait.ge [sflag:s24], $0x1  }
0x1b: {  	[sflag:s24] =	ssyncset.done $0x0  }
0x1c: {  	s26 =	simm.s32 $0x1B8E;
	s25 =	sld [smem:$0x3FFE];
	[sflag:s24] =	ssyncadd.s32 $0xFFFFFFFF  }
0x1d: {  	s27 =	simm.s32 $execute0_lowered;
	[smem:$0x3FD2] =	sst s26  }
0x1e: {  	s5 =	sshll.u32 s27, $0x1;
	_ =	strace $0x80000046;
	[dreg:$0x1] =	wrdreg $0xFFFFFFFF  }
0x1f: {  	s28 =	simm.s32 $_size_execute0_lowered;
	s3 =	sadd.s32 s3, s5;
	[dreg:$0x0] =	wrdreg $0x0  }
0x20: {  	s5 =	sshll.u32 s28, $0x1;
	[dreg:$0x2] =	wrdreg s3  }
0x21: {  	[dreg:$0x3] =	wrdreg s5  }
0x22: {  	[dreg:$0x4] =	wrdreg $0xC0  }
0x23: {  	_ =	task [dreg:s7], $0x5FFFF  }
0x24: {  	[dreg:$0x1] =	wrdreg $0xFFFFFFFF  }
0x25: {  	[dreg:$0x0] =	wrdreg $0x60  }
0x26: {  	[dreg:$0x2] =	wrdreg s2  }
0x27: {  	[dreg:$0x3] =	wrdreg s25  }
0x28: {  	[dreg:$0x4] =	wrdreg $0x9  }
0x29: {  	_ =	task.clear_ibuf [dreg:s7], $0x5FFFF;
	_ =	strace $0x90000046  }
0x2a: {  	s29 =	simm.s32 $0x9;
	_ =	strace $0x80000048  }
0x2b: {  	_ =	swait.ge [sflag:s29], $0x1  }
0x2c: {  	[sflag:s29] =	ssyncadd.s32 $0xFFFFFFFF  }
0x2d: {  	_ =	strace $0x90000048  }
0x2e: {  	_ =	sfence  }
0x2f: {  	s30 =	sld [smem:$0x0];
	_ =	sdelay $0x2  }
0x30: {  	s31 =	sshll.u32 s1, $0xD;
	s1 =	sshrl.u32 s1, $0x2  }
0x31: {  	s3 =	sand.u32 $0x4000, s31;
	s1 =	sadd.s32 s1, s30  }
0x32: {  	s0 =	sor.u32 s3, s0;
	s1 =	sshll.u32 s1, $0x11  }
0x33: {  	s0 =	sor.u32 s1, s0  }
0x34: {  	s0 =	sadd.s32 $0x8F2B, s0  }
0x35: {  	[sflag:s0] =	ssyncadd.remote.s32 $0x1  }
0x36: {  	_ =	sfence.sel $0xFFFF  }
0x37: {  	[dreg:$0x0] =	wrdreg $0xFFFFFFFF;
	(pc) =	sbr.abs _section_cstart, $3  }
0x38: {  	[dreg:$0x1] =	wrdreg $0xFFFFFFFF  }
0x39: {  	_ =	task.clear_ibuf [dreg:s7], $0x2FFFF;
	_ =	strace $0x9FFFFFFF  }
0x3a: {  	(tm) =	ssettm $0x7FFFFFFF  }
0x3b: {  	_ =	shalt  }
tec
execute0_lowered:
.L_overlay_start_1:
0x0: {  	(tag) =	ssettag $0x1  }
0x1: {  	s0 =	srdreg.scid;
	s2 =	rddreg [dreg:$0x0]  }
0x2: {  	s5 =	rddreg [dreg:$0x1];
	s1 =	stileid.u32  }
0x3: {  	s4 =	simm.s32 $0x1;
	s6 =	simm.s32 $0x2;
	s15 =	simm.s32 $0x0  }
0x4: {  	p0 =	por $0x0, $0x0;
	s8 =	simm.s32 $0x80;
	s0 =	sshll.u32 s0, $0x4  }
0x5: {  	s14 =	simm.s32 $0x0;
	s9 =	simm.s32 $0x0;
	s3 =	sand.u32 $0x10, s0  }
.Ltmp0:
0x6: {  	s10 =	simm.s32 $0x0;
	s3 =	sor.u32 s1, s3;
	(pc) =	sbr.rel .LBB1_1-.Ltmp0, $4  }
0x7: {  	s0 =	rddreg [dreg:$0x2];
	_ =	strace $0x80000047;
	s3 =	sshll.u32 s3, $0x7  }
0x8: {  	s12 =	simm.s32 $0x0;
	[sflag:s4] =	ssyncpa.u1 $0x0;
	s7 =	ssub.s32 $0xF4200, s3  }
0x9: {  	s13 =	simm.s32 $0x0;
	[sflag:s6] =	ssyncpa.u1 $0x0;
	s6 =	sshrl.u32 s7, $0xC  }
0xa: {  	s5 =	sadd.s32 $0x1600, s5;
	s11 =	smov.u32 s3;
	s7 =	sadd.s32 $0x2, s6  }
.LBB1_5:
0xb: {  	p1 =	slt.u32 s13, $0x2  }
0xc: {  	s17 =	smov.u32 s15;
	p2 =	sgt.s32 @!p1 s15, $0xF41C0;
	s16 =	sshra.s32 @!p1 s15, $0x1F  }
0xd: {  	p3 =	sgt.s32 @!p1 s14, $0x40;
	s18 =	sshra.s32 @!p1 s14, $0x1F;
	p2 =	por !p2, p1  }
0xe: {  	s15 =	sand.u32 @!p1 s16, s15;
	p3 =	por !p3, p1;
	s16 =	smov.u32 s14  }
0xf: {  	s14 =	sand.u32 @!p1 s18, s14;
	s17 =	simm.s32 @p2 $0xF41C0;
	s16 =	simm.s32 @p3 $0x40  }
0x10: {  	s15 =	ssub.s32 @!p1 s17, s15;
	s14 =	ssub.s32 @!p1 s16, s14  }
0x11: {  	s18 =	smov.u32 s12;
	s16 =	sadd.s32 @!p1 $0xFFF0BE40, s15;
	s17 =	sadd.s32 @!p1 $0xFFFFFFC0, s14  }
0x12: {  	s15 =	ssub.s32 @!p1 $0xF4240, s15;
	p2 =	sgt.s32 @!p1 s16, $0x7F;
	p3 =	sgt.s32 @!p1 s17, $0x3F  }
0x13: {  	s14 =	ssub.s32 @!p1 $0x80, s14;
	p2 =	por !p2, p1;
	p3 =	por !p3, p1  }
0x14: {  	s16 =	sadd.s32 $0x1000, s11;
	s15 =	simm.s32 @!p2 $0x0;
	s14 =	simm.s32 @!p3 $0x0  }
0x15: {  	p2 =	sgt.s32 s16, $0xF423F;
	s14 =	smul.u32 @!p1 s14, s15;
	s15 =	sadd.s32 $0x40, s12  }
0x16: {  	s18 =	smov.u32 @p2 s15  }
0x17: {  	s16 =	smov.u32 @p2 s3;
	p2 =	sgt.s32 s18, $0x3F  }
0x18: {  	s18 =	simm.s32 @p2 $0x0;
	p2 =	sne.s32 s13, s7  }
.Ltmp1:
0x19: {  	p0 =	por !p0, !p0;
	s17 =	simm.s32 @!p1 $0x2;
	(pc) =	sbr.rel @!p2 .LBB1_6-.Ltmp1, $4  }
0x1a: {  	s15 =	smov.u32 s9;
	s9 =	smov.u32 s11;
	s14 =	sand.u32 @!p1 $0x3FFFFFFF, s14  }
0x1b: {  	s11 =	smov.u32 s16;
	_ =	swait.ge @!p1 [sflag:s17], s14;
	s19 =	ssub.s32 @!p1 $0x0, s14  }
0x1c: {  	s14 =	smov.u32 s10;
	s13 =	sadd.s32 $0x1, s13;
	[sflag:s17] =	ssyncset.done @!p1 $0x0  }
0x1d: {  	s10 =	smov.u32 s12;
	s12 =	smov.u32 s18;
	[sflag:s17] =	ssyncadd.s32 @!p1 s19  }
.LBB1_1:
0x1e: {  	p1 =	sgt.u32 s13, s6  }
0x1f: {  	s16 =	sshrl.u32 @!p1 s12, $0x3  }
0x20: {  	s17 =	sshll.u32 @!p1 s11, $0x3;
	s16 =	smul.u32 @!p1 $0x7A1400, s16  }
0x21: {  	s18 =	sshll.u32 @!p1 s12, $0x7;
	s17 =	sand.u32 @!p1 $0xFFFFFC00, s17  }
0x22: {  	s16 =	sadd.s32 @!p1 s16, s17;
	s17 =	sand.u32 @!p1 $0x380, s18  }
0x23: {  	s18 =	sand.u32 @!p1 $0x7F, s11;
	s16 =	sor.u32 @!p1 s17, s16  }
0x24: {  	s17 =	sor.u32 @!p1 s18, s16  }
0x25: {  	s18 =	smulhi.u32 @!p1 $0x218D6287, s17;
	_ =	sdelay $0x1  }
0x26: {  	s16 =	smulhi.u32 @!p1 $0x218D6287, s16;
	s18 =	sshrl.u32 @!p1 s18, $0x11  }
0x27: {  	s18 =	smul.u32 @!p1 $0xF4280, s18  }
0x28: {  	s19 =	sxor.u32 @!p1 $0xFFFFFFFF, s13;
	s16 =	sshrl.u32 @!p1 s16, $0x11  }
0x29: {  	s19 =	sshll.u32 @!p1 s19, $0xD;
	s16 =	sand.u32 @!p1 $0x3F, s16;
	s17 =	ssub.s32 @!p1 s17, s18  }
0x2a: {  	s16 =	smul.u32 @!p1 $0x1E850, s16;
	s18 =	sshrl.u32 @!p1 s17, $0x3;
	s17 =	sand.u32 @!p1 $0x7, s17  }
0x2b: {  	s19 =	sand.u32 @!p1 $0x2000, s19;
	s18 =	sadd.s32 @!p1 s2, s18;
	s17 =	sshll.u32 @!p1 s17, $0x12  }
0x2c: {  	s16 =	sadd.s32 @!p1 s16, s18;
	s17 =	sor.u32 @!p1 $0x400, s17;
	s18 =	simm.s32 @!p1 $0x7A1400  }
0x2d: {  	[tilespmem:s19], [sflag:$0x1] =	stream.strided.gather @!p1 [hbm4b:s16+s17], $0x2000, s18, s17, $0x38;
	[tilespmem:$0x8100] =	vst v63  }
0x2e: {  	p1 =	seq.s32 s13, $0x0  }
0x2f: {  	p2 =	sge.u32 @!p1 s13, s7  }
0x30: {  	p1 =	por p1, p2  }
.Ltmp2:
0x31: {  	_ = 	snop;
	(pc) =	sbr.rel @p1 .LBB1_5-.Ltmp2, $1  }
0x32: {  	_ =	sdelay $0x3  }
0x33: {  	s16 =	simm.s32 $0x1  }
0x34: {  	_ =	swait.ge [sflag:s4], $0x2000;
	s16 =	simm.s32 @!p0 $0x0  }
0x35: {  	[sflag:s4] =	ssyncset.done $0x0;
	s17 =	sshll.u32 s16, $0xD  }
0x36: {  	[sflag:s4] =	ssyncadd.s32 $0xFFFFE000;
	s17 =	sor.u32 $0x40, s17  }
0x37: {  	s16 =	smul.u32 $0x8200, s16;
	v0 =	vld [tilespmem:s17+$0x30]  }
0x38: {  	v1 =	vld [tilespmem:s17+$0xFFFFFFD0]  }
0x39: {  	s16 =	sshrl.u32 s16, $0x2;
	v5 =	vld [tilespmem:s17+$0xFFFFFFE0]  }
0x3a: {  	v6 =	vld [tilespmem:s17+$0xFFFFFFF0];
	s19 =	sor.u32 $0x4000, s16  }
0x3b: {  	s31 =	sand.u32 $0x1, s13;
	v4 =	vld [tilespmem:s17+$0x0];
	s18 =	sadd.s32 $0x0, s19  }
0x3c: {  	v3 =	vld [tilespmem:s17+$0x10];
	s16 =	smul.u32 $0x8200, s31;
	[tilespmem:s18+$0x1C70 ss:$0x41] =	vst.msk $0xffff, v0  }
0x3d: {  	v2 =	vld [tilespmem:s17+$0x20];
	[tilespmem:s18+$0x410 ss:$0x41] =	vst.msk $0xffff, v1  }
0x3e: {  	s16 =	sshrl.u32 s16, $0x2;
	v1 =	vld [tilespmem:s17+$0xFFFFFFC0];
	[tilespmem:s18+$0x820 ss:$0x41] =	vst.msk $0xffff, v5;
	s17 =	sadd.s32 $0x80, s17  }
0x3f: {  	s20 =	simm.s32 $0x4;
	s21 =	simm.s32 $0x8;
	s16 =	sor.u32 $0x4000, s16;
	[tilespmem:s18+$0xC30 ss:$0x41] =	vst.msk $0xffff, v6;
	v0 =	vld [tilespmem:s17+$0x30]  }
.LBB1_3:
0x40: {  	p1 =	sne.s32 s21, $0xFC;
	v5 =	vld [tilespmem:s17+$0xFFFFFFD0];
	[tilespmem:s18+$0x1040 ss:$0x41] =	vst.msk $0xffff, v4  }
0x41: {  	v6 =	vld [tilespmem:s17+$0xFFFFFFE0];
	[tilespmem:s18+$0x1450 ss:$0x41] =	vst.msk $0xffff, v3  }
0x42: {  	s22 =	sshra.s32 s20, $0x2;
	s20 =	smov.u32 s21;
	v7 =	vld [tilespmem:s17+$0xFFFFFFF0];
	[tilespmem:s18+$0x1860 ss:$0x41] =	vst.msk $0xffff, v2  }
.Ltmp3:
0x43: {  	v4 =	vld [tilespmem:s17+$0x0];
	[tilespmem:s18+$0x0 ss:$0x41] =	vst.msk $0xffff, v1;
	s18 =	sadd.s32 s22, s19;
	(pc) =	sbr.rel @p1 .LBB1_3-.Ltmp3, $4  }
0x44: {  	v3 =	vld [tilespmem:s17+$0x10];
	[tilespmem:s18+$0x1C70 ss:$0x41] =	vst.msk $0xffff, v0  }
0x45: {  	[tilespmem:s18+$0x410 ss:$0x41] =	vst.msk $0xffff, v5;
	v2 =	vld [tilespmem:s17+$0x20]  }
0x46: {  	v1 =	vld [tilespmem:s17+$0xFFFFFFC0];
	[tilespmem:s18+$0x820 ss:$0x41] =	vst.msk $0xffff, v6;
	s17 =	sadd.s32 $0x80, s17  }
0x47: {  	s21 =	sadd.s32 $0x4, s21;
	v0 =	vld [tilespmem:s17+$0x30];
	[tilespmem:s18+$0xC30 ss:$0x41] =	vst.msk $0xffff, v7  }
0x48: {  	s21 =	sshll.u32 s9, $0x7;
	s22 =	sshll.u32 s10, $0x3;
	s20 =	sshra.s32 s20, $0x2  }
0x49: {  	p1 =	sgt.s32 s9, $0xF41C0;
	s30 =	sshra.s32 s9, $0x1F;
	s25 =	sshra.s32 s10, $0x1F  }
0x4a: {  	v5 =	vld [tilespmem:s17+$0xFFFFFFD0];
	s28 =	sshrl.u32 s10, $0x3;
	s23 =	sand.u32 $0xFFFFFC00, s21;
	s22 =	sand.u32 $0xFFFFFC00, s22  }
0x4b: {  	[tilespmem:s18+$0x1040 ss:$0x41] =	vst.msk $0xffff, v4;
	v58 =	vld [tilespmem:s17+$0xFFFFFFE0];
	s21 =	sand.u32 $0x380, s21;
	s19 =	sadd.s32 s20, s19;
	s22 =	sadd.s32 s22, s23  }
0x4c: {  	v59 =	vld [tilespmem:s17+$0xFFFFFFF0];
	[tilespmem:s18+$0x1450 ss:$0x41] =	vst.msk $0xffff, v3;
	s29 =	sor.u32 s21, s22;
	s21 =	smov.u32 s9;
	s22 =	sand.u32 s30, s9  }
0x4d: {  	v60 =	vld [tilespmem:s17+$0x0];
	[tilespmem:s18+$0x1860 ss:$0x41] =	vst.msk $0xffff, v2;
	s30 =	sand.u32 $0x7, s10;
	s20 =	sshrl.u32 s29, $0x7;
	s21 =	simm.s32 @!p1 $0xF41C0  }
0x4e: {  	v61 =	vld [tilespmem:s17+$0x10];
	[tilespmem:s18+$0x0 ss:$0x41] =	vst.msk $0xffff, v1;
	p1 =	sgt.s32 s10, $0x40;
	s24 =	ssub.s32 s21, s22;
	s21 =	smov.u32 s10  }
0x4f: {  	v62 =	vld [tilespmem:s17+$0x20];
	[tilespmem:s19+$0x1C70 ss:$0x41] =	vst.msk $0xffff, v0;
	s31 =	smulhi.u32 $0x218DEF5, s20;
	s22 =	sand.u32 s25, s10;
	s21 =	simm.s32 @!p1 $0x40  }
0x50: {  	v63 =	vld [tilespmem:s17+$0xFFFFFFC0];
	[tilespmem:s19+$0x410 ss:$0x41] =	vst.msk $0xffff, v5;
	s26 =	sadd.s32 $0xFFF0BE40, s24;
	s17 =	ssub.s32 $0xF4240, s24;
	s21 =	ssub.s32 s21, s22  }
0x51: {  	[tilespmem:s19+$0x820 ss:$0x41] =	vst.msk $0xffff, v58;
	s23 =	sshrl.u32 s31, $0xD;
	p1 =	sgt.s32 s26, $0x7F;
	s27 =	sadd.s32 $0xFFFFFFC0, s21  }
0x52: {  	[tilespmem:s19+$0xC30 ss:$0x41] =	vst.msk $0xffff, v59;
	s23 =	smul.u32 $0xF4240, s23;
	s18 =	ssub.s32 $0x80, s21;
	p2 =	sgt.s32 s27, $0x3F  }
.Ltmp4:
0x53: {  	[tilespmem:s19+$0x1040 ss:$0x41] =	vst.msk $0xffff, v60;
	s17 =	simm.s32 @p1 $0x0;
	s18 =	simm.s32 @p2 $0x0;
	(pc) =	sbr.rel .LBB1_5-.Ltmp4, $4  }
0x54: {  	s29 =	sand.u32 $0xF, s28;
	[tilespmem:s19+$0x1450 ss:$0x41] =	vst.msk $0xffff, v61;
	s20 =	ssub.s32 s20, s23;
	s17 =	smul.u32 s18, s17  }
0x55: {  	[tilespmem:s19+$0x1860 ss:$0x41] =	vst.msk $0xffff, v62;
	s21 =	sshll.u32 s30, $0x12;
	s20 =	sshll.u32 s20, $0x4;
	s18 =	sadd.s32 s5, s29  }
0x56: {  	[tilespmem:s19+$0x0 ss:$0x41] =	vst.msk $0xffff, v63;
	s31 =	sor.u32 $0x40, s21;
	s18 =	sadd.s32 s20, s18;
	s17 =	sand.u32 $0x3FFFFFFF, s17  }
0x57: {  	[hbm4b:s18+s31] =	stream.strided.scatter [tilespmem:s16], [sflag:$0x2], s17, s8, s31, $0x18;
	[tilespmem:$0x8100] =	vst v63  }
.LBB1_6:
0x58: {  	_ =	sfence.sel $0x180000  }
0x59: {  	s2 =	simm.s32 $0x1;
	[bflag:$0x0] =	sbarrier.arrive $0xFFFF  }
0x5a: {  	s31 =	simm.s32 $0x2;
	[sflag:s2] =	ssyncpa.u1 $0x1  }
0x5b: {  	[sflag:s31] =	ssyncpa.u1 $0x1  }
0x5c: {  	p0 =	sne.s32 s1, $0x0;
	_ =	strace $0x90000047  }
0x5d: {  	s0 =	sadd.s32 @!p0 $0x100000, s0;
	[bflag:$0x2] =	sbarrier.arrive $0xFFFF  }
0x5e: {  	[sflag:s0] =	ssyncadd.tile.s32 @!p0 $0x1;
	_ =	shalt  }
.Lfunc_end1:
_tile_overlayer_lowered:
.L_overlay_start_2:
0x5f: {  	(tag) =	ssettag $0x2  }
0x60: {  	s0 =	rddreg [dreg:$0x0];
	s2 =	stileid.u32  }
0x61: {  	s1 =	rddreg [dreg:$0x1];
	p0 =	sne.s32 s2, $0x0  }
0x62: {  	s3 =	rddreg [dreg:$0x2];
	[bflag:$0x3] =	sbarrier.arrive $0xFFFF;
	s2 =	simm.s32 @!p0 $0x1C01  }
0x63: {  	[timem:s3], [sflag:s2] =	dma.local @!p0 [hbm:s0], s1  }
0x64: {  	s0 =	simm.s32 @!p0 $0x1  }
0x65: {  	_ =	swait.ge @!p0 [sflag:s0], s1  }
0x66: {  	s1 =	ssub.s32 @!p0 $0x0, s1;
	[sflag:s0] =	ssyncset.done @!p0 $0x0  }
0x67: {  	[sflag:s0] =	ssyncadd.s32 @!p0 s1  }
0x68: {  	[bflag:$0x3] =	sbarrier.arrive $0xFFFF  }
0x69: {  	_ =	shalt  }

</sc_bundles>
